<compile_context>
chip_gen: v7x
topology: tpu7x:2x2x1
jax: 0.10.2.dev20260603
libtpu: 0.0.44.dev20260713+nightly
codegen_flags: <defaults>
</compile_context>

<pallas_src>
import functools
import jax
import jax.numpy as jnp
from jax import lax
from jax.experimental import pallas as pl
from jax.experimental.pallas import tpu as pltpu
from jax.experimental.pallas import tpu_sc as plsc

N = 320000
K = 10000
KP = 10240
F32 = jnp.float32

_BI = 2000
_NBI = N // _BI


def _inv_body(coors_ref, fc_ref, inv_ref, S1_ref, M1_ref, carry):
    i = pl.program_id(0)
    blk = coors_ref[0]

    @pl.when(i == 0)
    def _():
        carry[0] = blk[0, 0]
        carry[1] = 0
        S1_ref[...] = jnp.zeros_like(S1_ref)
        M1_ref[...] = jnp.zeros_like(M1_ref)

    prev = carry[0]
    shifted = jnp.roll(blk, 1, axis=1)
    col = lax.broadcasted_iota(jnp.int32, blk.shape, 1)
    shifted = jnp.where(col == 0, prev, shifted)
    flags = (blk != shifted).astype(jnp.int32)
    x = flags
    sh = 1
    while sh < _BI:
        x = x + jnp.where(col >= sh, jnp.roll(x, sh, axis=1), 0)
        sh *= 2
    inv_ref[0] = carry[1] + x
    carry[1] = carry[1] + jnp.sum(flags)
    carry[0] = blk[0, _BI - 1]
    fc = fc_ref[...]
    S1_ref[...] += jnp.sum(fc, axis=0, keepdims=True)
    M1_ref[...] += lax.dot_general(fc, fc, (((0,), (0,)), ((), ())),
                                   preferred_element_type=F32, precision=lax.Precision.HIGHEST)


def _compute_inv(coors_i32, fc):
    c3 = coors_i32.reshape(_NBI, 1, _BI)
    inv, S1, M1 = pl.pallas_call(
        _inv_body,
        grid=(_NBI,),
        in_specs=[pl.BlockSpec((1, 1, _BI), lambda i: (i, 0, 0)),
                  pl.BlockSpec((_BI, 3), lambda i: (i, 0))],
        out_specs=[pl.BlockSpec((1, 1, _BI), lambda i: (i, 0, 0)),
                   pl.BlockSpec((1, 3), lambda i: (0, 0)),
                   pl.BlockSpec((3, 3), lambda i: (0, 0))],
        out_shape=[jax.ShapeDtypeStruct((_NBI, 1, _BI), jnp.int32),
                   jax.ShapeDtypeStruct((1, 3), F32),
                   jax.ShapeDtypeStruct((3, 3), F32)],
        scratch_shapes=[pltpu.SMEM((2,), jnp.int32)],
    )(c3, fc)
    return inv.reshape(N), S1, M1




def _bn_affine(S, M, W, g, b):
    mu = jnp.dot(S, W, preferred_element_type=F32, precision=lax.Precision.HIGHEST) / N
    ex2 = jnp.sum(W * jnp.dot(M, W, preferred_element_type=F32, precision=lax.Precision.HIGHEST), axis=0, keepdims=True) / N
    var = ex2 - mu * mu
    a = g / jnp.sqrt(var + 1e-5)
    c = b - mu * a
    return a, c



_BA = 4000
_NBA = N // _BA


def _kB_body(fc_ref, S1_ref, M1_ref, Wr0_ref, g0_ref, b0_ref, S2_ref, M2_ref):
    i = pl.program_id(0)

    @pl.when(i == 0)
    def _():
        S2_ref[...] = jnp.zeros_like(S2_ref)
        M2_ref[...] = jnp.zeros_like(M2_ref)

    Wr0 = Wr0_ref[...]
    a0, c0 = _bn_affine(S1_ref[...], M1_ref[...], Wr0, g0_ref[...], b0_ref[...])
    fc = fc_ref[...]
    h = jnp.maximum(jnp.dot(fc, Wr0, preferred_element_type=F32) * a0 + c0, 0.0)
    S2_ref[...] += jnp.sum(h, axis=0, keepdims=True)
    M2_ref[...] += lax.dot_general(h, h, (((0,), (0,)), ((), ())),
                                   preferred_element_type=F32, precision=lax.Precision.HIGHEST)


def _run_kB(fc, S1, M1, Wr0, g0, b0):
    return pl.pallas_call(
        _kB_body,
        grid=(_NBA,),
        in_specs=[pl.BlockSpec((_BA, 3), lambda i: (i, 0)),
                  pl.BlockSpec((1, 3), lambda i: (0, 0)),
                  pl.BlockSpec((3, 3), lambda i: (0, 0)),
                  pl.BlockSpec((3, 16), lambda i: (0, 0)),
                  pl.BlockSpec((1, 16), lambda i: (0, 0)),
                  pl.BlockSpec((1, 16), lambda i: (0, 0))],
        out_specs=[pl.BlockSpec((1, 16), lambda i: (0, 0)),
                   pl.BlockSpec((16, 16), lambda i: (0, 0))],
        out_shape=[jax.ShapeDtypeStruct((1, 16), F32),
                   jax.ShapeDtypeStruct((16, 16), F32)],
    )(fc, S1, M1, Wr0, g0, b0)




def _kC_body(fc_ref, f0_ref, S1_ref, M1_ref, Wr0_ref, g0_ref, b0_ref,
             S2_ref, M2_ref, Wr1_ref, g1_ref, b1_ref, S3_ref, M3_ref):
    i = pl.program_id(0)

    @pl.when(i == 0)
    def _():
        S3_ref[...] = jnp.zeros_like(S3_ref)
        M3_ref[...] = jnp.zeros_like(M3_ref)

    Wr0 = Wr0_ref[...]
    Wr1 = Wr1_ref[...]
    a0, c0 = _bn_affine(S1_ref[...], M1_ref[...], Wr0, g0_ref[...], b0_ref[...])
    a1, c1 = _bn_affine(S2_ref[...], M2_ref[...], Wr1, g1_ref[...], b1_ref[...])
    fc = fc_ref[...]
    h = jnp.maximum(jnp.dot(fc, Wr0, preferred_element_type=F32) * a0 + c0, 0.0)
    rel = jnp.maximum(jnp.dot(h, Wr1, preferred_element_type=F32) * a1 + c1, 0.0)
    feats = f0_ref[...] * rel
    S3_ref[...] += jnp.sum(feats, axis=0, keepdims=True)
    M3_ref[...] += lax.dot_general(feats, feats, (((0,), (0,)), ((), ())),
                                   preferred_element_type=F32, precision=lax.Precision.HIGHEST)


def _run_kC(fc, f0, S1, M1, Wr0, g0, b0, S2, M2, Wr1, g1, b1):
    cmap = lambda i: (0, 0)
    return pl.pallas_call(
        _kC_body,
        grid=(_NBA,),
        in_specs=[pl.BlockSpec((_BA, 3), lambda i: (i, 0)),
                  pl.BlockSpec((_BA, 64), lambda i: (i, 0)),
                  pl.BlockSpec((1, 3), cmap), pl.BlockSpec((3, 3), cmap),
                  pl.BlockSpec((3, 16), cmap), pl.BlockSpec((1, 16), cmap),
                  pl.BlockSpec((1, 16), cmap), pl.BlockSpec((1, 16), cmap),
                  pl.BlockSpec((16, 16), cmap), pl.BlockSpec((16, 64), cmap),
                  pl.BlockSpec((1, 64), cmap), pl.BlockSpec((1, 64), cmap)],
        out_specs=[pl.BlockSpec((1, 64), cmap),
                   pl.BlockSpec((64, 64), cmap)],
        out_shape=[jax.ShapeDtypeStruct((1, 64), F32),
                   jax.ShapeDtypeStruct((64, 64), F32)],
    )(fc, f0, S1, M1, Wr0, g0, b0, S2, M2, Wr1, g1, b1)


_BD = 2000
_NBD = N // _BD


def _kD_body(fc_ref, f0_ref, S1_ref, M1_ref, Wr0_ref, g0_ref, b0_ref,
             S2_ref, M2_ref, Wr1_ref, g1_ref, b1_ref,
             S3_ref, M3_ref, Wv0_ref, g2_ref, b2_ref,
             pf0_ref, Spf_ref, Mpf_ref, aff_scr):
    i = pl.program_id(0)

    @pl.when(i == 0)
    def _():
        Spf_ref[...] = jnp.zeros_like(Spf_ref)
        Mpf_ref[...] = jnp.zeros_like(Mpf_ref)
        a2, c2 = _bn_affine(S3_ref[...], M3_ref[...], Wv0_ref[...],
                            g2_ref[...], b2_ref[...])
        aff_scr[0:1, :] = a2
        aff_scr[1:2, :] = c2

    Wr0 = Wr0_ref[...]
    Wr1 = Wr1_ref[...]
    a0, c0 = _bn_affine(S1_ref[...], M1_ref[...], Wr0, g0_ref[...], b0_ref[...])
    a1, c1 = _bn_affine(S2_ref[...], M2_ref[...], Wr1, g1_ref[...], b1_ref[...])
    fc = fc_ref[...]
    h = jnp.maximum(jnp.dot(fc, Wr0, preferred_element_type=F32) * a0 + c0, 0.0)
    rel = jnp.maximum(jnp.dot(h, Wr1, preferred_element_type=F32) * a1 + c1, 0.0)
    feats = f0_ref[...] * rel
    t2 = jnp.dot(feats, Wv0_ref[...], preferred_element_type=F32)
    pf0 = jnp.maximum(t2 * aff_scr[0:1, :] + aff_scr[1:2, :], 0.0)
    pf0_ref[...] = pf0
    Spf_ref[...] += jnp.sum(pf0, axis=0, keepdims=True)
    Mpf_ref[...] += lax.dot_general(pf0, pf0, (((0,), (0,)), ((), ())),
                                    preferred_element_type=F32, precision=lax.Precision.HIGHEST)


def _run_kD(fc, f0, S1, M1, Wr0, g0, b0, S2, M2, Wr1, g1, b1, S3, M3, Wv0, g2, b2):
    cmap = lambda i: (0, 0)
    return pl.pallas_call(
        _kD_body,
        grid=(_NBD,),
        in_specs=[pl.BlockSpec((_BD, 3), lambda i: (i, 0)),
                  pl.BlockSpec((_BD, 64), lambda i: (i, 0)),
                  pl.BlockSpec((1, 3), cmap), pl.BlockSpec((3, 3), cmap),
                  pl.BlockSpec((3, 16), cmap), pl.BlockSpec((1, 16), cmap),
                  pl.BlockSpec((1, 16), cmap), pl.BlockSpec((1, 16), cmap),
                  pl.BlockSpec((16, 16), cmap), pl.BlockSpec((16, 64), cmap),
                  pl.BlockSpec((1, 64), cmap), pl.BlockSpec((1, 64), cmap),
                  pl.BlockSpec((1, 64), cmap), pl.BlockSpec((64, 64), cmap),
                  pl.BlockSpec((64, 128), cmap), pl.BlockSpec((1, 128), cmap),
                  pl.BlockSpec((1, 128), cmap)],
        out_specs=[pl.BlockSpec((_BD, 128), lambda i: (i, 0)),
                   pl.BlockSpec((1, 128), cmap),
                   pl.BlockSpec((128, 128), cmap)],
        out_shape=[jax.ShapeDtypeStruct((N, 128), F32),
                   jax.ShapeDtypeStruct((1, 128), F32),
                   jax.ShapeDtypeStruct((128, 128), F32)],
        scratch_shapes=[pltpu.VMEM((2, 128), F32)],
    )(fc, f0, S1, M1, Wr0, g0, b0, S2, M2, Wr1, g1, b1, S3, M3, Wv0, g2, b2)


_RW = N // 32
_CH = 80
_NCH = _RW // _CH
_ZR = KP // 16


def _sc_sums_body(pf_hbm, inv_hbm, zer128, sums_hbm, idx_a, idx_b,
                  rows_a, rows_b, sem_a, sem_b, accum):
    cid = lax.axis_index("c")
    sid = lax.axis_index("s")
    wid = sid * 2 + cid
    base0 = wid * _RW

    pltpu.sync_copy(zer128, accum.at[pl.ds(sid * _ZR, _ZR)])
    plsc.subcore_barrier()

    def pair(p, carry):
        ba = base0 + (2 * p) * _CH
        bb = base0 + (2 * p + 1) * _CH
        la = pltpu.async_copy(pf_hbm.at[pl.ds(ba, _CH)], rows_a, sem_a)
        pltpu.sync_copy(inv_hbm.at[pl.ds(ba, _CH)], idx_a)
        lb = pltpu.async_copy(pf_hbm.at[pl.ds(bb, _CH)], rows_b, sem_b)
        pltpu.sync_copy(inv_hbm.at[pl.ds(bb, _CH)], idx_b)
        la.wait()
        pltpu.sync_copy(rows_a, accum.at[idx_a], add=True)
        lb.wait()
        pltpu.sync_copy(rows_b, accum.at[idx_b], add=True)
        return carry

    lax.fori_loop(0, _NCH // 2, pair, 0)
    bt = base0 + (_NCH - 1) * _CH
    pltpu.sync_copy(inv_hbm.at[pl.ds(bt, _CH)], idx_a)
    pltpu.sync_copy(pf_hbm.at[pl.ds(bt, _CH)], rows_a)
    pltpu.sync_copy(rows_a, accum.at[idx_a], add=True)
    plsc.subcore_barrier()

    pltpu.sync_copy(accum.at[pl.ds(sid * _ZR, _ZR)],
                    sums_hbm.at[pl.ds(cid * KP + sid * _ZR, _ZR)])


def _seg_sums_sc(pf, inv_i32):
    mesh = plsc.VectorSubcoreMesh(core_axis_name="c", subcore_axis_name="s")
    run = pl.kernel(
        _sc_sums_body,
        mesh=mesh,
        out_type=[jax.ShapeDtypeStruct((2 * KP, 128), F32)],
        scratch_types=[pltpu.VMEM((_CH,), jnp.int32),
                       pltpu.VMEM((_CH,), jnp.int32),
                       pltpu.VMEM((_CH, 128), F32),
                       pltpu.VMEM((_CH, 128), F32),
                       pltpu.SemaphoreType.DMA,
                       pltpu.SemaphoreType.DMA,
                       pltpu.VMEM_SHARED((KP, 128), F32)],
    )
    (sums,) = run(pf, inv_i32, jnp.zeros((_ZR, 128), F32))
    return sums


def _sc_counts_body(inv_hbm, zer128, ones128, counts_hbm, idx_a, idx_b,
                    ones_v, accum):
    cid = lax.axis_index("c")
    sid = lax.axis_index("s")
    wid = sid * 2 + cid
    base0 = wid * _RW

    pltpu.sync_copy(zer128, accum.at[pl.ds(sid * _ZR, _ZR)])
    pltpu.sync_copy(ones128, ones_v)
    plsc.subcore_barrier()

    def pair(p, carry):
        ba = base0 + (2 * p) * _CH
        bb = base0 + (2 * p + 1) * _CH
        pltpu.sync_copy(inv_hbm.at[pl.ds(ba, _CH)], idx_a)
        pltpu.sync_copy(inv_hbm.at[pl.ds(bb, _CH)], idx_b)
        pltpu.sync_copy(ones_v, accum.at[idx_a], add=True)
        pltpu.sync_copy(ones_v, accum.at[idx_b], add=True)
        return carry

    lax.fori_loop(0, _NCH // 2, pair, 0)
    bt = base0 + (_NCH - 1) * _CH
    pltpu.sync_copy(inv_hbm.at[pl.ds(bt, _CH)], idx_a)
    pltpu.sync_copy(ones_v, accum.at[idx_a], add=True)
    plsc.subcore_barrier()

    pltpu.sync_copy(accum.at[pl.ds(sid * _ZR, _ZR)],
                    counts_hbm.at[pl.ds(cid * KP + sid * _ZR, _ZR)])


def _sc_gather_body(u_hbm, inv_hbm, g_hbm, idx_a, idx_b, rows_a, rows_b,
                    sem_a, sem_b):
    cid = lax.axis_index("c")
    sid = lax.axis_index("s")
    wid = sid * 2 + cid
    base0 = wid * _RW

    def pair(p, carry):
        ba = base0 + (2 * p) * _CH
        bb = base0 + (2 * p + 1) * _CH
        pltpu.sync_copy(inv_hbm.at[pl.ds(ba, _CH)], idx_a)
        ga = pltpu.async_copy(u_hbm.at[idx_a], rows_a, sem_a)
        pltpu.sync_copy(inv_hbm.at[pl.ds(bb, _CH)], idx_b)
        gb = pltpu.async_copy(u_hbm.at[idx_b], rows_b, sem_b)
        ga.wait()
        pltpu.sync_copy(rows_a, g_hbm.at[pl.ds(ba, _CH)])
        gb.wait()
        pltpu.sync_copy(rows_b, g_hbm.at[pl.ds(bb, _CH)])
        return carry

    lax.fori_loop(0, _NCH // 2, pair, 0)
    bt = base0 + (_NCH - 1) * _CH
    pltpu.sync_copy(inv_hbm.at[pl.ds(bt, _CH)], idx_a)
    pltpu.async_copy(u_hbm.at[idx_a], rows_a, sem_a).wait()
    pltpu.sync_copy(rows_a, g_hbm.at[pl.ds(bt, _CH)])


def _gather_sc(u, inv_i32):
    mesh = plsc.VectorSubcoreMesh(core_axis_name="c", subcore_axis_name="s")
    run = pl.kernel(
        _sc_gather_body,
        mesh=mesh,
        out_type=[jax.ShapeDtypeStruct((N, 128), F32)],
        scratch_types=[pltpu.VMEM((_CH,), jnp.int32),
                       pltpu.VMEM((_CH,), jnp.int32),
                       pltpu.VMEM((_CH, 128), F32),
                       pltpu.VMEM((_CH, 128), F32),
                       pltpu.SemaphoreType.DMA,
                       pltpu.SemaphoreType.DMA],
    )
    (g,) = run(u, inv_i32)
    return g


def _seg_counts_sc(inv_i32):
    mesh = plsc.VectorSubcoreMesh(core_axis_name="c", subcore_axis_name="s")
    run = pl.kernel(
        _sc_counts_body,
        mesh=mesh,
        out_type=[jax.ShapeDtypeStruct((2 * KP, 128), F32)],
        scratch_types=[pltpu.VMEM((_CH,), jnp.int32),
                       pltpu.VMEM((_CH,), jnp.int32),
                       pltpu.VMEM((_CH, 128), F32),
                       pltpu.VMEM_SHARED((KP, 128), F32)],
    )
    (counts,) = run(inv_i32, jnp.zeros((_ZR, 128), F32),
                    jnp.ones((_CH, 128), F32))
    return counts


_BK = 512
_NBK = KP // _BK


def _kM_body(s0a_ref, s0b_ref, cta_ref, ctb_ref, Wb_ref, u_ref, C_ref):
    i = pl.program_id(0)

    @pl.when(i == 0)
    def _():
        C_ref[...] = jnp.zeros_like(C_ref)

    s0 = s0a_ref[...] + s0b_ref[...]
    cnt = (cta_ref[...] + ctb_ref[...])[:, 0:1]
    vf0 = jnp.where(cnt > 0, s0 / cnt, 0.0)
    u_ref[...] = jnp.dot(vf0, Wb_ref[...], preferred_element_type=F32)
    C_ref[...] += lax.dot_general(s0, vf0, (((0,), (0,)), ((), ())),
                                  preferred_element_type=F32, precision=lax.Precision.HIGHEST)


def _run_kM(sums, counts, Wb):
    cmap = lambda i: (0, 0)
    return pl.pallas_call(
        _kM_body,
        grid=(_NBK,),
        in_specs=[pl.BlockSpec((_BK, 128), lambda i: (i, 0)),
                  pl.BlockSpec((_BK, 128), lambda i: (i + _NBK, 0)),
                  pl.BlockSpec((_BK, 128), lambda i: (i, 0)),
                  pl.BlockSpec((_BK, 128), lambda i: (i + _NBK, 0)),
                  pl.BlockSpec((128, 128), cmap)],
        out_specs=[pl.BlockSpec((_BK, 128), lambda i: (i, 0)),
                   pl.BlockSpec((128, 128), cmap)],
        out_shape=[jax.ShapeDtypeStruct((KP, 128), F32),
                   jax.ShapeDtypeStruct((128, 128), F32)],
    )(sums, sums, counts, counts, Wb)


_BE = 512
_NBE = N // _BE


def _kE_body(pf0_ref, g_ref, Wa_ref, Wb_ref, C_ref, Mpf_ref,
             Spf_ref, g3_ref, b3_ref, pf1_ref, aff_scr):
    i = pl.program_id(0)

    @pl.when(i == 0)
    def _():
        Wa = Wa_ref[...]
        Wb = Wb_ref[...]
        C = C_ref[...]
        mu3 = jnp.dot(Spf_ref[...], Wa + Wb, preferred_element_type=F32, precision=lax.Precision.HIGHEST) / N
        d1 = jnp.sum(Wa * jnp.dot(Mpf_ref[...], Wa, preferred_element_type=F32, precision=lax.Precision.HIGHEST), axis=0, keepdims=True)
        d2 = jnp.sum(Wa * jnp.dot(C, Wb, preferred_element_type=F32, precision=lax.Precision.HIGHEST), axis=0, keepdims=True)
        d3 = jnp.sum(Wb * jnp.dot(C, Wb, preferred_element_type=F32, precision=lax.Precision.HIGHEST), axis=0, keepdims=True)
        var3 = (d1 + 2.0 * d2 + d3) / N - mu3 * mu3
        a3 = g3_ref[...] / jnp.sqrt(var3 + 1e-5)
        aff_scr[0:1, :] = a3
        aff_scr[1:2, :] = b3_ref[...] - mu3 * a3

    t3 = jnp.dot(pf0_ref[...], Wa_ref[...], preferred_element_type=F32) + g_ref[...]
    pf1_ref[...] = jnp.maximum(t3 * aff_scr[0:1, :] + aff_scr[1:2, :], 0.0)


def _run_kE(pf0, g, Wa, Wb, C, Mpf, Spf, g3, b3):
    cmap = lambda i: (0, 0)
    return pl.pallas_call(
        _kE_body,
        grid=(_NBE,),
        in_specs=[pl.BlockSpec((_BE, 128), lambda i: (i, 0)),
                  pl.BlockSpec((_BE, 128), lambda i: (i, 0)),
                  pl.BlockSpec((128, 128), cmap),
                  pl.BlockSpec((128, 128), cmap),
                  pl.BlockSpec((128, 128), cmap),
                  pl.BlockSpec((128, 128), cmap),
                  pl.BlockSpec((1, 128), cmap),
                  pl.BlockSpec((1, 128), cmap),
                  pl.BlockSpec((1, 128), cmap)],
        out_specs=pl.BlockSpec((_BE, 128), lambda i: (i, 0)),
        out_shape=jax.ShapeDtypeStruct((N, 128), F32),
        scratch_shapes=[pltpu.VMEM((2, 128), F32)],
    )(pf0, g, Wa, Wb, C, Mpf, Spf, g3, b3)




def _kF_body(s0a_ref, s0b_ref, s1a_ref, s1b_ref, cta_ref, ctb_ref,
             Wf0_ref, Wf1_ref, bf_ref, out_ref):
    cnt = (cta_ref[...] + ctb_ref[...])[:, 0:1]
    vf0 = (s0a_ref[...] + s0b_ref[...]) / cnt
    vf1 = (s1a_ref[...] + s1b_ref[...]) / cnt
    out_ref[...] = (jnp.dot(vf0, Wf0_ref[...], preferred_element_type=F32)
                    + jnp.dot(vf1, Wf1_ref[...], preferred_element_type=F32)
                    + bf_ref[...])


def _run_kF(sums0, sums1, counts, Wf0, Wf1, bf):
    cmap = lambda i: (0, 0)
    return pl.pallas_call(
        _kF_body,
        grid=(_NBK,),
        in_specs=[pl.BlockSpec((_BK, 128), lambda i: (i, 0)),
                  pl.BlockSpec((_BK, 128), lambda i: (i + _NBK, 0)),
                  pl.BlockSpec((_BK, 128), lambda i: (i, 0)),
                  pl.BlockSpec((_BK, 128), lambda i: (i + _NBK, 0)),
                  pl.BlockSpec((_BK, 128), lambda i: (i, 0)),
                  pl.BlockSpec((_BK, 128), lambda i: (i + _NBK, 0)),
                  pl.BlockSpec((128, 128), cmap),
                  pl.BlockSpec((128, 128), cmap),
                  pl.BlockSpec((1, 128), cmap)],
        out_specs=pl.BlockSpec((_BK, 128), lambda i: (i, 0)),
        out_shape=jax.ShapeDtypeStruct((KP, 128), F32),
    )(sums0, sums0, sums1, sums1, counts, counts, Wf0, Wf1, bf)




def kernel(coors, points, features, f_cluster, W_r0, g_r0, b_r0, W_r1, g_r1,
           b_r1, W_v0, g_v0, b_v0, W_v1, g_v1, b_v1, W_f, b_f):
    coors_i32 = coors.astype(jnp.int32)
    fc = f_cluster
    feat0 = jnp.concatenate([points, features], axis=1)
    r2 = lambda v: v.reshape(1, -1)

    inv, S1, M1 = _compute_inv(coors_i32, fc)
    S2, M2 = _run_kB(fc, S1, M1, W_r0, r2(g_r0), r2(b_r0))
    S3, M3 = _run_kC(fc, feat0, S1, M1, W_r0, r2(g_r0), r2(b_r0),
                     S2, M2, W_r1, r2(g_r1), r2(b_r1))
    pf0, Spf, Mpf = _run_kD(fc, feat0, S1, M1, W_r0, r2(g_r0), r2(b_r0),
                            S2, M2, W_r1, r2(g_r1), r2(b_r1),
                            S3, M3, W_v0, r2(g_v0), r2(b_v0))

    sums0 = _seg_sums_sc(pf0, inv)
    counts = _seg_counts_sc(inv)

    Wa = W_v1[:128]
    Wb = W_v1[128:]
    u, C = _run_kM(sums0, counts, Wb)

    g = _gather_sc(u, inv)
    pf1 = _run_kE(pf0, g, Wa, Wb, C, Mpf, Spf, r2(g_v1), r2(b_v1))

    sums1 = _seg_sums_sc(pf1, inv)

    vox = _run_kF(sums0, sums1, counts, W_f[:128], W_f[128:], r2(b_f))
    return pf1, vox[:K]

# --- scband reference (transcript-rebuilt; emitter-appended) ---
"""Pipeline reference for scband-cfe-13417477833536 (READ-ONLY COPY).

The authoritative reference and input builder live on the scoring server;
editing this copy changes nothing except your own understanding.
"""

import jax, jax.numpy as jnp
import numpy as np

N = 320000
K_IDS = 10000
C_FEAT = 61


def _bn(x, g, b):
    m = jnp.mean(x, axis=0, keepdims=True)
    v = jnp.var(x, axis=0, keepdims=True)
    return g * (x - m) / jnp.sqrt(v + 1e-5) + b


def setup_inputs(seed: int = 0):
    key = jax.random.key(seed)
    ks = jax.random.split(key, 20)
    coors = jnp.sort(jax.random.randint(ks[0], (N,), 0, K_IDS)).astype(jnp.int64)
    points = jax.random.normal(ks[1], (N, 3), jnp.float32)
    features = jax.random.normal(ks[2], (N, C_FEAT), jnp.float32)
    f_cluster = jax.random.normal(ks[3], (N, 3), jnp.float32)
    p = {}
    p['W_r0'] = jax.random.normal(ks[4], (3, 16), jnp.float32) * 0.3
    p['g_r0'] = jnp.ones((16,), jnp.float32)
    p['b_r0'] = jnp.zeros((16,), jnp.float32)
    p['W_r1'] = jax.random.normal(ks[5], (16, 64), jnp.float32) * 0.2
    p['g_r1'] = jnp.ones((64,), jnp.float32)
    p['b_r1'] = jnp.zeros((64,), jnp.float32)
    p['W_v0'] = jax.random.normal(ks[6], (64, 128), jnp.float32) * 0.1
    p['g_v0'] = jnp.ones((128,), jnp.float32)
    p['b_v0'] = jnp.zeros((128,), jnp.float32)
    p['W_v1'] = jax.random.normal(ks[7], (256, 128), jnp.float32) * 0.08
    p['g_v1'] = jnp.ones((128,), jnp.float32)
    p['b_v1'] = jnp.zeros((128,), jnp.float32)
    p['W_f'] = jax.random.normal(ks[8], (256, 128), jnp.float32) * 0.08
    p['b_f'] = jnp.zeros((128,), jnp.float32)
    out = {'coors': coors, 'points': points, 'features': features, 'f_cluster': f_cluster}
    out.update(p)
    return out


def reference(coors, points, features, f_cluster, W_r0, g_r0, b_r0, W_r1, g_r1, b_r1,
              W_v0, g_v0, b_v0, W_v1, g_v1, b_v1, W_f, b_f):
    # torch.unique(coors, return_inverse=True)
    unq, unq_inv = jnp.unique(coors, return_inverse=True, size=K_IDS, fill_value=0)
    K = int(unq.shape[0])

    def seg_mean(x):
        s = jax.ops.segment_sum(x, unq_inv, num_segments=K)
        c = jax.ops.segment_sum(jnp.ones((x.shape[0], 1), x.dtype), unq_inv, num_segments=K)
        return s / c

    # xyz_normalizer = [1,1,1]; rel_dist_scaler = 1.0
    feat0 = jnp.concatenate([points, features], axis=1)  # [N, 64]
    fc = f_cluster / 1.0
    h = jax.nn.relu(_bn(fc @ W_r0, g_r0, b_r0))
    rel = jax.nn.relu(_bn(h @ W_r1, g_r1, b_r1))  # [N, 64]
    feats = feat0 * rel
    # VFE layer 0
    pf0 = jax.nn.relu(_bn(feats @ W_v0, g_v0, b_v0))  # [N, 128]
    vf0 = seg_mean(pf0)  # [K, 128]
    feats1 = jnp.concatenate([pf0, vf0[unq_inv]], axis=1)  # [N, 256]
    # VFE layer 1
    pf1 = jax.nn.relu(_bn(feats1 @ W_v1, g_v1, b_v1))  # [N, 128]
    vf1 = seg_mean(pf1)  # [K, 128]
    voxel_feats = jnp.concatenate([vf0, vf1], axis=1) @ W_f + b_f  # [K, 128]
    # shortcut skipped: pf1 shape != features shape
    return (pf1, voxel_feats)

if __name__ == "__main__":
    import jax
    _d = setup_inputs()
    print(jax.jit(kernel)(*tuple(_d.values())))

</pallas_src>

<mosaic_0001>
#map = affine_map<(d0, d1) -> (0, 0)>
#map1 = affine_map<(d0, d1) -> (0)>
module attributes {stable_mosaic.version = 14 : i64} {
  func.func @_sc_sums_body(%arg0: i32, %arg1: i32, %arg2: memref<320000x128xf32, #tpu.memory_space<hbm>>, %arg3: memref<320000xi32, #tpu.memory_space<hbm>>, %arg4: memref<640x128xf32, #tpu.memory_space<hbm>>, %arg5: memref<20480x128xf32, #tpu.memory_space<hbm>>, %arg6: memref<80xi32, #tpu.memory_space<vmem>>, %arg7: memref<80xi32, #tpu.memory_space<vmem>>, %arg8: memref<80x128xf32, #tpu.memory_space<vmem>>, %arg9: memref<80x128xf32, #tpu.memory_space<vmem>>, %arg10: memref<!tpu.dma_semaphore, #tpu.memory_space<semaphore_mem>>, %arg11: memref<!tpu.dma_semaphore, #tpu.memory_space<semaphore_mem>>, %arg12: memref<10240x128xf32, #tpu.memory_space<vmem_shared>>) attributes {dimension_semantics = [#tpu.dimension_semantics<core_parallel>, #tpu.dimension_semantics<subcore_parallel>], iteration_bounds = array<i64: 2, 16>, scalar_prefetch = 0 : i64, scratch_operands = 7 : i64, tpu.core_type = #tpu.core_type<sc_vector_subcore>, window_params = [{transform_indices = #map}, {transform_indices = #map1}, {transform_indices = #map}, {transform_indices = #map}]} {
    %mul3A = arith.constant 2 : i32
    %mul3A_0 = arith.muli %arg1, %mul3A : i32
    %add3A = arith.addi %mul3A_0, %arg0 : i32
    %mul3A_1 = arith.constant 10000 : i32
    %mul3A_2 = arith.muli %add3A, %mul3A_1 : i32
    %mul3A_3 = arith.constant 640 : i32
    %mul3A_4 = arith.muli %arg1, %mul3A_3 : i32
    "tpu.region"() ({
      %run_scoped3A = tpu.sem_alloc : memref<!tpu.dma_semaphore, #tpu.memory_space<semaphore_mem>>
      %dma_start3A = arith.constant 0 : i32
      %dma_start3A_20 = tpu.memref_slice %arg12[%mul3A_4, %dma_start3A] : memref<10240x128xf32, #tpu.memory_space<vmem_shared>> -> memref<640x128xf32, #tpu.memory_space<vmem_shared>>
      tpu.enqueue_dma source(%arg4 : memref<640x128xf32, #tpu.memory_space<hbm>>) target(%dma_start3A_20 : memref<640x128xf32, #tpu.memory_space<vmem_shared>>) target_semaphore(%run_scoped3A : memref<!tpu.dma_semaphore, #tpu.memory_space<semaphore_mem>>)
      %dma_wait3A = arith.constant 0 : i32
      %dma_wait3A_21 = tpu.memref_slice %arg12[%mul3A_4, %dma_wait3A] : memref<10240x128xf32, #tpu.memory_space<vmem_shared>> -> memref<640x128xf32, #tpu.memory_space<vmem_shared>>
      tpu.wait_dma2 semaphore(%run_scoped3A : memref<!tpu.dma_semaphore, #tpu.memory_space<semaphore_mem>>) src(%arg4 : memref<640x128xf32, #tpu.memory_space<hbm>>) dst(%dma_wait3A_21 : memref<640x128xf32, #tpu.memory_space<vmem_shared>>)
      tpu.yield
    }) : () -> ()
    %barrier3A = arith.constant 0 : index
    tpu.barrier barrier_id(%barrier3A)
    %scan3A = arith.constant 0 : i32
    %scan3A_5 = arith.constant 0 : i32
    %scan3A_6 = arith.constant 62 : i32
    %scan3A_7 = arith.addi %scan3A_5, %scan3A_6 : i32
    %scan3A_8 = arith.constant 1 : i32
    scf.for %scan3A_20 = %scan3A_5 to %scan3A_7 step %scan3A_8  : i32 {
      %mul3A_21 = arith.constant 2 : i32
      %mul3A_22 = arith.muli %mul3A_21, %scan3A_20 : i32
      %mul3A_23 = arith.constant 80 : i32
      %mul3A_24 = arith.muli %mul3A_22, %mul3A_23 : i32
      %add3A_25 = arith.addi %mul3A_2, %mul3A_24 : i32
      %mul3A_26 = arith.constant 2 : i32
      %mul3A_27 = arith.muli %mul3A_26, %scan3A_20 : i32
      %add3A_28 = arith.constant 1 : i32
      %add3A_29 = arith.addi %mul3A_27, %add3A_28 : i32
      %mul3A_30 = arith.constant 80 : i32
      %mul3A_31 = arith.muli %add3A_29, %mul3A_30 : i32
      %add3A_32 = arith.addi %mul3A_2, %mul3A_31 : i32
      %dma_start3A = arith.constant 0 : i32
      %dma_start3A_33 = tpu.memref_slice %arg2[%add3A_25, %dma_start3A] : memref<320000x128xf32, #tpu.memory_space<hbm>> -> memref<80x128xf32, #tpu.memory_space<hbm>>
      %dma_start3A_34 = arith.constant 0 : i32
      %dma_start3A_35 = tpu.memref_slice %arg2[%add3A_25, %dma_start3A_34] : memref<320000x128xf32, #tpu.memory_space<hbm>> -> memref<80x128xf32, #tpu.memory_space<hbm>>
      tpu.enqueue_dma source(%dma_start3A_35 : memref<80x128xf32, #tpu.memory_space<hbm>>) target(%arg8 : memref<80x128xf32, #tpu.memory_space<vmem>>) target_semaphore(%arg10 : memref<!tpu.dma_semaphore, #tpu.memory_space<semaphore_mem>>)
      "tpu.region"() ({
        %run_scoped3A = tpu.sem_alloc : memref<!tpu.dma_semaphore, #tpu.memory_space<semaphore_mem>>
        %dma_start3A_47 = tpu.memref_slice %arg3[%add3A_25] : memref<320000xi32, #tpu.memory_space<hbm>> -> memref<80xi32, #tpu.memory_space<hbm>>
        %dma_start3A_48 = tpu.memref_slice %arg3[%add3A_25] : memref<320000xi32, #tpu.memory_space<hbm>> -> memref<80xi32, #tpu.memory_space<hbm>>
        tpu.enqueue_dma source(%dma_start3A_48 : memref<80xi32, #tpu.memory_space<hbm>>) target(%arg6 : memref<80xi32, #tpu.memory_space<vmem>>) target_semaphore(%run_scoped3A : memref<!tpu.dma_semaphore, #tpu.memory_space<semaphore_mem>>)
        %dma_wait3A_49 = tpu.memref_slice %arg3[%add3A_25] : memref<320000xi32, #tpu.memory_space<hbm>> -> memref<80xi32, #tpu.memory_space<hbm>>
        %dma_wait3A_50 = tpu.memref_slice %arg3[%add3A_25] : memref<320000xi32, #tpu.memory_space<hbm>> -> memref<80xi32, #tpu.memory_space<hbm>>
        tpu.wait_dma2 semaphore(%run_scoped3A : memref<!tpu.dma_semaphore, #tpu.memory_space<semaphore_mem>>) src(%dma_wait3A_50 : memref<80xi32, #tpu.memory_space<hbm>>) dst(%arg6 : memref<80xi32, #tpu.memory_space<vmem>>)
        tpu.yield
      }) : () -> ()
      %dma_start3A_36 = arith.constant 0 : i32
      %dma_start3A_37 = tpu.memref_slice %arg2[%add3A_32, %dma_start3A_36] : memref<320000x128xf32, #tpu.memory_space<hbm>> -> memref<80x128xf32, #tpu.memory_space<hbm>>
      %dma_start3A_38 = arith.constant 0 : i32
      %dma_start3A_39 = tpu.memref_slice %arg2[%add3A_32, %dma_start3A_38] : memref<320000x128xf32, #tpu.memory_space<hbm>> -> memref<80x128xf32, #tpu.memory_space<hbm>>
      tpu.enqueue_dma source(%dma_start3A_39 : memref<80x128xf32, #tpu.memory_space<hbm>>) target(%arg9 : memref<80x128xf32, #tpu.memory_space<vmem>>) target_semaphore(%arg11 : memref<!tpu.dma_semaphore, #tpu.memory_space<semaphore_mem>>)
      "tpu.region"() ({
        %run_scoped3A = tpu.sem_alloc : memref<!tpu.dma_semaphore, #tpu.memory_space<semaphore_mem>>
        %dma_start3A_47 = tpu.memref_slice %arg3[%add3A_32] : memref<320000xi32, #tpu.memory_space<hbm>> -> memref<80xi32, #tpu.memory_space<hbm>>
        %dma_start3A_48 = tpu.memref_slice %arg3[%add3A_32] : memref<320000xi32, #tpu.memory_space<hbm>> -> memref<80xi32, #tpu.memory_space<hbm>>
        tpu.enqueue_dma source(%dma_start3A_48 : memref<80xi32, #tpu.memory_space<hbm>>) target(%arg7 : memref<80xi32, #tpu.memory_space<vmem>>) target_semaphore(%run_scoped3A : memref<!tpu.dma_semaphore, #tpu.memory_space<semaphore_mem>>)
        %dma_wait3A_49 = tpu.memref_slice %arg3[%add3A_32] : memref<320000xi32, #tpu.memory_space<hbm>> -> memref<80xi32, #tpu.memory_space<hbm>>
        %dma_wait3A_50 = tpu.memref_slice %arg3[%add3A_32] : memref<320000xi32, #tpu.memory_space<hbm>> -> memref<80xi32, #tpu.memory_space<hbm>>
        tpu.wait_dma2 semaphore(%run_scoped3A : memref<!tpu.dma_semaphore, #tpu.memory_space<semaphore_mem>>) src(%dma_wait3A_50 : memref<80xi32, #tpu.memory_space<hbm>>) dst(%arg7 : memref<80xi32, #tpu.memory_space<vmem>>)
        tpu.yield
      }) : () -> ()
      %dma_wait3A = arith.constant 0 : i32
      %dma_wait3A_40 = tpu.memref_slice %arg2[%add3A_25, %dma_wait3A] : memref<320000x128xf32, #tpu.memory_space<hbm>> -> memref<80x128xf32, #tpu.memory_space<hbm>>
      %dma_wait3A_41 = arith.constant 0 : i32
      %dma_wait3A_42 = tpu.memref_slice %arg2[%add3A_25, %dma_wait3A_41] : memref<320000x128xf32, #tpu.memory_space<hbm>> -> memref<80x128xf32, #tpu.memory_space<hbm>>
      tpu.wait_dma2 semaphore(%arg10 : memref<!tpu.dma_semaphore, #tpu.memory_space<semaphore_mem>>) src(%dma_wait3A_42 : memref<80x128xf32, #tpu.memory_space<hbm>>) dst(%arg8 : memref<80x128xf32, #tpu.memory_space<vmem>>)
      "tpu.region"() ({
        %run_scoped3A = tpu.sem_alloc : memref<!tpu.dma_semaphore, #tpu.memory_space<semaphore_mem>>
        %dma_start3A_47 = arith.constant 0 : i32
        %dma_start3A_48 = arith.constant 0 : i32
        %dma_start3A_49 = tpu.memref_slice %arg12[%dma_start3A_47, %dma_start3A_48] : memref<10240x128xf32, #tpu.memory_space<vmem_shared>> -> memref<10240x128xf32, #tpu.memory_space<vmem_shared>>
        tpu.enqueue_indirect_dma source(%arg8 : memref<80x128xf32, #tpu.memory_space<vmem>>) target(%dma_start3A_49 : memref<10240x128xf32, #tpu.memory_space<vmem_shared>>) offsets(%arg6 : memref<80xi32, #tpu.memory_space<vmem>>) semaphore(%run_scoped3A : memref<!tpu.dma_semaphore, #tpu.memory_space<semaphore_mem>>) {add = true}
        %dma_wait3A_50 = arith.constant 0 : i32
        %dma_wait3A_51 = arith.constant 0 : i32
        %dma_wait3A_52 = tpu.memref_slice %arg12[%dma_wait3A_50, %dma_wait3A_51] : memref<10240x128xf32, #tpu.memory_space<vmem_shared>> -> memref<10240x128xf32, #tpu.memory_space<vmem_shared>>
        tpu.wait_indirect_dma semaphore(%run_scoped3A : memref<!tpu.dma_semaphore, #tpu.memory_space<semaphore_mem>>) src(%arg8 : memref<80x128xf32, #tpu.memory_space<vmem>>) dst(%dma_wait3A_52 : memref<10240x128xf32, #tpu.memory_space<vmem_shared>>)
        tpu.yield
      }) : () -> ()
      %dma_wait3A_43 = arith.constant 0 : i32
      %dma_wait3A_44 = tpu.memref_slice %arg2[%add3A_32, %dma_wait3A_43] : memref<320000x128xf32, #tpu.memory_space<hbm>> -> memref<80x128xf32, #tpu.memory_space<hbm>>
      %dma_wait3A_45 = arith.constant 0 : i32
      %dma_wait3A_46 = tpu.memref_slice %arg2[%add3A_32, %dma_wait3A_45] : memref<320000x128xf32, #tpu.memory_space<hbm>> -> memref<80x128xf32, #tpu.memory_space<hbm>>
      tpu.wait_dma2 semaphore(%arg11 : memref<!tpu.dma_semaphore, #tpu.memory_space<semaphore_mem>>) src(%dma_wait3A_46 : memref<80x128xf32, #tpu.memory_space<hbm>>) dst(%arg9 : memref<80x128xf32, #tpu.memory_space<vmem>>)
      "tpu.region"() ({
        %run_scoped3A = tpu.sem_alloc : memref<!tpu.dma_semaphore, #tpu.memory_space<semaphore_mem>>
        %dma_start3A_47 = arith.constant 0 : i32
        %dma_start3A_48 = arith.constant 0 : i32
        %dma_start3A_49 = tpu.memref_slice %arg12[%dma_start3A_47, %dma_start3A_48] : memref<10240x128xf32, #tpu.memory_space<vmem_shared>> -> memref<10240x128xf32, #tpu.memory_space<vmem_shared>>
        tpu.enqueue_indirect_dma source(%arg9 : memref<80x128xf32, #tpu.memory_space<vmem>>) target(%dma_start3A_49 : memref<10240x128xf32, #tpu.memory_space<vmem_shared>>) offsets(%arg7 : memref<80xi32, #tpu.memory_space<vmem>>) semaphore(%run_scoped3A : memref<!tpu.dma_semaphore, #tpu.memory_space<semaphore_mem>>) {add = true}
        %dma_wait3A_50 = arith.constant 0 : i32
        %dma_wait3A_51 = arith.constant 0 : i32
        %dma_wait3A_52 = tpu.memref_slice %arg12[%dma_wait3A_50, %dma_wait3A_51] : memref<10240x128xf32, #tpu.memory_space<vmem_shared>> -> memref<10240x128xf32, #tpu.memory_space<vmem_shared>>
        tpu.wait_indirect_dma semaphore(%run_scoped3A : memref<!tpu.dma_semaphore, #tpu.memory_space<semaphore_mem>>) src(%arg9 : memref<80x128xf32, #tpu.memory_space<vmem>>) dst(%dma_wait3A_52 : memref<10240x128xf32, #tpu.memory_space<vmem_shared>>)
        tpu.yield
      }) : () -> ()
    }
    %scan3A_9 = arith.constant 62 : i32
    %add3A_10 = arith.constant 9920 : i32
    %add3A_11 = arith.addi %mul3A_2, %add3A_10 : i32
    "tpu.region"() ({
      %run_scoped3A = tpu.sem_alloc : memref<!tpu.dma_semaphore, #tpu.memory_space<semaphore_mem>>
      %dma_start3A = tpu.memref_slice %arg3[%add3A_11] : memref<320000xi32, #tpu.memory_space<hbm>> -> memref<80xi32, #tpu.memory_space<hbm>>
      %dma_start3A_20 = tpu.memref_slice %arg3[%add3A_11] : memref<320000xi32, #tpu.memory_space<hbm>> -> memref<80xi32, #tpu.memory_space<hbm>>
      tpu.enqueue_dma source(%dma_start3A_20 : memref<80xi32, #tpu.memory_space<hbm>>) target(%arg6 : memref<80xi32, #tpu.memory_space<vmem>>) target_semaphore(%run_scoped3A : memref<!tpu.dma_semaphore, #tpu.memory_space<semaphore_mem>>)
      %dma_wait3A = tpu.memref_slice %arg3[%add3A_11] : memref<320000xi32, #tpu.memory_space<hbm>> -> memref<80xi32, #tpu.memory_space<hbm>>
      %dma_wait3A_21 = tpu.memref_slice %arg3[%add3A_11] : memref<320000xi32, #tpu.memory_space<hbm>> -> memref<80xi32, #tpu.memory_space<hbm>>
      tpu.wait_dma2 semaphore(%run_scoped3A : memref<!tpu.dma_semaphore, #tpu.memory_space<semaphore_mem>>) src(%dma_wait3A_21 : memref<80xi32, #tpu.memory_space<hbm>>) dst(%arg6 : memref<80xi32, #tpu.memory_space<vmem>>)
      tpu.yield
    }) : () -> ()
    "tpu.region"() ({
      %run_scoped3A = tpu.sem_alloc : memref<!tpu.dma_semaphore, #tpu.memory_space<semaphore_mem>>
      %dma_start3A = arith.constant 0 : i32
      %dma_start3A_20 = tpu.memref_slice %arg2[%add3A_11, %dma_start3A] : memref<320000x128xf32, #tpu.memory_space<hbm>> -> memref<80x128xf32, #tpu.memory_space<hbm>>
      %dma_start3A_21 = arith.constant 0 : i32
      %dma_start3A_22 = tpu.memref_slice %arg2[%add3A_11, %dma_start3A_21] : memref<320000x128xf32, #tpu.memory_space<hbm>> -> memref<80x128xf32, #tpu.memory_space<hbm>>
      tpu.enqueue_dma source(%dma_start3A_22 : memref<80x128xf32, #tpu.memory_space<hbm>>) target(%arg8 : memref<80x128xf32, #tpu.memory_space<vmem>>) target_semaphore(%run_scoped3A : memref<!tpu.dma_semaphore, #tpu.memory_space<semaphore_mem>>)
      %dma_wait3A = arith.constant 0 : i32
      %dma_wait3A_23 = tpu.memref_slice %arg2[%add3A_11, %dma_wait3A] : memref<320000x128xf32, #tpu.memory_space<hbm>> -> memref<80x128xf32, #tpu.memory_space<hbm>>
      %dma_wait3A_24 = arith.constant 0 : i32
      %dma_wait3A_25 = tpu.memref_slice %arg2[%add3A_11, %dma_wait3A_24] : memref<320000x128xf32, #tpu.memory_space<hbm>> -> memref<80x128xf32, #tpu.memory_space<hbm>>
      tpu.wait_dma2 semaphore(%run_scoped3A : memref<!tpu.dma_semaphore, #tpu.memory_space<semaphore_mem>>) src(%dma_wait3A_25 : memref<80x128xf32, #tpu.memory_space<hbm>>) dst(%arg8 : memref<80x128xf32, #tpu.memory_space<vmem>>)
      tpu.yield
    }) : () -> ()
    "tpu.region"() ({
      %run_scoped3A = tpu.sem_alloc : memref<!tpu.dma_semaphore, #tpu.memory_space<semaphore_mem>>
      %dma_start3A = arith.constant 0 : i32
      %dma_start3A_20 = arith.constant 0 : i32
      %dma_start3A_21 = tpu.memref_slice %arg12[%dma_start3A, %dma_start3A_20] : memref<10240x128xf32, #tpu.memory_space<vmem_shared>> -> memref<10240x128xf32, #tpu.memory_space<vmem_shared>>
      tpu.enqueue_indirect_dma source(%arg8 : memref<80x128xf32, #tpu.memory_space<vmem>>) target(%dma_start3A_21 : memref<10240x128xf32, #tpu.memory_space<vmem_shared>>) offsets(%arg6 : memref<80xi32, #tpu.memory_space<vmem>>) semaphore(%run_scoped3A : memref<!tpu.dma_semaphore, #tpu.memory_space<semaphore_mem>>) {add = true}
      %dma_wait3A = arith.constant 0 : i32
      %dma_wait3A_22 = arith.constant 0 : i32
      %dma_wait3A_23 = tpu.memref_slice %arg12[%dma_wait3A, %dma_wait3A_22] : memref<10240x128xf32, #tpu.memory_space<vmem_shared>> -> memref<10240x128xf32, #tpu.memory_space<vmem_shared>>
      tpu.wait_indirect_dma semaphore(%run_scoped3A : memref<!tpu.dma_semaphore, #tpu.memory_space<semaphore_mem>>) src(%arg8 : memref<80x128xf32, #tpu.memory_space<vmem>>) dst(%dma_wait3A_23 : memref<10240x128xf32, #tpu.memory_space<vmem_shared>>)
      tpu.yield
    }) : () -> ()
    %barrier3A_12 = arith.constant 0 : index
    tpu.barrier barrier_id(%barrier3A_12)
    %mul3A_13 = arith.constant 640 : i32
    %mul3A_14 = arith.muli %arg1, %mul3A_13 : i32
    %mul3A_15 = arith.constant 10240 : i32
    %mul3A_16 = arith.muli %arg0, %mul3A_15 : i32
    %mul3A_17 = arith.constant 640 : i32
    %mul3A_18 = arith.muli %arg1, %mul3A_17 : i32
    %add3A_19 = arith.addi %mul3A_16, %mul3A_18 : i32
    "tpu.region"() ({
      %run_scoped3A = tpu.sem_alloc : memref<!tpu.dma_semaphore, #tpu.memory_space<semaphore_mem>>
      %dma_start3A = arith.constant 0 : i32
      %dma_start3A_20 = tpu.memref_slice %arg5[%add3A_19, %dma_start3A] : memref<20480x128xf32, #tpu.memory_space<hbm>> -> memref<640x128xf32, #tpu.memory_space<hbm>>
      %dma_start3A_21 = arith.constant 0 : i32
      %dma_start3A_22 = tpu.memref_slice %arg12[%mul3A_14, %dma_start3A_21] : memref<10240x128xf32, #tpu.memory_space<vmem_shared>> -> memref<640x128xf32, #tpu.memory_space<vmem_shared>>
      tpu.enqueue_dma source(%dma_start3A_22 : memref<640x128xf32, #tpu.memory_space<vmem_shared>>) target(%dma_start3A_20 : memref<640x128xf32, #tpu.memory_space<hbm>>) target_semaphore(%run_scoped3A : memref<!tpu.dma_semaphore, #tpu.memory_space<semaphore_mem>>)
      %dma_wait3A = arith.constant 0 : i32
      %dma_wait3A_23 = tpu.memref_slice %arg5[%add3A_19, %dma_wait3A] : memref<20480x128xf32, #tpu.memory_space<hbm>> -> memref<640x128xf32, #tpu.memory_space<hbm>>
      %dma_wait3A_24 = arith.constant 0 : i32
      %dma_wait3A_25 = tpu.memref_slice %arg12[%mul3A_14, %dma_wait3A_24] : memref<10240x128xf32, #tpu.memory_space<vmem_shared>> -> memref<640x128xf32, #tpu.memory_space<vmem_shared>>
      tpu.wait_dma2 semaphore(%run_scoped3A : memref<!tpu.dma_semaphore, #tpu.memory_space<semaphore_mem>>) src(%dma_wait3A_25 : memref<640x128xf32, #tpu.memory_space<vmem_shared>>) dst(%dma_wait3A_23 : memref<640x128xf32, #tpu.memory_space<hbm>>)
      tpu.yield
    }) : () -> ()
    return
  }
}

#map = affine_map<(d0, d1) -> (0)>
#map1 = affine_map<(d0, d1) -> (0, 0)>
module attributes {stable_mosaic.version = 14 : i64} {
  func.func @_sc_counts_body(%arg0: i32, %arg1: i32, %arg2: memref<320000xi32, #tpu.memory_space<hbm>>, %arg3: memref<640x128xf32, #tpu.memory_space<hbm>>, %arg4: memref<80x128xf32, #tpu.memory_space<hbm>>, %arg5: memref<20480x128xf32, #tpu.memory_space<hbm>>, %arg6: memref<80xi32, #tpu.memory_space<vmem>>, %arg7: memref<80xi32, #tpu.memory_space<vmem>>, %arg8: memref<80x128xf32, #tpu.memory_space<vmem>>, %arg9: memref<10240x128xf32, #tpu.memory_space<vmem_shared>>) attributes {dimension_semantics = [#tpu.dimension_semantics<core_parallel>, #tpu.dimension_semantics<subcore_parallel>], iteration_bounds = array<i64: 2, 16>, scalar_prefetch = 0 : i64, scratch_operands = 4 : i64, tpu.core_type = #tpu.core_type<sc_vector_subcore>, window_params = [{transform_indices = #map}, {transform_indices = #map1}, {transform_indices = #map1}, {transform_indices = #map1}]} {
    %mul3A = arith.constant 2 : i32
    %mul3A_0 = arith.muli %arg1, %mul3A : i32
    %add3A = arith.addi %mul3A_0, %arg0 : i32
    %mul3A_1 = arith.constant 10000 : i32
    %mul3A_2 = arith.muli %add3A, %mul3A_1 : i32
    %mul3A_3 = arith.constant 640 : i32
    %mul3A_4 = arith.muli %arg1, %mul3A_3 : i32
    "tpu.region"() ({
      %run_scoped3A = tpu.sem_alloc : memref<!tpu.dma_semaphore, #tpu.memory_space<semaphore_mem>>
      %dma_start3A = arith.constant 0 : i32
      %dma_start3A_20 = tpu.memref_slice %arg9[%mul3A_4, %dma_start3A] : memref<10240x128xf32, #tpu.memory_space<vmem_shared>> -> memref<640x128xf32, #tpu.memory_space<vmem_shared>>
      tpu.enqueue_dma source(%arg3 : memref<640x128xf32, #tpu.memory_space<hbm>>) target(%dma_start3A_20 : memref<640x128xf32, #tpu.memory_space<vmem_shared>>) target_semaphore(%run_scoped3A : memref<!tpu.dma_semaphore, #tpu.memory_space<semaphore_mem>>)
      %dma_wait3A = arith.constant 0 : i32
      %dma_wait3A_21 = tpu.memref_slice %arg9[%mul3A_4, %dma_wait3A] : memref<10240x128xf32, #tpu.memory_space<vmem_shared>> -> memref<640x128xf32, #tpu.memory_space<vmem_shared>>
      tpu.wait_dma2 semaphore(%run_scoped3A : memref<!tpu.dma_semaphore, #tpu.memory_space<semaphore_mem>>) src(%arg3 : memref<640x128xf32, #tpu.memory_space<hbm>>) dst(%dma_wait3A_21 : memref<640x128xf32, #tpu.memory_space<vmem_shared>>)
      tpu.yield
    }) : () -> ()
    "tpu.region"() ({
      %run_scoped3A = tpu.sem_alloc : memref<!tpu.dma_semaphore, #tpu.memory_space<semaphore_mem>>
      tpu.enqueue_dma source(%arg4 : memref<80x128xf32, #tpu.memory_space<hbm>>) target(%arg8 : memref<80x128xf32, #tpu.memory_space<vmem>>) target_semaphore(%run_scoped3A : memref<!tpu.dma_semaphore, #tpu.memory_space<semaphore_mem>>)
      tpu.wait_dma2 semaphore(%run_scoped3A : memref<!tpu.dma_semaphore, #tpu.memory_space<semaphore_mem>>) src(%arg4 : memref<80x128xf32, #tpu.memory_space<hbm>>) dst(%arg8 : memref<80x128xf32, #tpu.memory_space<vmem>>)
      tpu.yield
    }) : () -> ()
    %barrier3A = arith.constant 0 : index
    tpu.barrier barrier_id(%barrier3A)
    %scan3A = arith.constant 0 : i32
    %scan3A_5 = arith.constant 0 : i32
    %scan3A_6 = arith.constant 62 : i32
    %scan3A_7 = arith.addi %scan3A_5, %scan3A_6 : i32
    %scan3A_8 = arith.constant 1 : i32
    scf.for %scan3A_20 = %scan3A_5 to %scan3A_7 step %scan3A_8  : i32 {
      %mul3A_21 = arith.constant 2 : i32
      %mul3A_22 = arith.muli %mul3A_21, %scan3A_20 : i32
      %mul3A_23 = arith.constant 80 : i32
      %mul3A_24 = arith.muli %mul3A_22, %mul3A_23 : i32
      %add3A_25 = arith.addi %mul3A_2, %mul3A_24 : i32
      %mul3A_26 = arith.constant 2 : i32
      %mul3A_27 = arith.muli %mul3A_26, %scan3A_20 : i32
      %add3A_28 = arith.constant 1 : i32
      %add3A_29 = arith.addi %mul3A_27, %add3A_28 : i32
      %mul3A_30 = arith.constant 80 : i32
      %mul3A_31 = arith.muli %add3A_29, %mul3A_30 : i32
      %add3A_32 = arith.addi %mul3A_2, %mul3A_31 : i32
      "tpu.region"() ({
        %run_scoped3A = tpu.sem_alloc : memref<!tpu.dma_semaphore, #tpu.memory_space<semaphore_mem>>
        %dma_start3A = tpu.memref_slice %arg2[%add3A_25] : memref<320000xi32, #tpu.memory_space<hbm>> -> memref<80xi32, #tpu.memory_space<hbm>>
        %dma_start3A_33 = tpu.memref_slice %arg2[%add3A_25] : memref<320000xi32, #tpu.memory_space<hbm>> -> memref<80xi32, #tpu.memory_space<hbm>>
        tpu.enqueue_dma source(%dma_start3A_33 : memref<80xi32, #tpu.memory_space<hbm>>) target(%arg6 : memref<80xi32, #tpu.memory_space<vmem>>) target_semaphore(%run_scoped3A : memref<!tpu.dma_semaphore, #tpu.memory_space<semaphore_mem>>)
        %dma_wait3A = tpu.memref_slice %arg2[%add3A_25] : memref<320000xi32, #tpu.memory_space<hbm>> -> memref<80xi32, #tpu.memory_space<hbm>>
        %dma_wait3A_34 = tpu.memref_slice %arg2[%add3A_25] : memref<320000xi32, #tpu.memory_space<hbm>> -> memref<80xi32, #tpu.memory_space<hbm>>
        tpu.wait_dma2 semaphore(%run_scoped3A : memref<!tpu.dma_semaphore, #tpu.memory_space<semaphore_mem>>) src(%dma_wait3A_34 : memref<80xi32, #tpu.memory_space<hbm>>) dst(%arg6 : memref<80xi32, #tpu.memory_space<vmem>>)
        tpu.yield
      }) : () -> ()
      "tpu.region"() ({
        %run_scoped3A = tpu.sem_alloc : memref<!tpu.dma_semaphore, #tpu.memory_space<semaphore_mem>>
        %dma_start3A = tpu.memref_slice %arg2[%add3A_32] : memref<320000xi32, #tpu.memory_space<hbm>> -> memref<80xi32, #tpu.memory_space<hbm>>
        %dma_start3A_33 = tpu.memref_slice %arg2[%add3A_32] : memref<320000xi32, #tpu.memory_space<hbm>> -> memref<80xi32, #tpu.memory_space<hbm>>
        tpu.enqueue_dma source(%dma_start3A_33 : memref<80xi32, #tpu.memory_space<hbm>>) target(%arg7 : memref<80xi32, #tpu.memory_space<vmem>>) target_semaphore(%run_scoped3A : memref<!tpu.dma_semaphore, #tpu.memory_space<semaphore_mem>>)
        %dma_wait3A = tpu.memref_slice %arg2[%add3A_32] : memref<320000xi32, #tpu.memory_space<hbm>> -> memref<80xi32, #tpu.memory_space<hbm>>
        %dma_wait3A_34 = tpu.memref_slice %arg2[%add3A_32] : memref<320000xi32, #tpu.memory_space<hbm>> -> memref<80xi32, #tpu.memory_space<hbm>>
        tpu.wait_dma2 semaphore(%run_scoped3A : memref<!tpu.dma_semaphore, #tpu.memory_space<semaphore_mem>>) src(%dma_wait3A_34 : memref<80xi32, #tpu.memory_space<hbm>>) dst(%arg7 : memref<80xi32, #tpu.memory_space<vmem>>)
        tpu.yield
      }) : () -> ()
      "tpu.region"() ({
        %run_scoped3A = tpu.sem_alloc : memref<!tpu.dma_semaphore, #tpu.memory_space<semaphore_mem>>
        %dma_start3A = arith.constant 0 : i32
        %dma_start3A_33 = arith.constant 0 : i32
        %dma_start3A_34 = tpu.memref_slice %arg9[%dma_start3A, %dma_start3A_33] : memref<10240x128xf32, #tpu.memory_space<vmem_shared>> -> memref<10240x128xf32, #tpu.memory_space<vmem_shared>>
        tpu.enqueue_indirect_dma source(%arg8 : memref<80x128xf32, #tpu.memory_space<vmem>>) target(%dma_start3A_34 : memref<10240x128xf32, #tpu.memory_space<vmem_shared>>) offsets(%arg6 : memref<80xi32, #tpu.memory_space<vmem>>) semaphore(%run_scoped3A : memref<!tpu.dma_semaphore, #tpu.memory_space<semaphore_mem>>) {add = true}
        %dma_wait3A = arith.constant 0 : i32
        %dma_wait3A_35 = arith.constant 0 : i32
        %dma_wait3A_36 = tpu.memref_slice %arg9[%dma_wait3A, %dma_wait3A_35] : memref<10240x128xf32, #tpu.memory_space<vmem_shared>> -> memref<10240x128xf32, #tpu.memory_space<vmem_shared>>
        tpu.wait_indirect_dma semaphore(%run_scoped3A : memref<!tpu.dma_semaphore, #tpu.memory_space<semaphore_mem>>) src(%arg8 : memref<80x128xf32, #tpu.memory_space<vmem>>) dst(%dma_wait3A_36 : memref<10240x128xf32, #tpu.memory_space<vmem_shared>>)
        tpu.yield
      }) : () -> ()
      "tpu.region"() ({
        %run_scoped3A = tpu.sem_alloc : memref<!tpu.dma_semaphore, #tpu.memory_space<semaphore_mem>>
        %dma_start3A = arith.constant 0 : i32
        %dma_start3A_33 = arith.constant 0 : i32
        %dma_start3A_34 = tpu.memref_slice %arg9[%dma_start3A, %dma_start3A_33] : memref<10240x128xf32, #tpu.memory_space<vmem_shared>> -> memref<10240x128xf32, #tpu.memory_space<vmem_shared>>
        tpu.enqueue_indirect_dma source(%arg8 : memref<80x128xf32, #tpu.memory_space<vmem>>) target(%dma_start3A_34 : memref<10240x128xf32, #tpu.memory_space<vmem_shared>>) offsets(%arg7 : memref<80xi32, #tpu.memory_space<vmem>>) semaphore(%run_scoped3A : memref<!tpu.dma_semaphore, #tpu.memory_space<semaphore_mem>>) {add = true}
        %dma_wait3A = arith.constant 0 : i32
        %dma_wait3A_35 = arith.constant 0 : i32
        %dma_wait3A_36 = tpu.memref_slice %arg9[%dma_wait3A, %dma_wait3A_35] : memref<10240x128xf32, #tpu.memory_space<vmem_shared>> -> memref<10240x128xf32, #tpu.memory_space<vmem_shared>>
        tpu.wait_indirect_dma semaphore(%run_scoped3A : memref<!tpu.dma_semaphore, #tpu.memory_space<semaphore_mem>>) src(%arg8 : memref<80x128xf32, #tpu.memory_space<vmem>>) dst(%dma_wait3A_36 : memref<10240x128xf32, #tpu.memory_space<vmem_shared>>)
        tpu.yield
      }) : () -> ()
    }
    %scan3A_9 = arith.constant 62 : i32
    %add3A_10 = arith.constant 9920 : i32
    %add3A_11 = arith.addi %mul3A_2, %add3A_10 : i32
    "tpu.region"() ({
      %run_scoped3A = tpu.sem_alloc : memref<!tpu.dma_semaphore, #tpu.memory_space<semaphore_mem>>
      %dma_start3A = tpu.memref_slice %arg2[%add3A_11] : memref<320000xi32, #tpu.memory_space<hbm>> -> memref<80xi32, #tpu.memory_space<hbm>>
      %dma_start3A_20 = tpu.memref_slice %arg2[%add3A_11] : memref<320000xi32, #tpu.memory_space<hbm>> -> memref<80xi32, #tpu.memory_space<hbm>>
      tpu.enqueue_dma source(%dma_start3A_20 : memref<80xi32, #tpu.memory_space<hbm>>) target(%arg6 : memref<80xi32, #tpu.memory_space<vmem>>) target_semaphore(%run_scoped3A : memref<!tpu.dma_semaphore, #tpu.memory_space<semaphore_mem>>)
      %dma_wait3A = tpu.memref_slice %arg2[%add3A_11] : memref<320000xi32, #tpu.memory_space<hbm>> -> memref<80xi32, #tpu.memory_space<hbm>>
      %dma_wait3A_21 = tpu.memref_slice %arg2[%add3A_11] : memref<320000xi32, #tpu.memory_space<hbm>> -> memref<80xi32, #tpu.memory_space<hbm>>
      tpu.wait_dma2 semaphore(%run_scoped3A : memref<!tpu.dma_semaphore, #tpu.memory_space<semaphore_mem>>) src(%dma_wait3A_21 : memref<80xi32, #tpu.memory_space<hbm>>) dst(%arg6 : memref<80xi32, #tpu.memory_space<vmem>>)
      tpu.yield
    }) : () -> ()
    "tpu.region"() ({
      %run_scoped3A = tpu.sem_alloc : memref<!tpu.dma_semaphore, #tpu.memory_space<semaphore_mem>>
      %dma_start3A = arith.constant 0 : i32
      %dma_start3A_20 = arith.constant 0 : i32
      %dma_start3A_21 = tpu.memref_slice %arg9[%dma_start3A, %dma_start3A_20] : memref<10240x128xf32, #tpu.memory_space<vmem_shared>> -> memref<10240x128xf32, #tpu.memory_space<vmem_shared>>
      tpu.enqueue_indirect_dma source(%arg8 : memref<80x128xf32, #tpu.memory_space<vmem>>) target(%dma_start3A_21 : memref<10240x128xf32, #tpu.memory_space<vmem_shared>>) offsets(%arg6 : memref<80xi32, #tpu.memory_space<vmem>>) semaphore(%run_scoped3A : memref<!tpu.dma_semaphore, #tpu.memory_space<semaphore_mem>>) {add = true}
      %dma_wait3A = arith.constant 0 : i32
      %dma_wait3A_22 = arith.constant 0 : i32
      %dma_wait3A_23 = tpu.memref_slice %arg9[%dma_wait3A, %dma_wait3A_22] : memref<10240x128xf32, #tpu.memory_space<vmem_shared>> -> memref<10240x128xf32, #tpu.memory_space<vmem_shared>>
      tpu.wait_indirect_dma semaphore(%run_scoped3A : memref<!tpu.dma_semaphore, #tpu.memory_space<semaphore_mem>>) src(%arg8 : memref<80x128xf32, #tpu.memory_space<vmem>>) dst(%dma_wait3A_23 : memref<10240x128xf32, #tpu.memory_space<vmem_shared>>)
      tpu.yield
    }) : () -> ()
    %barrier3A_12 = arith.constant 0 : index
    tpu.barrier barrier_id(%barrier3A_12)
    %mul3A_13 = arith.constant 640 : i32
    %mul3A_14 = arith.muli %arg1, %mul3A_13 : i32
    %mul3A_15 = arith.constant 10240 : i32
    %mul3A_16 = arith.muli %arg0, %mul3A_15 : i32
    %mul3A_17 = arith.constant 640 : i32
    %mul3A_18 = arith.muli %arg1, %mul3A_17 : i32
    %add3A_19 = arith.addi %mul3A_16, %mul3A_18 : i32
    "tpu.region"() ({
      %run_scoped3A = tpu.sem_alloc : memref<!tpu.dma_semaphore, #tpu.memory_space<semaphore_mem>>
      %dma_start3A = arith.constant 0 : i32
      %dma_start3A_20 = tpu.memref_slice %arg5[%add3A_19, %dma_start3A] : memref<20480x128xf32, #tpu.memory_space<hbm>> -> memref<640x128xf32, #tpu.memory_space<hbm>>
      %dma_start3A_21 = arith.constant 0 : i32
      %dma_start3A_22 = tpu.memref_slice %arg9[%mul3A_14, %dma_start3A_21] : memref<10240x128xf32, #tpu.memory_space<vmem_shared>> -> memref<640x128xf32, #tpu.memory_space<vmem_shared>>
      tpu.enqueue_dma source(%dma_start3A_22 : memref<640x128xf32, #tpu.memory_space<vmem_shared>>) target(%dma_start3A_20 : memref<640x128xf32, #tpu.memory_space<hbm>>) target_semaphore(%run_scoped3A : memref<!tpu.dma_semaphore, #tpu.memory_space<semaphore_mem>>)
      %dma_wait3A = arith.constant 0 : i32
      %dma_wait3A_23 = tpu.memref_slice %arg5[%add3A_19, %dma_wait3A] : memref<20480x128xf32, #tpu.memory_space<hbm>> -> memref<640x128xf32, #tpu.memory_space<hbm>>
      %dma_wait3A_24 = arith.constant 0 : i32
      %dma_wait3A_25 = tpu.memref_slice %arg9[%mul3A_14, %dma_wait3A_24] : memref<10240x128xf32, #tpu.memory_space<vmem_shared>> -> memref<640x128xf32, #tpu.memory_space<vmem_shared>>
      tpu.wait_dma2 semaphore(%run_scoped3A : memref<!tpu.dma_semaphore, #tpu.memory_space<semaphore_mem>>) src(%dma_wait3A_25 : memref<640x128xf32, #tpu.memory_space<vmem_shared>>) dst(%dma_wait3A_23 : memref<640x128xf32, #tpu.memory_space<hbm>>)
      tpu.yield
    }) : () -> ()
    return
  }
}

#map = affine_map<(d0, d1) -> (0, 0)>
#map1 = affine_map<(d0, d1) -> (0)>
module attributes {stable_mosaic.version = 14 : i64} {
  func.func @_sc_sums_body(%arg0: i32, %arg1: i32, %arg2: memref<320000x128xf32, #tpu.memory_space<hbm>>, %arg3: memref<320000xi32, #tpu.memory_space<hbm>>, %arg4: memref<640x128xf32, #tpu.memory_space<hbm>>, %arg5: memref<20480x128xf32, #tpu.memory_space<hbm>>, %arg6: memref<80xi32, #tpu.memory_space<vmem>>, %arg7: memref<80xi32, #tpu.memory_space<vmem>>, %arg8: memref<80x128xf32, #tpu.memory_space<vmem>>, %arg9: memref<80x128xf32, #tpu.memory_space<vmem>>, %arg10: memref<!tpu.dma_semaphore, #tpu.memory_space<semaphore_mem>>, %arg11: memref<!tpu.dma_semaphore, #tpu.memory_space<semaphore_mem>>, %arg12: memref<10240x128xf32, #tpu.memory_space<vmem_shared>>) attributes {dimension_semantics = [#tpu.dimension_semantics<core_parallel>, #tpu.dimension_semantics<subcore_parallel>], iteration_bounds = array<i64: 2, 16>, scalar_prefetch = 0 : i64, scratch_operands = 7 : i64, tpu.core_type = #tpu.core_type<sc_vector_subcore>, window_params = [{transform_indices = #map}, {transform_indices = #map1}, {transform_indices = #map}, {transform_indices = #map}]} {
    %mul3A = arith.constant 2 : i32
    %mul3A_0 = arith.muli %arg1, %mul3A : i32
    %add3A = arith.addi %mul3A_0, %arg0 : i32
    %mul3A_1 = arith.constant 10000 : i32
    %mul3A_2 = arith.muli %add3A, %mul3A_1 : i32
    %mul3A_3 = arith.constant 640 : i32
    %mul3A_4 = arith.muli %arg1, %mul3A_3 : i32
    "tpu.region"() ({
      %run_scoped3A = tpu.sem_alloc : memref<!tpu.dma_semaphore, #tpu.memory_space<semaphore_mem>>
      %dma_start3A = arith.constant 0 : i32
      %dma_start3A_20 = tpu.memref_slice %arg12[%mul3A_4, %dma_start3A] : memref<10240x128xf32, #tpu.memory_space<vmem_shared>> -> memref<640x128xf32, #tpu.memory_space<vmem_shared>>
      tpu.enqueue_dma source(%arg4 : memref<640x128xf32, #tpu.memory_space<hbm>>) target(%dma_start3A_20 : memref<640x128xf32, #tpu.memory_space<vmem_shared>>) target_semaphore(%run_scoped3A : memref<!tpu.dma_semaphore, #tpu.memory_space<semaphore_mem>>)
      %dma_wait3A = arith.constant 0 : i32
      %dma_wait3A_21 = tpu.memref_slice %arg12[%mul3A_4, %dma_wait3A] : memref<10240x128xf32, #tpu.memory_space<vmem_shared>> -> memref<640x128xf32, #tpu.memory_space<vmem_shared>>
      tpu.wait_dma2 semaphore(%run_scoped3A : memref<!tpu.dma_semaphore, #tpu.memory_space<semaphore_mem>>) src(%arg4 : memref<640x128xf32, #tpu.memory_space<hbm>>) dst(%dma_wait3A_21 : memref<640x128xf32, #tpu.memory_space<vmem_shared>>)
      tpu.yield
    }) : () -> ()
    %barrier3A = arith.constant 0 : index
    tpu.barrier barrier_id(%barrier3A)
    %scan3A = arith.constant 0 : i32
    %scan3A_5 = arith.constant 0 : i32
    %scan3A_6 = arith.constant 62 : i32
    %scan3A_7 = arith.addi %scan3A_5, %scan3A_6 : i32
    %scan3A_8 = arith.constant 1 : i32
    scf.for %scan3A_20 = %scan3A_5 to %scan3A_7 step %scan3A_8  : i32 {
      %mul3A_21 = arith.constant 2 : i32
      %mul3A_22 = arith.muli %mul3A_21, %scan3A_20 : i32
      %mul3A_23 = arith.constant 80 : i32
      %mul3A_24 = arith.muli %mul3A_22, %mul3A_23 : i32
      %add3A_25 = arith.addi %mul3A_2, %mul3A_24 : i32
      %mul3A_26 = arith.constant 2 : i32
      %mul3A_27 = arith.muli %mul3A_26, %scan3A_20 : i32
      %add3A_28 = arith.constant 1 : i32
      %add3A_29 = arith.addi %mul3A_27, %add3A_28 : i32
      %mul3A_30 = arith.constant 80 : i32
      %mul3A_31 = arith.muli %add3A_29, %mul3A_30 : i32
      %add3A_32 = arith.addi %mul3A_2, %mul3A_31 : i32
      %dma_start3A = arith.constant 0 : i32
      %dma_start3A_33 = tpu.memref_slice %arg2[%add3A_25, %dma_start3A] : memref<320000x128xf32, #tpu.memory_space<hbm>> -> memref<80x128xf32, #tpu.memory_space<hbm>>
      %dma_start3A_34 = arith.constant 0 : i32
      %dma_start3A_35 = tpu.memref_slice %arg2[%add3A_25, %dma_start3A_34] : memref<320000x128xf32, #tpu.memory_space<hbm>> -> memref<80x128xf32, #tpu.memory_space<hbm>>
      tpu.enqueue_dma source(%dma_start3A_35 : memref<80x128xf32, #tpu.memory_space<hbm>>) target(%arg8 : memref<80x128xf32, #tpu.memory_space<vmem>>) target_semaphore(%arg10 : memref<!tpu.dma_semaphore, #tpu.memory_space<semaphore_mem>>)
      "tpu.region"() ({
        %run_scoped3A = tpu.sem_alloc : memref<!tpu.dma_semaphore, #tpu.memory_space<semaphore_mem>>
        %dma_start3A_47 = tpu.memref_slice %arg3[%add3A_25] : memref<320000xi32, #tpu.memory_space<hbm>> -> memref<80xi32, #tpu.memory_space<hbm>>
        %dma_start3A_48 = tpu.memref_slice %arg3[%add3A_25] : memref<320000xi32, #tpu.memory_space<hbm>> -> memref<80xi32, #tpu.memory_space<hbm>>
        tpu.enqueue_dma source(%dma_start3A_48 : memref<80xi32, #tpu.memory_space<hbm>>) target(%arg6 : memref<80xi32, #tpu.memory_space<vmem>>) target_semaphore(%run_scoped3A : memref<!tpu.dma_semaphore, #tpu.memory_space<semaphore_mem>>)
        %dma_wait3A_49 = tpu.memref_slice %arg3[%add3A_25] : memref<320000xi32, #tpu.memory_space<hbm>> -> memref<80xi32, #tpu.memory_space<hbm>>
        %dma_wait3A_50 = tpu.memref_slice %arg3[%add3A_25] : memref<320000xi32, #tpu.memory_space<hbm>> -> memref<80xi32, #tpu.memory_space<hbm>>
        tpu.wait_dma2 semaphore(%run_scoped3A : memref<!tpu.dma_semaphore, #tpu.memory_space<semaphore_mem>>) src(%dma_wait3A_50 : memref<80xi32, #tpu.memory_space<hbm>>) dst(%arg6 : memref<80xi32, #tpu.memory_space<vmem>>)
        tpu.yield
      }) : () -> ()
      %dma_start3A_36 = arith.constant 0 : i32
      %dma_start3A_37 = tpu.memref_slice %arg2[%add3A_32, %dma_start3A_36] : memref<320000x128xf32, #tpu.memory_space<hbm>> -> memref<80x128xf32, #tpu.memory_space<hbm>>
      %dma_start3A_38 = arith.constant 0 : i32
      %dma_start3A_39 = tpu.memref_slice %arg2[%add3A_32, %dma_start3A_38] : memref<320000x128xf32, #tpu.memory_space<hbm>> -> memref<80x128xf32, #tpu.memory_space<hbm>>
      tpu.enqueue_dma source(%dma_start3A_39 : memref<80x128xf32, #tpu.memory_space<hbm>>) target(%arg9 : memref<80x128xf32, #tpu.memory_space<vmem>>) target_semaphore(%arg11 : memref<!tpu.dma_semaphore, #tpu.memory_space<semaphore_mem>>)
      "tpu.region"() ({
        %run_scoped3A = tpu.sem_alloc : memref<!tpu.dma_semaphore, #tpu.memory_space<semaphore_mem>>
        %dma_start3A_47 = tpu.memref_slice %arg3[%add3A_32] : memref<320000xi32, #tpu.memory_space<hbm>> -> memref<80xi32, #tpu.memory_space<hbm>>
        %dma_start3A_48 = tpu.memref_slice %arg3[%add3A_32] : memref<320000xi32, #tpu.memory_space<hbm>> -> memref<80xi32, #tpu.memory_space<hbm>>
        tpu.enqueue_dma source(%dma_start3A_48 : memref<80xi32, #tpu.memory_space<hbm>>) target(%arg7 : memref<80xi32, #tpu.memory_space<vmem>>) target_semaphore(%run_scoped3A : memref<!tpu.dma_semaphore, #tpu.memory_space<semaphore_mem>>)
        %dma_wait3A_49 = tpu.memref_slice %arg3[%add3A_32] : memref<320000xi32, #tpu.memory_space<hbm>> -> memref<80xi32, #tpu.memory_space<hbm>>
        %dma_wait3A_50 = tpu.memref_slice %arg3[%add3A_32] : memref<320000xi32, #tpu.memory_space<hbm>> -> memref<80xi32, #tpu.memory_space<hbm>>
        tpu.wait_dma2 semaphore(%run_scoped3A : memref<!tpu.dma_semaphore, #tpu.memory_space<semaphore_mem>>) src(%dma_wait3A_50 : memref<80xi32, #tpu.memory_space<hbm>>) dst(%arg7 : memref<80xi32, #tpu.memory_space<vmem>>)
        tpu.yield
      }) : () -> ()
      %dma_wait3A = arith.constant 0 : i32
      %dma_wait3A_40 = tpu.memref_slice %arg2[%add3A_25, %dma_wait3A] : memref<320000x128xf32, #tpu.memory_space<hbm>> -> memref<80x128xf32, #tpu.memory_space<hbm>>
      %dma_wait3A_41 = arith.constant 0 : i32
      %dma_wait3A_42 = tpu.memref_slice %arg2[%add3A_25, %dma_wait3A_41] : memref<320000x128xf32, #tpu.memory_space<hbm>> -> memref<80x128xf32, #tpu.memory_space<hbm>>
      tpu.wait_dma2 semaphore(%arg10 : memref<!tpu.dma_semaphore, #tpu.memory_space<semaphore_mem>>) src(%dma_wait3A_42 : memref<80x128xf32, #tpu.memory_space<hbm>>) dst(%arg8 : memref<80x128xf32, #tpu.memory_space<vmem>>)
      "tpu.region"() ({
        %run_scoped3A = tpu.sem_alloc : memref<!tpu.dma_semaphore, #tpu.memory_space<semaphore_mem>>
        %dma_start3A_47 = arith.constant 0 : i32
        %dma_start3A_48 = arith.constant 0 : i32
        %dma_start3A_49 = tpu.memref_slice %arg12[%dma_start3A_47, %dma_start3A_48] : memref<10240x128xf32, #tpu.memory_space<vmem_shared>> -> memref<10240x128xf32, #tpu.memory_space<vmem_shared>>
        tpu.enqueue_indirect_dma source(%arg8 : memref<80x128xf32, #tpu.memory_space<vmem>>) target(%dma_start3A_49 : memref<10240x128xf32, #tpu.memory_space<vmem_shared>>) offsets(%arg6 : memref<80xi32, #tpu.memory_space<vmem>>) semaphore(%run_scoped3A : memref<!tpu.dma_semaphore, #tpu.memory_space<semaphore_mem>>) {add = true}
        %dma_wait3A_50 = arith.constant 0 : i32
        %dma_wait3A_51 = arith.constant 0 : i32
        %dma_wait3A_52 = tpu.memref_slice %arg12[%dma_wait3A_50, %dma_wait3A_51] : memref<10240x128xf32, #tpu.memory_space<vmem_shared>> -> memref<10240x128xf32, #tpu.memory_space<vmem_shared>>
        tpu.wait_indirect_dma semaphore(%run_scoped3A : memref<!tpu.dma_semaphore, #tpu.memory_space<semaphore_mem>>) src(%arg8 : memref<80x128xf32, #tpu.memory_space<vmem>>) dst(%dma_wait3A_52 : memref<10240x128xf32, #tpu.memory_space<vmem_shared>>)
        tpu.yield
      }) : () -> ()
      %dma_wait3A_43 = arith.constant 0 : i32
      %dma_wait3A_44 = tpu.memref_slice %arg2[%add3A_32, %dma_wait3A_43] : memref<320000x128xf32, #tpu.memory_space<hbm>> -> memref<80x128xf32, #tpu.memory_space<hbm>>
      %dma_wait3A_45 = arith.constant 0 : i32
      %dma_wait3A_46 = tpu.memref_slice %arg2[%add3A_32, %dma_wait3A_45] : memref<320000x128xf32, #tpu.memory_space<hbm>> -> memref<80x128xf32, #tpu.memory_space<hbm>>
      tpu.wait_dma2 semaphore(%arg11 : memref<!tpu.dma_semaphore, #tpu.memory_space<semaphore_mem>>) src(%dma_wait3A_46 : memref<80x128xf32, #tpu.memory_space<hbm>>) dst(%arg9 : memref<80x128xf32, #tpu.memory_space<vmem>>)
      "tpu.region"() ({
        %run_scoped3A = tpu.sem_alloc : memref<!tpu.dma_semaphore, #tpu.memory_space<semaphore_mem>>
        %dma_start3A_47 = arith.constant 0 : i32
        %dma_start3A_48 = arith.constant 0 : i32
        %dma_start3A_49 = tpu.memref_slice %arg12[%dma_start3A_47, %dma_start3A_48] : memref<10240x128xf32, #tpu.memory_space<vmem_shared>> -> memref<10240x128xf32, #tpu.memory_space<vmem_shared>>
        tpu.enqueue_indirect_dma source(%arg9 : memref<80x128xf32, #tpu.memory_space<vmem>>) target(%dma_start3A_49 : memref<10240x128xf32, #tpu.memory_space<vmem_shared>>) offsets(%arg7 : memref<80xi32, #tpu.memory_space<vmem>>) semaphore(%run_scoped3A : memref<!tpu.dma_semaphore, #tpu.memory_space<semaphore_mem>>) {add = true}
        %dma_wait3A_50 = arith.constant 0 : i32
        %dma_wait3A_51 = arith.constant 0 : i32
        %dma_wait3A_52 = tpu.memref_slice %arg12[%dma_wait3A_50, %dma_wait3A_51] : memref<10240x128xf32, #tpu.memory_space<vmem_shared>> -> memref<10240x128xf32, #tpu.memory_space<vmem_shared>>
        tpu.wait_indirect_dma semaphore(%run_scoped3A : memref<!tpu.dma_semaphore, #tpu.memory_space<semaphore_mem>>) src(%arg9 : memref<80x128xf32, #tpu.memory_space<vmem>>) dst(%dma_wait3A_52 : memref<10240x128xf32, #tpu.memory_space<vmem_shared>>)
        tpu.yield
      }) : () -> ()
    }
    %scan3A_9 = arith.constant 62 : i32
    %add3A_10 = arith.constant 9920 : i32
    %add3A_11 = arith.addi %mul3A_2, %add3A_10 : i32
    "tpu.region"() ({
      %run_scoped3A = tpu.sem_alloc : memref<!tpu.dma_semaphore, #tpu.memory_space<semaphore_mem>>
      %dma_start3A = tpu.memref_slice %arg3[%add3A_11] : memref<320000xi32, #tpu.memory_space<hbm>> -> memref<80xi32, #tpu.memory_space<hbm>>
      %dma_start3A_20 = tpu.memref_slice %arg3[%add3A_11] : memref<320000xi32, #tpu.memory_space<hbm>> -> memref<80xi32, #tpu.memory_space<hbm>>
      tpu.enqueue_dma source(%dma_start3A_20 : memref<80xi32, #tpu.memory_space<hbm>>) target(%arg6 : memref<80xi32, #tpu.memory_space<vmem>>) target_semaphore(%run_scoped3A : memref<!tpu.dma_semaphore, #tpu.memory_space<semaphore_mem>>)
      %dma_wait3A = tpu.memref_slice %arg3[%add3A_11] : memref<320000xi32, #tpu.memory_space<hbm>> -> memref<80xi32, #tpu.memory_space<hbm>>
      %dma_wait3A_21 = tpu.memref_slice %arg3[%add3A_11] : memref<320000xi32, #tpu.memory_space<hbm>> -> memref<80xi32, #tpu.memory_space<hbm>>
      tpu.wait_dma2 semaphore(%run_scoped3A : memref<!tpu.dma_semaphore, #tpu.memory_space<semaphore_mem>>) src(%dma_wait3A_21 : memref<80xi32, #tpu.memory_space<hbm>>) dst(%arg6 : memref<80xi32, #tpu.memory_space<vmem>>)
      tpu.yield
    }) : () -> ()
    "tpu.region"() ({
      %run_scoped3A = tpu.sem_alloc : memref<!tpu.dma_semaphore, #tpu.memory_space<semaphore_mem>>
      %dma_start3A = arith.constant 0 : i32
      %dma_start3A_20 = tpu.memref_slice %arg2[%add3A_11, %dma_start3A] : memref<320000x128xf32, #tpu.memory_space<hbm>> -> memref<80x128xf32, #tpu.memory_space<hbm>>
      %dma_start3A_21 = arith.constant 0 : i32
      %dma_start3A_22 = tpu.memref_slice %arg2[%add3A_11, %dma_start3A_21] : memref<320000x128xf32, #tpu.memory_space<hbm>> -> memref<80x128xf32, #tpu.memory_space<hbm>>
      tpu.enqueue_dma source(%dma_start3A_22 : memref<80x128xf32, #tpu.memory_space<hbm>>) target(%arg8 : memref<80x128xf32, #tpu.memory_space<vmem>>) target_semaphore(%run_scoped3A : memref<!tpu.dma_semaphore, #tpu.memory_space<semaphore_mem>>)
      %dma_wait3A = arith.constant 0 : i32
      %dma_wait3A_23 = tpu.memref_slice %arg2[%add3A_11, %dma_wait3A] : memref<320000x128xf32, #tpu.memory_space<hbm>> -> memref<80x128xf32, #tpu.memory_space<hbm>>
      %dma_wait3A_24 = arith.constant 0 : i32
      %dma_wait3A_25 = tpu.memref_slice %arg2[%add3A_11, %dma_wait3A_24] : memref<320000x128xf32, #tpu.memory_space<hbm>> -> memref<80x128xf32, #tpu.memory_space<hbm>>
      tpu.wait_dma2 semaphore(%run_scoped3A : memref<!tpu.dma_semaphore, #tpu.memory_space<semaphore_mem>>) src(%dma_wait3A_25 : memref<80x128xf32, #tpu.memory_space<hbm>>) dst(%arg8 : memref<80x128xf32, #tpu.memory_space<vmem>>)
      tpu.yield
    }) : () -> ()
    "tpu.region"() ({
      %run_scoped3A = tpu.sem_alloc : memref<!tpu.dma_semaphore, #tpu.memory_space<semaphore_mem>>
      %dma_start3A = arith.constant 0 : i32
      %dma_start3A_20 = arith.constant 0 : i32
      %dma_start3A_21 = tpu.memref_slice %arg12[%dma_start3A, %dma_start3A_20] : memref<10240x128xf32, #tpu.memory_space<vmem_shared>> -> memref<10240x128xf32, #tpu.memory_space<vmem_shared>>
      tpu.enqueue_indirect_dma source(%arg8 : memref<80x128xf32, #tpu.memory_space<vmem>>) target(%dma_start3A_21 : memref<10240x128xf32, #tpu.memory_space<vmem_shared>>) offsets(%arg6 : memref<80xi32, #tpu.memory_space<vmem>>) semaphore(%run_scoped3A : memref<!tpu.dma_semaphore, #tpu.memory_space<semaphore_mem>>) {add = true}
      %dma_wait3A = arith.constant 0 : i32
      %dma_wait3A_22 = arith.constant 0 : i32
      %dma_wait3A_23 = tpu.memref_slice %arg12[%dma_wait3A, %dma_wait3A_22] : memref<10240x128xf32, #tpu.memory_space<vmem_shared>> -> memref<10240x128xf32, #tpu.memory_space<vmem_shared>>
      tpu.wait_indirect_dma semaphore(%run_scoped3A : memref<!tpu.dma_semaphore, #tpu.memory_space<semaphore_mem>>) src(%arg8 : memref<80x128xf32, #tpu.memory_space<vmem>>) dst(%dma_wait3A_23 : memref<10240x128xf32, #tpu.memory_space<vmem_shared>>)
      tpu.yield
    }) : () -> ()
    %barrier3A_12 = arith.constant 0 : index
    tpu.barrier barrier_id(%barrier3A_12)
    %mul3A_13 = arith.constant 640 : i32
    %mul3A_14 = arith.muli %arg1, %mul3A_13 : i32
    %mul3A_15 = arith.constant 10240 : i32
    %mul3A_16 = arith.muli %arg0, %mul3A_15 : i32
    %mul3A_17 = arith.constant 640 : i32
    %mul3A_18 = arith.muli %arg1, %mul3A_17 : i32
    %add3A_19 = arith.addi %mul3A_16, %mul3A_18 : i32
    "tpu.region"() ({
      %run_scoped3A = tpu.sem_alloc : memref<!tpu.dma_semaphore, #tpu.memory_space<semaphore_mem>>
      %dma_start3A = arith.constant 0 : i32
      %dma_start3A_20 = tpu.memref_slice %arg5[%add3A_19, %dma_start3A] : memref<20480x128xf32, #tpu.memory_space<hbm>> -> memref<640x128xf32, #tpu.memory_space<hbm>>
      %dma_start3A_21 = arith.constant 0 : i32
      %dma_start3A_22 = tpu.memref_slice %arg12[%mul3A_14, %dma_start3A_21] : memref<10240x128xf32, #tpu.memory_space<vmem_shared>> -> memref<640x128xf32, #tpu.memory_space<vmem_shared>>
      tpu.enqueue_dma source(%dma_start3A_22 : memref<640x128xf32, #tpu.memory_space<vmem_shared>>) target(%dma_start3A_20 : memref<640x128xf32, #tpu.memory_space<hbm>>) target_semaphore(%run_scoped3A : memref<!tpu.dma_semaphore, #tpu.memory_space<semaphore_mem>>)
      %dma_wait3A = arith.constant 0 : i32
      %dma_wait3A_23 = tpu.memref_slice %arg5[%add3A_19, %dma_wait3A] : memref<20480x128xf32, #tpu.memory_space<hbm>> -> memref<640x128xf32, #tpu.memory_space<hbm>>
      %dma_wait3A_24 = arith.constant 0 : i32
      %dma_wait3A_25 = tpu.memref_slice %arg12[%mul3A_14, %dma_wait3A_24] : memref<10240x128xf32, #tpu.memory_space<vmem_shared>> -> memref<640x128xf32, #tpu.memory_space<vmem_shared>>
      tpu.wait_dma2 semaphore(%run_scoped3A : memref<!tpu.dma_semaphore, #tpu.memory_space<semaphore_mem>>) src(%dma_wait3A_25 : memref<640x128xf32, #tpu.memory_space<vmem_shared>>) dst(%dma_wait3A_23 : memref<640x128xf32, #tpu.memory_space<hbm>>)
      tpu.yield
    }) : () -> ()
    return
  }
}

#map = affine_map<(d0, d1) -> (0, 0)>
#map1 = affine_map<(d0, d1) -> (0)>
module attributes {stable_mosaic.version = 14 : i64} {
  func.func @_sc_gather_body(%arg0: i32, %arg1: i32, %arg2: memref<10240x128xf32, #tpu.memory_space<hbm>>, %arg3: memref<320000xi32, #tpu.memory_space<hbm>>, %arg4: memref<320000x128xf32, #tpu.memory_space<hbm>>, %arg5: memref<80xi32, #tpu.memory_space<vmem>>, %arg6: memref<80xi32, #tpu.memory_space<vmem>>, %arg7: memref<80x128xf32, #tpu.memory_space<vmem>>, %arg8: memref<80x128xf32, #tpu.memory_space<vmem>>, %arg9: memref<!tpu.dma_semaphore, #tpu.memory_space<semaphore_mem>>, %arg10: memref<!tpu.dma_semaphore, #tpu.memory_space<semaphore_mem>>) attributes {dimension_semantics = [#tpu.dimension_semantics<core_parallel>, #tpu.dimension_semantics<subcore_parallel>], iteration_bounds = array<i64: 2, 16>, scalar_prefetch = 0 : i64, scratch_operands = 6 : i64, tpu.core_type = #tpu.core_type<sc_vector_subcore>, window_params = [{transform_indices = #map}, {transform_indices = #map1}, {transform_indices = #map}]} {
    %mul3A = arith.constant 2 : i32
    %mul3A_0 = arith.muli %arg1, %mul3A : i32
    %add3A = arith.addi %mul3A_0, %arg0 : i32
    %mul3A_1 = arith.constant 10000 : i32
    %mul3A_2 = arith.muli %add3A, %mul3A_1 : i32
    %scan3A = arith.constant 0 : i32
    %scan3A_3 = arith.constant 0 : i32
    %scan3A_4 = arith.constant 62 : i32
    %scan3A_5 = arith.addi %scan3A_3, %scan3A_4 : i32
    %scan3A_6 = arith.constant 1 : i32
    scf.for %scan3A_14 = %scan3A_3 to %scan3A_5 step %scan3A_6  : i32 {
      %mul3A_15 = arith.constant 2 : i32
      %mul3A_16 = arith.muli %mul3A_15, %scan3A_14 : i32
      %mul3A_17 = arith.constant 80 : i32
      %mul3A_18 = arith.muli %mul3A_16, %mul3A_17 : i32
      %add3A_19 = arith.addi %mul3A_2, %mul3A_18 : i32
      %mul3A_20 = arith.constant 2 : i32
      %mul3A_21 = arith.muli %mul3A_20, %scan3A_14 : i32
      %add3A_22 = arith.constant 1 : i32
      %add3A_23 = arith.addi %mul3A_21, %add3A_22 : i32
      %mul3A_24 = arith.constant 80 : i32
      %mul3A_25 = arith.muli %add3A_23, %mul3A_24 : i32
      %add3A_26 = arith.addi %mul3A_2, %mul3A_25 : i32
      "tpu.region"() ({
        %run_scoped3A = tpu.sem_alloc : memref<!tpu.dma_semaphore, #tpu.memory_space<semaphore_mem>>
        %dma_start3A_39 = tpu.memref_slice %arg3[%add3A_19] : memref<320000xi32, #tpu.memory_space<hbm>> -> memref<80xi32, #tpu.memory_space<hbm>>
        %dma_start3A_40 = tpu.memref_slice %arg3[%add3A_19] : memref<320000xi32, #tpu.memory_space<hbm>> -> memref<80xi32, #tpu.memory_space<hbm>>
        tpu.enqueue_dma source(%dma_start3A_40 : memref<80xi32, #tpu.memory_space<hbm>>) target(%arg5 : memref<80xi32, #tpu.memory_space<vmem>>) target_semaphore(%run_scoped3A : memref<!tpu.dma_semaphore, #tpu.memory_space<semaphore_mem>>)
        %dma_wait3A_41 = tpu.memref_slice %arg3[%add3A_19] : memref<320000xi32, #tpu.memory_space<hbm>> -> memref<80xi32, #tpu.memory_space<hbm>>
        %dma_wait3A_42 = tpu.memref_slice %arg3[%add3A_19] : memref<320000xi32, #tpu.memory_space<hbm>> -> memref<80xi32, #tpu.memory_space<hbm>>
        tpu.wait_dma2 semaphore(%run_scoped3A : memref<!tpu.dma_semaphore, #tpu.memory_space<semaphore_mem>>) src(%dma_wait3A_42 : memref<80xi32, #tpu.memory_space<hbm>>) dst(%arg5 : memref<80xi32, #tpu.memory_space<vmem>>)
        tpu.yield
      }) : () -> ()
      %dma_start3A_27 = arith.constant 0 : i32
      %dma_start3A_28 = arith.constant 0 : i32
      %dma_start3A_29 = tpu.memref_slice %arg2[%dma_start3A_27, %dma_start3A_28] : memref<10240x128xf32, #tpu.memory_space<hbm>> -> memref<10240x128xf32, #tpu.memory_space<hbm>>
      tpu.enqueue_indirect_dma source(%dma_start3A_29 : memref<10240x128xf32, #tpu.memory_space<hbm>>) target(%arg7 : memref<80x128xf32, #tpu.memory_space<vmem>>) offsets(%arg5 : memref<80xi32, #tpu.memory_space<vmem>>) semaphore(%arg9 : memref<!tpu.dma_semaphore, #tpu.memory_space<semaphore_mem>>)
      "tpu.region"() ({
        %run_scoped3A = tpu.sem_alloc : memref<!tpu.dma_semaphore, #tpu.memory_space<semaphore_mem>>
        %dma_start3A_39 = tpu.memref_slice %arg3[%add3A_26] : memref<320000xi32, #tpu.memory_space<hbm>> -> memref<80xi32, #tpu.memory_space<hbm>>
        %dma_start3A_40 = tpu.memref_slice %arg3[%add3A_26] : memref<320000xi32, #tpu.memory_space<hbm>> -> memref<80xi32, #tpu.memory_space<hbm>>
        tpu.enqueue_dma source(%dma_start3A_40 : memref<80xi32, #tpu.memory_space<hbm>>) target(%arg6 : memref<80xi32, #tpu.memory_space<vmem>>) target_semaphore(%run_scoped3A : memref<!tpu.dma_semaphore, #tpu.memory_space<semaphore_mem>>)
        %dma_wait3A_41 = tpu.memref_slice %arg3[%add3A_26] : memref<320000xi32, #tpu.memory_space<hbm>> -> memref<80xi32, #tpu.memory_space<hbm>>
        %dma_wait3A_42 = tpu.memref_slice %arg3[%add3A_26] : memref<320000xi32, #tpu.memory_space<hbm>> -> memref<80xi32, #tpu.memory_space<hbm>>
        tpu.wait_dma2 semaphore(%run_scoped3A : memref<!tpu.dma_semaphore, #tpu.memory_space<semaphore_mem>>) src(%dma_wait3A_42 : memref<80xi32, #tpu.memory_space<hbm>>) dst(%arg6 : memref<80xi32, #tpu.memory_space<vmem>>)
        tpu.yield
      }) : () -> ()
      %dma_start3A_30 = arith.constant 0 : i32
      %dma_start3A_31 = arith.constant 0 : i32
      %dma_start3A_32 = tpu.memref_slice %arg2[%dma_start3A_30, %dma_start3A_31] : memref<10240x128xf32, #tpu.memory_space<hbm>> -> memref<10240x128xf32, #tpu.memory_space<hbm>>
      tpu.enqueue_indirect_dma source(%dma_start3A_32 : memref<10240x128xf32, #tpu.memory_space<hbm>>) target(%arg8 : memref<80x128xf32, #tpu.memory_space<vmem>>) offsets(%arg6 : memref<80xi32, #tpu.memory_space<vmem>>) semaphore(%arg10 : memref<!tpu.dma_semaphore, #tpu.memory_space<semaphore_mem>>)
      %dma_wait3A_33 = arith.constant 0 : i32
      %dma_wait3A_34 = arith.constant 0 : i32
      %dma_wait3A_35 = tpu.memref_slice %arg2[%dma_wait3A_33, %dma_wait3A_34] : memref<10240x128xf32, #tpu.memory_space<hbm>> -> memref<10240x128xf32, #tpu.memory_space<hbm>>
      tpu.wait_indirect_dma semaphore(%arg9 : memref<!tpu.dma_semaphore, #tpu.memory_space<semaphore_mem>>) src(%dma_wait3A_35 : memref<10240x128xf32, #tpu.memory_space<hbm>>) dst(%arg7 : memref<80x128xf32, #tpu.memory_space<vmem>>)
      "tpu.region"() ({
        %run_scoped3A = tpu.sem_alloc : memref<!tpu.dma_semaphore, #tpu.memory_space<semaphore_mem>>
        %dma_start3A_39 = arith.constant 0 : i32
        %dma_start3A_40 = tpu.memref_slice %arg4[%add3A_19, %dma_start3A_39] : memref<320000x128xf32, #tpu.memory_space<hbm>> -> memref<80x128xf32, #tpu.memory_space<hbm>>
        %dma_start3A_41 = arith.constant 0 : i32
        %dma_start3A_42 = tpu.memref_slice %arg4[%add3A_19, %dma_start3A_41] : memref<320000x128xf32, #tpu.memory_space<hbm>> -> memref<80x128xf32, #tpu.memory_space<hbm>>
        tpu.enqueue_dma source(%arg7 : memref<80x128xf32, #tpu.memory_space<vmem>>) target(%dma_start3A_42 : memref<80x128xf32, #tpu.memory_space<hbm>>) target_semaphore(%run_scoped3A : memref<!tpu.dma_semaphore, #tpu.memory_space<semaphore_mem>>)
        %dma_wait3A_43 = arith.constant 0 : i32
        %dma_wait3A_44 = tpu.memref_slice %arg4[%add3A_19, %dma_wait3A_43] : memref<320000x128xf32, #tpu.memory_space<hbm>> -> memref<80x128xf32, #tpu.memory_space<hbm>>
        %dma_wait3A_45 = arith.constant 0 : i32
        %dma_wait3A_46 = tpu.memref_slice %arg4[%add3A_19, %dma_wait3A_45] : memref<320000x128xf32, #tpu.memory_space<hbm>> -> memref<80x128xf32, #tpu.memory_space<hbm>>
        tpu.wait_dma2 semaphore(%run_scoped3A : memref<!tpu.dma_semaphore, #tpu.memory_space<semaphore_mem>>) src(%arg7 : memref<80x128xf32, #tpu.memory_space<vmem>>) dst(%dma_wait3A_46 : memref<80x128xf32, #tpu.memory_space<hbm>>)
        tpu.yield
      }) : () -> ()
      %dma_wait3A_36 = arith.constant 0 : i32
      %dma_wait3A_37 = arith.constant 0 : i32
      %dma_wait3A_38 = tpu.memref_slice %arg2[%dma_wait3A_36, %dma_wait3A_37] : memref<10240x128xf32, #tpu.memory_space<hbm>> -> memref<10240x128xf32, #tpu.memory_space<hbm>>
      tpu.wait_indirect_dma semaphore(%arg10 : memref<!tpu.dma_semaphore, #tpu.memory_space<semaphore_mem>>) src(%dma_wait3A_38 : memref<10240x128xf32, #tpu.memory_space<hbm>>) dst(%arg8 : memref<80x128xf32, #tpu.memory_space<vmem>>)
      "tpu.region"() ({
        %run_scoped3A = tpu.sem_alloc : memref<!tpu.dma_semaphore, #tpu.memory_space<semaphore_mem>>
        %dma_start3A_39 = arith.constant 0 : i32
        %dma_start3A_40 = tpu.memref_slice %arg4[%add3A_26, %dma_start3A_39] : memref<320000x128xf32, #tpu.memory_space<hbm>> -> memref<80x128xf32, #tpu.memory_space<hbm>>
        %dma_start3A_41 = arith.constant 0 : i32
        %dma_start3A_42 = tpu.memref_slice %arg4[%add3A_26, %dma_start3A_41] : memref<320000x128xf32, #tpu.memory_space<hbm>> -> memref<80x128xf32, #tpu.memory_space<hbm>>
        tpu.enqueue_dma source(%arg8 : memref<80x128xf32, #tpu.memory_space<vmem>>) target(%dma_start3A_42 : memref<80x128xf32, #tpu.memory_space<hbm>>) target_semaphore(%run_scoped3A : memref<!tpu.dma_semaphore, #tpu.memory_space<semaphore_mem>>)
        %dma_wait3A_43 = arith.constant 0 : i32
        %dma_wait3A_44 = tpu.memref_slice %arg4[%add3A_26, %dma_wait3A_43] : memref<320000x128xf32, #tpu.memory_space<hbm>> -> memref<80x128xf32, #tpu.memory_space<hbm>>
        %dma_wait3A_45 = arith.constant 0 : i32
        %dma_wait3A_46 = tpu.memref_slice %arg4[%add3A_26, %dma_wait3A_45] : memref<320000x128xf32, #tpu.memory_space<hbm>> -> memref<80x128xf32, #tpu.memory_space<hbm>>
        tpu.wait_dma2 semaphore(%run_scoped3A : memref<!tpu.dma_semaphore, #tpu.memory_space<semaphore_mem>>) src(%arg8 : memref<80x128xf32, #tpu.memory_space<vmem>>) dst(%dma_wait3A_46 : memref<80x128xf32, #tpu.memory_space<hbm>>)
        tpu.yield
      }) : () -> ()
    }
    %scan3A_7 = arith.constant 62 : i32
    %add3A_8 = arith.constant 9920 : i32
    %add3A_9 = arith.addi %mul3A_2, %add3A_8 : i32
    "tpu.region"() ({
      %run_scoped3A = tpu.sem_alloc : memref<!tpu.dma_semaphore, #tpu.memory_space<semaphore_mem>>
      %dma_start3A_14 = tpu.memref_slice %arg3[%add3A_9] : memref<320000xi32, #tpu.memory_space<hbm>> -> memref<80xi32, #tpu.memory_space<hbm>>
      %dma_start3A_15 = tpu.memref_slice %arg3[%add3A_9] : memref<320000xi32, #tpu.memory_space<hbm>> -> memref<80xi32, #tpu.memory_space<hbm>>
      tpu.enqueue_dma source(%dma_start3A_15 : memref<80xi32, #tpu.memory_space<hbm>>) target(%arg5 : memref<80xi32, #tpu.memory_space<vmem>>) target_semaphore(%run_scoped3A : memref<!tpu.dma_semaphore, #tpu.memory_space<semaphore_mem>>)
      %dma_wait3A_16 = tpu.memref_slice %arg3[%add3A_9] : memref<320000xi32, #tpu.memory_space<hbm>> -> memref<80xi32, #tpu.memory_space<hbm>>
      %dma_wait3A_17 = tpu.memref_slice %arg3[%add3A_9] : memref<320000xi32, #tpu.memory_space<hbm>> -> memref<80xi32, #tpu.memory_space<hbm>>
      tpu.wait_dma2 semaphore(%run_scoped3A : memref<!tpu.dma_semaphore, #tpu.memory_space<semaphore_mem>>) src(%dma_wait3A_17 : memref<80xi32, #tpu.memory_space<hbm>>) dst(%arg5 : memref<80xi32, #tpu.memory_space<vmem>>)
      tpu.yield
    }) : () -> ()
    %dma_start3A = arith.constant 0 : i32
    %dma_start3A_10 = arith.constant 0 : i32
    %dma_start3A_11 = tpu.memref_slice %arg2[%dma_start3A, %dma_start3A_10] : memref<10240x128xf32, #tpu.memory_space<hbm>> -> memref<10240x128xf32, #tpu.memory_space<hbm>>
    tpu.enqueue_indirect_dma source(%dma_start3A_11 : memref<10240x128xf32, #tpu.memory_space<hbm>>) target(%arg7 : memref<80x128xf32, #tpu.memory_space<vmem>>) offsets(%arg5 : memref<80xi32, #tpu.memory_space<vmem>>) semaphore(%arg9 : memref<!tpu.dma_semaphore, #tpu.memory_space<semaphore_mem>>)
    %dma_wait3A = arith.constant 0 : i32
    %dma_wait3A_12 = arith.constant 0 : i32
    %dma_wait3A_13 = tpu.memref_slice %arg2[%dma_wait3A, %dma_wait3A_12] : memref<10240x128xf32, #tpu.memory_space<hbm>> -> memref<10240x128xf32, #tpu.memory_space<hbm>>
    tpu.wait_indirect_dma semaphore(%arg9 : memref<!tpu.dma_semaphore, #tpu.memory_space<semaphore_mem>>) src(%dma_wait3A_13 : memref<10240x128xf32, #tpu.memory_space<hbm>>) dst(%arg7 : memref<80x128xf32, #tpu.memory_space<vmem>>)
    "tpu.region"() ({
      %run_scoped3A = tpu.sem_alloc : memref<!tpu.dma_semaphore, #tpu.memory_space<semaphore_mem>>
      %dma_start3A_14 = arith.constant 0 : i32
      %dma_start3A_15 = tpu.memref_slice %arg4[%add3A_9, %dma_start3A_14] : memref<320000x128xf32, #tpu.memory_space<hbm>> -> memref<80x128xf32, #tpu.memory_space<hbm>>
      %dma_start3A_16 = arith.constant 0 : i32
      %dma_start3A_17 = tpu.memref_slice %arg4[%add3A_9, %dma_start3A_16] : memref<320000x128xf32, #tpu.memory_space<hbm>> -> memref<80x128xf32, #tpu.memory_space<hbm>>
      tpu.enqueue_dma source(%arg7 : memref<80x128xf32, #tpu.memory_space<vmem>>) target(%dma_start3A_17 : memref<80x128xf32, #tpu.memory_space<hbm>>) target_semaphore(%run_scoped3A : memref<!tpu.dma_semaphore, #tpu.memory_space<semaphore_mem>>)
      %dma_wait3A_18 = arith.constant 0 : i32
      %dma_wait3A_19 = tpu.memref_slice %arg4[%add3A_9, %dma_wait3A_18] : memref<320000x128xf32, #tpu.memory_space<hbm>> -> memref<80x128xf32, #tpu.memory_space<hbm>>
      %dma_wait3A_20 = arith.constant 0 : i32
      %dma_wait3A_21 = tpu.memref_slice %arg4[%add3A_9, %dma_wait3A_20] : memref<320000x128xf32, #tpu.memory_space<hbm>> -> memref<80x128xf32, #tpu.memory_space<hbm>>
      tpu.wait_dma2 semaphore(%run_scoped3A : memref<!tpu.dma_semaphore, #tpu.memory_space<semaphore_mem>>) src(%arg7 : memref<80x128xf32, #tpu.memory_space<vmem>>) dst(%dma_wait3A_21 : memref<80x128xf32, #tpu.memory_space<hbm>>)
      tpu.yield
    }) : () -> ()
    return
  }
}

module attributes {stable_mosaic.version = 14 : i64} {
  func.func @_inv_body(%arg0: i32, %arg1: memref<1x1x2000xi32, #tpu.memory_space<vmem>>, %arg2: memref<2000x3xf32, #tpu.memory_space<vmem>>, %arg3: memref<1x1x2000xi32, #tpu.memory_space<vmem>>, %arg4: memref<1x3xf32, #tpu.memory_space<vmem>>, %arg5: memref<3x3xf32, #tpu.memory_space<vmem>>, %arg6: memref<2xi32, #tpu.memory_space<smem>>) attributes {dimension_semantics = [#tpu.dimension_semantics<arbitrary>], iteration_bounds = array<i64: 160>, scalar_prefetch = 0 : i64, scratch_operands = 1 : i64, tpu.core_type = #tpu.core_type<tc>, window_params = [{transform_indices = @transform_0, window_bounds = array<i64: 1, 1, 2000>}, {transform_indices = @transform_1, window_bounds = array<i64: 2000, 3>}, {transform_indices = @transform_2, window_bounds = array<i64: 1, 1, 2000>}, {pipeline_mode = #tpu.pipeline_mode<synchronous>, transform_indices = @transform_3, window_bounds = array<i64: 1, 3>}, {pipeline_mode = #tpu.pipeline_mode<synchronous>, transform_indices = @transform_4, window_bounds = array<i64: 3, 3>}]} {
    %get3A = arith.constant 0 : index
    %get3A_0 = arith.constant 0 : index
    %get3A_1 = arith.constant 0 : index
    %get3A_2 = vector.load %arg1[%get3A, %get3A_0, %get3A_1] : memref<1x1x2000xi32, #tpu.memory_space<vmem>>, vector<1x1x2000xi32>
    %get3A_3 = vector.shape_cast %get3A_2 : vector<1x1x2000xi32> to vector<1x2000xi32>
    %eq3A = arith.constant 0 : i32
    %eq3A_4 = arith.cmpi eq, %arg0, %eq3A : i32
    %convert_element_type3A = arith.extui %eq3A_4 : i1 to i32
    %cond3A = arith.constant 0 : i32
    %cond3A_5 = arith.cmpi ne, %convert_element_type3A, %cond3A : i32
    scf.if %cond3A_5 {
      %slice3A_162 = vector.extract_strided_slice %get3A_3 {offsets = [0, 0], sizes = [1, 1], strides = [1, 1]} : vector<1x2000xi32> to vector<1x1xi32>
      %squeeze3A_163 = vector.extract %slice3A_162[0, 0] : i32 from vector<1x1xi32>
      %swap3A_164 = arith.constant 0 : index
      %swap3A_165 = memref.load %arg6[%swap3A_164] : memref<2xi32, #tpu.memory_space<smem>>
      memref.store %squeeze3A_163, %arg6[%swap3A_164] : memref<2xi32, #tpu.memory_space<smem>>
      %swap3A_166 = arith.constant 0 : i32
      %swap3A_167 = arith.constant 1 : index
      %swap3A_168 = memref.load %arg6[%swap3A_167] : memref<2xi32, #tpu.memory_space<smem>>
      memref.store %swap3A_166, %arg6[%swap3A_167] : memref<2xi32, #tpu.memory_space<smem>>
      %broadcast_in_dim3A_169 = arith.constant 0.000000e+00 : f32
      %broadcast_in_dim3A_170 = vector.broadcast %broadcast_in_dim3A_169 : f32 to vector<1x3xf32>
      %swap3A_171 = arith.constant 0 : index
      %swap3A_172 = arith.constant 0 : index
      %swap3A_173 = vector.load %arg4[%swap3A_171, %swap3A_172] : memref<1x3xf32, #tpu.memory_space<vmem>>, vector<1x3xf32>
      tpu.vector_store %arg4[%swap3A_171, %swap3A_172], %broadcast_in_dim3A_170 {strides = array<i32>} : memref<1x3xf32, #tpu.memory_space<vmem>>, vector<1x3xf32>,
      %broadcast_in_dim3A_174 = arith.constant 0.000000e+00 : f32
      %broadcast_in_dim3A_175 = vector.broadcast %broadcast_in_dim3A_174 : f32 to vector<3x3xf32>
      %swap3A_176 = arith.constant 0 : index
      %swap3A_177 = arith.constant 0 : index
      %swap3A_178 = vector.load %arg5[%swap3A_176, %swap3A_177] : memref<3x3xf32, #tpu.memory_space<vmem>>, vector<3x3xf32>
      tpu.vector_store %arg5[%swap3A_176, %swap3A_177], %broadcast_in_dim3A_175 {strides = array<i32>} : memref<3x3xf32, #tpu.memory_space<vmem>>, vector<3x3xf32>,
    } else {
    }
    %get3A_6 = arith.constant 0 : index
    %get3A_7 = memref.load %arg6[%get3A_6] : memref<2xi32, #tpu.memory_space<smem>>
    %slice3A = vector.extract_strided_slice %get3A_3 {offsets = [0, 1999], sizes = [1, 1], strides = [1, 1]} : vector<1x2000xi32> to vector<1x1xi32>
    %slice3A_8 = vector.extract_strided_slice %get3A_3 {offsets = [0, 0], sizes = [1, 1999], strides = [1, 1]} : vector<1x2000xi32> to vector<1x1999xi32>
    %concatenate3A = tpu.concatenate %slice3A, %slice3A_8 in 1 : vector<1x1xi32>, vector<1x1999xi32> -> vector<1x2000xi32>
    %iota3A = tpu.iota {dimensions = array<i32: 1>} : vector<1x2000xi32>
    %eq3A_9 = arith.constant 0 : i32
    %eq3A_10 = vector.broadcast %eq3A_9 : i32 to vector<1x2000xi32>
    %eq3A_11 = arith.cmpi eq, %iota3A, %eq3A_10 : vector<1x2000xi32>
    %broadcast_in_dim3A = vector.broadcast %get3A_7 : i32 to vector<1x2000xi32>
    %select_n3A = arith.select %eq3A_11, %broadcast_in_dim3A, %concatenate3A : vector<1x2000xi1>, vector<1x2000xi32>
    %ne3A = arith.cmpi ne, %get3A_3, %select_n3A : vector<1x2000xi32>
    %convert_element_type3A_12 = arith.extui %ne3A : vector<1x2000xi1> to vector<1x2000xi32>
    %ge3A = arith.constant 1 : i32
    %ge3A_13 = vector.broadcast %ge3A : i32 to vector<1x2000xi32>
    %ge3A_14 = arith.cmpi sge, %iota3A, %ge3A_13 : vector<1x2000xi32>
    %slice3A_15 = vector.extract_strided_slice %convert_element_type3A_12 {offsets = [0, 1999], sizes = [1, 1], strides = [1, 1]} : vector<1x2000xi32> to vector<1x1xi32>
    %slice3A_16 = vector.extract_strided_slice %convert_element_type3A_12 {offsets = [0, 0], sizes = [1, 1999], strides = [1, 1]} : vector<1x2000xi32> to vector<1x1999xi32>
    %concatenate3A_17 = tpu.concatenate %slice3A_15, %slice3A_16 in 1 : vector<1x1xi32>, vector<1x1999xi32> -> vector<1x2000xi32>
    %jit3A = arith.constant 0 : i32
    %broadcast_in_dim3A_18 = vector.broadcast %jit3A : i32 to vector<1x2000xi32>
    %select_n3A_19 = arith.select %ge3A_14, %concatenate3A_17, %broadcast_in_dim3A_18 : vector<1x2000xi1>, vector<1x2000xi32>
    %add3A = arith.addi %convert_element_type3A_12, %select_n3A_19 : vector<1x2000xi32>
    %ge3A_20 = arith.constant 2 : i32
    %ge3A_21 = vector.broadcast %ge3A_20 : i32 to vector<1x2000xi32>
    %ge3A_22 = arith.cmpi sge, %iota3A, %ge3A_21 : vector<1x2000xi32>
    %slice3A_23 = vector.extract_strided_slice %add3A {offsets = [0, 1998], sizes = [1, 2], strides = [1, 1]} : vector<1x2000xi32> to vector<1x2xi32>
    %slice3A_24 = vector.extract_strided_slice %add3A {offsets = [0, 0], sizes = [1, 1998], strides = [1, 1]} : vector<1x2000xi32> to vector<1x1998xi32>
    %concatenate3A_25 = tpu.concatenate %slice3A_23, %slice3A_24 in 1 : vector<1x2xi32>, vector<1x1998xi32> -> vector<1x2000xi32>
    %jit3A_26 = arith.constant 0 : i32
    %broadcast_in_dim3A_27 = vector.broadcast %jit3A_26 : i32 to vector<1x2000xi32>
    %select_n3A_28 = arith.select %ge3A_22, %concatenate3A_25, %broadcast_in_dim3A_27 : vector<1x2000xi1>, vector<1x2000xi32>
    %add3A_29 = arith.addi %add3A, %select_n3A_28 : vector<1x2000xi32>
    %ge3A_30 = arith.constant 4 : i32
    %ge3A_31 = vector.broadcast %ge3A_30 : i32 to vector<1x2000xi32>
    %ge3A_32 = arith.cmpi sge, %iota3A, %ge3A_31 : vector<1x2000xi32>
    %slice3A_33 = vector.extract_strided_slice %add3A_29 {offsets = [0, 1996], sizes = [1, 4], strides = [1, 1]} : vector<1x2000xi32> to vector<1x4xi32>
    %slice3A_34 = vector.extract_strided_slice %add3A_29 {offsets = [0, 0], sizes = [1, 1996], strides = [1, 1]} : vector<1x2000xi32> to vector<1x1996xi32>
    %concatenate3A_35 = tpu.concatenate %slice3A_33, %slice3A_34 in 1 : vector<1x4xi32>, vector<1x1996xi32> -> vector<1x2000xi32>
    %jit3A_36 = arith.constant 0 : i32
    %broadcast_in_dim3A_37 = vector.broadcast %jit3A_36 : i32 to vector<1x2000xi32>
    %select_n3A_38 = arith.select %ge3A_32, %concatenate3A_35, %broadcast_in_dim3A_37 : vector<1x2000xi1>, vector<1x2000xi32>
    %add3A_39 = arith.addi %add3A_29, %select_n3A_38 : vector<1x2000xi32>
    %ge3A_40 = arith.constant 8 : i32
    %ge3A_41 = vector.broadcast %ge3A_40 : i32 to vector<1x2000xi32>
    %ge3A_42 = arith.cmpi sge, %iota3A, %ge3A_41 : vector<1x2000xi32>
    %slice3A_43 = vector.extract_strided_slice %add3A_39 {offsets = [0, 1992], sizes = [1, 8], strides = [1, 1]} : vector<1x2000xi32> to vector<1x8xi32>
    %slice3A_44 = vector.extract_strided_slice %add3A_39 {offsets = [0, 0], sizes = [1, 1992], strides = [1, 1]} : vector<1x2000xi32> to vector<1x1992xi32>
    %concatenate3A_45 = tpu.concatenate %slice3A_43, %slice3A_44 in 1 : vector<1x8xi32>, vector<1x1992xi32> -> vector<1x2000xi32>
    %jit3A_46 = arith.constant 0 : i32
    %broadcast_in_dim3A_47 = vector.broadcast %jit3A_46 : i32 to vector<1x2000xi32>
    %select_n3A_48 = arith.select %ge3A_42, %concatenate3A_45, %broadcast_in_dim3A_47 : vector<1x2000xi1>, vector<1x2000xi32>
    %add3A_49 = arith.addi %add3A_39, %select_n3A_48 : vector<1x2000xi32>
    %ge3A_50 = arith.constant 16 : i32
    %ge3A_51 = vector.broadcast %ge3A_50 : i32 to vector<1x2000xi32>
    %ge3A_52 = arith.cmpi sge, %iota3A, %ge3A_51 : vector<1x2000xi32>
    %slice3A_53 = vector.extract_strided_slice %add3A_49 {offsets = [0, 1984], sizes = [1, 16], strides = [1, 1]} : vector<1x2000xi32> to vector<1x16xi32>
    %slice3A_54 = vector.extract_strided_slice %add3A_49 {offsets = [0, 0], sizes = [1, 1984], strides = [1, 1]} : vector<1x2000xi32> to vector<1x1984xi32>
    %concatenate3A_55 = tpu.concatenate %slice3A_53, %slice3A_54 in 1 : vector<1x16xi32>, vector<1x1984xi32> -> vector<1x2000xi32>
    %jit3A_56 = arith.constant 0 : i32
    %broadcast_in_dim3A_57 = vector.broadcast %jit3A_56 : i32 to vector<1x2000xi32>
    %select_n3A_58 = arith.select %ge3A_52, %concatenate3A_55, %broadcast_in_dim3A_57 : vector<1x2000xi1>, vector<1x2000xi32>
    %add3A_59 = arith.addi %add3A_49, %select_n3A_58 : vector<1x2000xi32>
    %ge3A_60 = arith.constant 32 : i32
    %ge3A_61 = vector.broadcast %ge3A_60 : i32 to vector<1x2000xi32>
    %ge3A_62 = arith.cmpi sge, %iota3A, %ge3A_61 : vector<1x2000xi32>
    %slice3A_63 = vector.extract_strided_slice %add3A_59 {offsets = [0, 1968], sizes = [1, 32], strides = [1, 1]} : vector<1x2000xi32> to vector<1x32xi32>
    %slice3A_64 = vector.extract_strided_slice %add3A_59 {offsets = [0, 0], sizes = [1, 1968], strides = [1, 1]} : vector<1x2000xi32> to vector<1x1968xi32>
    %concatenate3A_65 = tpu.concatenate %slice3A_63, %slice3A_64 in 1 : vector<1x32xi32>, vector<1x1968xi32> -> vector<1x2000xi32>
    %jit3A_66 = arith.constant 0 : i32
    %broadcast_in_dim3A_67 = vector.broadcast %jit3A_66 : i32 to vector<1x2000xi32>
    %select_n3A_68 = arith.select %ge3A_62, %concatenate3A_65, %broadcast_in_dim3A_67 : vector<1x2000xi1>, vector<1x2000xi32>
    %add3A_69 = arith.addi %add3A_59, %select_n3A_68 : vector<1x2000xi32>
    %ge3A_70 = arith.constant 64 : i32
    %ge3A_71 = vector.broadcast %ge3A_70 : i32 to vector<1x2000xi32>
    %ge3A_72 = arith.cmpi sge, %iota3A, %ge3A_71 : vector<1x2000xi32>
    %slice3A_73 = vector.extract_strided_slice %add3A_69 {offsets = [0, 1936], sizes = [1, 64], strides = [1, 1]} : vector<1x2000xi32> to vector<1x64xi32>
    %slice3A_74 = vector.extract_strided_slice %add3A_69 {offsets = [0, 0], sizes = [1, 1936], strides = [1, 1]} : vector<1x2000xi32> to vector<1x1936xi32>
    %concatenate3A_75 = tpu.concatenate %slice3A_73, %slice3A_74 in 1 : vector<1x64xi32>, vector<1x1936xi32> -> vector<1x2000xi32>
    %jit3A_76 = arith.constant 0 : i32
    %broadcast_in_dim3A_77 = vector.broadcast %jit3A_76 : i32 to vector<1x2000xi32>
    %select_n3A_78 = arith.select %ge3A_72, %concatenate3A_75, %broadcast_in_dim3A_77 : vector<1x2000xi1>, vector<1x2000xi32>
    %add3A_79 = arith.addi %add3A_69, %select_n3A_78 : vector<1x2000xi32>
    %ge3A_80 = arith.constant 128 : i32
    %ge3A_81 = vector.broadcast %ge3A_80 : i32 to vector<1x2000xi32>
    %ge3A_82 = arith.cmpi sge, %iota3A, %ge3A_81 : vector<1x2000xi32>
    %slice3A_83 = vector.extract_strided_slice %add3A_79 {offsets = [0, 1872], sizes = [1, 128], strides = [1, 1]} : vector<1x2000xi32> to vector<1x128xi32>
    %slice3A_84 = vector.extract_strided_slice %add3A_79 {offsets = [0, 0], sizes = [1, 1872], strides = [1, 1]} : vector<1x2000xi32> to vector<1x1872xi32>
    %concatenate3A_85 = tpu.concatenate %slice3A_83, %slice3A_84 in 1 : vector<1x128xi32>, vector<1x1872xi32> -> vector<1x2000xi32>
    %jit3A_86 = arith.constant 0 : i32
    %broadcast_in_dim3A_87 = vector.broadcast %jit3A_86 : i32 to vector<1x2000xi32>
    %select_n3A_88 = arith.select %ge3A_82, %concatenate3A_85, %broadcast_in_dim3A_87 : vector<1x2000xi1>, vector<1x2000xi32>
    %add3A_89 = arith.addi %add3A_79, %select_n3A_88 : vector<1x2000xi32>
    %ge3A_90 = arith.constant 256 : i32
    %ge3A_91 = vector.broadcast %ge3A_90 : i32 to vector<1x2000xi32>
    %ge3A_92 = arith.cmpi sge, %iota3A, %ge3A_91 : vector<1x2000xi32>
    %slice3A_93 = vector.extract_strided_slice %add3A_89 {offsets = [0, 1744], sizes = [1, 256], strides = [1, 1]} : vector<1x2000xi32> to vector<1x256xi32>
    %slice3A_94 = vector.extract_strided_slice %add3A_89 {offsets = [0, 0], sizes = [1, 1744], strides = [1, 1]} : vector<1x2000xi32> to vector<1x1744xi32>
    %concatenate3A_95 = tpu.concatenate %slice3A_93, %slice3A_94 in 1 : vector<1x256xi32>, vector<1x1744xi32> -> vector<1x2000xi32>
    %jit3A_96 = arith.constant 0 : i32
    %broadcast_in_dim3A_97 = vector.broadcast %jit3A_96 : i32 to vector<1x2000xi32>
    %select_n3A_98 = arith.select %ge3A_92, %concatenate3A_95, %broadcast_in_dim3A_97 : vector<1x2000xi1>, vector<1x2000xi32>
    %add3A_99 = arith.addi %add3A_89, %select_n3A_98 : vector<1x2000xi32>
    %ge3A_100 = arith.constant 512 : i32
    %ge3A_101 = vector.broadcast %ge3A_100 : i32 to vector<1x2000xi32>
    %ge3A_102 = arith.cmpi sge, %iota3A, %ge3A_101 : vector<1x2000xi32>
    %slice3A_103 = vector.extract_strided_slice %add3A_99 {offsets = [0, 1488], sizes = [1, 512], strides = [1, 1]} : vector<1x2000xi32> to vector<1x512xi32>
    %slice3A_104 = vector.extract_strided_slice %add3A_99 {offsets = [0, 0], sizes = [1, 1488], strides = [1, 1]} : vector<1x2000xi32> to vector<1x1488xi32>
    %concatenate3A_105 = tpu.concatenate %slice3A_103, %slice3A_104 in 1 : vector<1x512xi32>, vector<1x1488xi32> -> vector<1x2000xi32>
    %jit3A_106 = arith.constant 0 : i32
    %broadcast_in_dim3A_107 = vector.broadcast %jit3A_106 : i32 to vector<1x2000xi32>
    %select_n3A_108 = arith.select %ge3A_102, %concatenate3A_105, %broadcast_in_dim3A_107 : vector<1x2000xi1>, vector<1x2000xi32>
    %add3A_109 = arith.addi %add3A_99, %select_n3A_108 : vector<1x2000xi32>
    %ge3A_110 = arith.constant 1024 : i32
    %ge3A_111 = vector.broadcast %ge3A_110 : i32 to vector<1x2000xi32>
    %ge3A_112 = arith.cmpi sge, %iota3A, %ge3A_111 : vector<1x2000xi32>
    %slice3A_113 = vector.extract_strided_slice %add3A_109 {offsets = [0, 976], sizes = [1, 1024], strides = [1, 1]} : vector<1x2000xi32> to vector<1x1024xi32>
    %slice3A_114 = vector.extract_strided_slice %add3A_109 {offsets = [0, 0], sizes = [1, 976], strides = [1, 1]} : vector<1x2000xi32> to vector<1x976xi32>
    %concatenate3A_115 = tpu.concatenate %slice3A_113, %slice3A_114 in 1 : vector<1x1024xi32>, vector<1x976xi32> -> vector<1x2000xi32>
    %jit3A_116 = arith.constant 0 : i32
    %broadcast_in_dim3A_117 = vector.broadcast %jit3A_116 : i32 to vector<1x2000xi32>
    %select_n3A_118 = arith.select %ge3A_112, %concatenate3A_115, %broadcast_in_dim3A_117 : vector<1x2000xi1>, vector<1x2000xi32>
    %add3A_119 = arith.addi %add3A_109, %select_n3A_118 : vector<1x2000xi32>
    %get3A_120 = arith.constant 1 : index
    %get3A_121 = memref.load %arg6[%get3A_120] : memref<2xi32, #tpu.memory_space<smem>>
    %add3A_122 = vector.broadcast %get3A_121 : i32 to vector<1x2000xi32>
    %add3A_123 = arith.addi %add3A_122, %add3A_119 : vector<1x2000xi32>
    %swap3A = arith.constant 0 : index
    %swap3A_124 = arith.constant 0 : index
    %swap3A_125 = arith.constant 0 : index
    %swap3A_126 = vector.load %arg3[%swap3A, %swap3A_124, %swap3A_125] : memref<1x1x2000xi32, #tpu.memory_space<vmem>>, vector<1x1x2000xi32>
    %swap3A_127 = vector.shape_cast %swap3A_126 : vector<1x1x2000xi32> to vector<1x2000xi32>
    %swap3A_128 = vector.shape_cast %add3A_123 : vector<1x2000xi32> to vector<1x1x2000xi32>
    tpu.vector_store %arg3[%swap3A, %swap3A_124, %swap3A_125], %swap3A_128 {strides = array<i32>} : memref<1x1x2000xi32, #tpu.memory_space<vmem>>, vector<1x1x2000xi32>,
    %get3A_129 = arith.constant 1 : index
    %get3A_130 = memref.load %arg6[%get3A_129] : memref<2xi32, #tpu.memory_space<smem>>
    %reduce_sum3A = vector.shape_cast %convert_element_type3A_12 : vector<1x2000xi32> to vector<1x1x2000xi32>
    %reduce_sum3A_131 = arith.constant dense<0> : vector<1xi32>
    %reduce_sum3A_132 = vector.multi_reduction <add>, %reduce_sum3A, %reduce_sum3A_131 [1, 2] : vector<1x1x2000xi32> to vector<1xi32>
    %reduce_sum3A_133 = vector.shape_cast %reduce_sum3A_132 : vector<1xi32> to vector<1x1x1xi32>
    %reduce_sum3A_134 = vector.extract %reduce_sum3A_133[0, 0, 0] : i32 from vector<1x1x1xi32>
    %add3A_135 = arith.addi %get3A_130, %reduce_sum3A_134 : i32
    %swap3A_136 = arith.constant 1 : index
    %swap3A_137 = memref.load %arg6[%swap3A_136] : memref<2xi32, #tpu.memory_space<smem>>
    memref.store %add3A_135, %arg6[%swap3A_136] : memref<2xi32, #tpu.memory_space<smem>>
    %slice3A_138 = vector.extract_strided_slice %get3A_3 {offsets = [0, 1999], sizes = [1, 1], strides = [1, 1]} : vector<1x2000xi32> to vector<1x1xi32>
    %squeeze3A = vector.extract %slice3A_138[0, 0] : i32 from vector<1x1xi32>
    %swap3A_139 = arith.constant 0 : index
    %swap3A_140 = memref.load %arg6[%swap3A_139] : memref<2xi32, #tpu.memory_space<smem>>
    memref.store %squeeze3A, %arg6[%swap3A_139] : memref<2xi32, #tpu.memory_space<smem>>
    %get3A_141 = arith.constant 0 : index
    %get3A_142 = arith.constant 0 : index
    %get3A_143 = vector.load %arg2[%get3A_141, %get3A_142] : memref<2000x3xf32, #tpu.memory_space<vmem>>, vector<2000x3xf32>
    %get3A_144 = arith.constant 0 : index
    %get3A_145 = arith.constant 0 : index
    %get3A_146 = vector.load %arg4[%get3A_144, %get3A_145] : memref<1x3xf32, #tpu.memory_space<vmem>>, vector<1x3xf32>
    %reduce_sum3A_147 = arith.constant dense<0.000000e+00> : vector<3xf32>
    %reduce_sum3A_148 = vector.multi_reduction <add>, %get3A_143, %reduce_sum3A_147 [0] : vector<2000x3xf32> to vector<3xf32>
    %broadcast_in_dim3A_149 = vector.shape_cast %reduce_sum3A_148 : vector<3xf32> to vector<1x3xf32>
    %add3A_150 = arith.addf %get3A_146, %broadcast_in_dim3A_149 : vector<1x3xf32>
    %swap3A_151 = arith.constant 0 : index
    %swap3A_152 = arith.constant 0 : index
    %swap3A_153 = vector.load %arg4[%swap3A_151, %swap3A_152] : memref<1x3xf32, #tpu.memory_space<vmem>>, vector<1x3xf32>
    tpu.vector_store %arg4[%swap3A_151, %swap3A_152], %add3A_150 {strides = array<i32>} : memref<1x3xf32, #tpu.memory_space<vmem>>, vector<1x3xf32>,
    %get3A_154 = arith.constant 0 : index
    %get3A_155 = arith.constant 0 : index
    %get3A_156 = vector.load %arg5[%get3A_154, %get3A_155] : memref<3x3xf32, #tpu.memory_space<vmem>>, vector<3x3xf32>
    %dot_general3A = arith.constant dense<0.000000e+00> : vector<3x3xf32>
    %dot_general3A_157 = tpu.matmul %get3A_143, %get3A_143, %dot_general3A {dimension_numbers = #tpu.dot_dimension_numbers<[0], [0], [1], [1], [0, 1, 1, 1], [], []>, precision = #tpu.contract_precision<fp32>, transpose_lhs_hint = false} : vector<2000x3xf32>, vector<2000x3xf32>, vector<3x3xf32> -> vector<3x3xf32>
    %add3A_158 = arith.addf %get3A_156, %dot_general3A_157 : vector<3x3xf32>
    %swap3A_159 = arith.constant 0 : index
    %swap3A_160 = arith.constant 0 : index
    %swap3A_161 = vector.load %arg5[%swap3A_159, %swap3A_160] : memref<3x3xf32, #tpu.memory_space<vmem>>, vector<3x3xf32>
    tpu.vector_store %arg5[%swap3A_159, %swap3A_160], %add3A_158 {strides = array<i32>} : memref<3x3xf32, #tpu.memory_space<vmem>>, vector<3x3xf32>,
    return
  }
  func.func @transform_0(%arg0: i32) -> (i32, i32, i32) {
    %c0_i32 = arith.constant 0 : i32
    %c0_i32_0 = arith.constant 0 : i32
    %c0_i32_1 = arith.constant 0 : i32
    return %arg0, %c0_i32, %c0_i32_0 : i32, i32, i32
  }
  func.func @transform_1(%arg0: i32) -> (i32, i32) {
    %c0_i32 = arith.constant 0 : i32
    %c0_i32_0 = arith.constant 0 : i32
    return %arg0, %c0_i32 : i32, i32
  }
  func.func @transform_2(%arg0: i32) -> (i32, i32, i32) {
    %c0_i32 = arith.constant 0 : i32
    %c0_i32_0 = arith.constant 0 : i32
    %c0_i32_1 = arith.constant 0 : i32
    return %arg0, %c0_i32, %c0_i32_0 : i32, i32, i32
  }
  func.func @transform_3(%arg0: i32) -> (i32, i32) {
    %c0_i32 = arith.constant 0 : i32
    %c0_i32_0 = arith.constant 0 : i32
    %c0_i32_1 = arith.constant 0 : i32
    return %c0_i32, %c0_i32_0 : i32, i32
  }
  func.func @transform_4(%arg0: i32) -> (i32, i32) {
    %c0_i32 = arith.constant 0 : i32
    %c0_i32_0 = arith.constant 0 : i32
    %c0_i32_1 = arith.constant 0 : i32
    return %c0_i32, %c0_i32_0 : i32, i32
  }
}

module attributes {stable_mosaic.version = 14 : i64} {
  func.func @_kB_body(%arg0: i32, %arg1: memref<4000x3xf32, #tpu.memory_space<vmem>>, %arg2: memref<1x3xf32, #tpu.memory_space<vmem>>, %arg3: memref<3x3xf32, #tpu.memory_space<vmem>>, %arg4: memref<3x16xf32, #tpu.memory_space<vmem>>, %arg5: memref<1x16xf32, #tpu.memory_space<vmem>>, %arg6: memref<1x16xf32, #tpu.memory_space<vmem>>, %arg7: memref<1x16xf32, #tpu.memory_space<vmem>>, %arg8: memref<16x16xf32, #tpu.memory_space<vmem>>) attributes {dimension_semantics = [#tpu.dimension_semantics<arbitrary>], iteration_bounds = array<i64: 80>, scalar_prefetch = 0 : i64, scratch_operands = 0 : i64, tpu.core_type = #tpu.core_type<tc>, window_params = [{transform_indices = @transform_0, window_bounds = array<i64: 4000, 3>}, {pipeline_mode = #tpu.pipeline_mode<synchronous>, transform_indices = @transform_1, window_bounds = array<i64: 1, 3>}, {pipeline_mode = #tpu.pipeline_mode<synchronous>, transform_indices = @transform_2, window_bounds = array<i64: 3, 3>}, {pipeline_mode = #tpu.pipeline_mode<synchronous>, transform_indices = @transform_3, window_bounds = array<i64: 3, 16>}, {pipeline_mode = #tpu.pipeline_mode<synchronous>, transform_indices = @transform_4, window_bounds = array<i64: 1, 16>}, {pipeline_mode = #tpu.pipeline_mode<synchronous>, transform_indices = @transform_5, window_bounds = array<i64: 1, 16>}, {pipeline_mode = #tpu.pipeline_mode<synchronous>, transform_indices = @transform_6, window_bounds = array<i64: 1, 16>}, {pipeline_mode = #tpu.pipeline_mode<synchronous>, transform_indices = @transform_7, window_bounds = array<i64: 16, 16>}]} {
    %eq3A = arith.constant 0 : i32
    %eq3A_0 = arith.cmpi eq, %arg0, %eq3A : i32
    %convert_element_type3A = arith.extui %eq3A_0 : i1 to i32
    %cond3A = arith.constant 0 : i32
    %cond3A_1 = arith.cmpi ne, %convert_element_type3A, %cond3A : i32
    scf.if %cond3A_1 {
      %broadcast_in_dim3A_60 = arith.constant 0.000000e+00 : f32
      %broadcast_in_dim3A_61 = vector.broadcast %broadcast_in_dim3A_60 : f32 to vector<1x16xf32>
      %swap3A_62 = arith.constant 0 : index
      %swap3A_63 = arith.constant 0 : index
      %swap3A_64 = vector.load %arg7[%swap3A_62, %swap3A_63] : memref<1x16xf32, #tpu.memory_space<vmem>>, vector<1x16xf32>
      tpu.vector_store %arg7[%swap3A_62, %swap3A_63], %broadcast_in_dim3A_61 {strides = array<i32>} : memref<1x16xf32, #tpu.memory_space<vmem>>, vector<1x16xf32>,
      %broadcast_in_dim3A_65 = arith.constant 0.000000e+00 : f32
      %broadcast_in_dim3A_66 = vector.broadcast %broadcast_in_dim3A_65 : f32 to vector<16x16xf32>
      %swap3A_67 = arith.constant 0 : index
      %swap3A_68 = arith.constant 0 : index
      %swap3A_69 = vector.load %arg8[%swap3A_67, %swap3A_68] : memref<16x16xf32, #tpu.memory_space<vmem>>, vector<16x16xf32>
      tpu.vector_store %arg8[%swap3A_67, %swap3A_68], %broadcast_in_dim3A_66 {strides = array<i32>} : memref<16x16xf32, #tpu.memory_space<vmem>>, vector<16x16xf32>,
    } else {
    }
    %get3A = arith.constant 0 : index
    %get3A_2 = arith.constant 0 : index
    %get3A_3 = vector.load %arg4[%get3A, %get3A_2] : memref<3x16xf32, #tpu.memory_space<vmem>>, vector<3x16xf32>
    %get3A_4 = arith.constant 0 : index
    %get3A_5 = arith.constant 0 : index
    %get3A_6 = vector.load %arg2[%get3A_4, %get3A_5] : memref<1x3xf32, #tpu.memory_space<vmem>>, vector<1x3xf32>
    %get3A_7 = arith.constant 0 : index
    %get3A_8 = arith.constant 0 : index
    %get3A_9 = vector.load %arg3[%get3A_7, %get3A_8] : memref<3x3xf32, #tpu.memory_space<vmem>>, vector<3x3xf32>
    %get3A_10 = arith.constant 0 : index
    %get3A_11 = arith.constant 0 : index
    %get3A_12 = vector.load %arg5[%get3A_10, %get3A_11] : memref<1x16xf32, #tpu.memory_space<vmem>>, vector<1x16xf32>
    %get3A_13 = arith.constant 0 : index
    %get3A_14 = arith.constant 0 : index
    %get3A_15 = vector.load %arg6[%get3A_13, %get3A_14] : memref<1x16xf32, #tpu.memory_space<vmem>>, vector<1x16xf32>
    %dot_general3A = arith.constant dense<0.000000e+00> : vector<1x16xf32>
    %dot_general3A_16 = tpu.matmul %get3A_6, %get3A_3, %dot_general3A {dimension_numbers = #tpu.dot_dimension_numbers<[1], [0], [0], [1], [0, 0, 1, 1], [], []>, precision = #tpu.contract_precision<fp32>, transpose_lhs_hint = false} : vector<1x3xf32>, vector<3x16xf32>, vector<1x16xf32> -> vector<1x16xf32>
    %div3A = arith.constant 3.200000e+05 : f32
    %div3A_17 = vector.broadcast %div3A : f32 to vector<1x16xf32>
    %div3A_18 = arith.divf %dot_general3A_16, %div3A_17 : vector<1x16xf32>
    %dot_general3A_19 = arith.constant dense<0.000000e+00> : vector<3x16xf32>
    %dot_general3A_20 = tpu.matmul %get3A_9, %get3A_3, %dot_general3A_19 {dimension_numbers = #tpu.dot_dimension_numbers<[1], [0], [0], [1], [0, 0, 1, 1], [], []>, precision = #tpu.contract_precision<fp32>, transpose_lhs_hint = false} : vector<3x3xf32>, vector<3x16xf32>, vector<3x16xf32> -> vector<3x16xf32>
    %mul3A = arith.mulf %get3A_3, %dot_general3A_20 : vector<3x16xf32>
    %reduce_sum3A = arith.constant dense<0.000000e+00> : vector<16xf32>
    %reduce_sum3A_21 = vector.multi_reduction <add>, %mul3A, %reduce_sum3A [0] : vector<3x16xf32> to vector<16xf32>
    %broadcast_in_dim3A = vector.shape_cast %reduce_sum3A_21 : vector<16xf32> to vector<1x16xf32>
    %div3A_22 = arith.constant 3.200000e+05 : f32
    %div3A_23 = vector.broadcast %div3A_22 : f32 to vector<1x16xf32>
    %div3A_24 = arith.divf %broadcast_in_dim3A, %div3A_23 : vector<1x16xf32>
    %mul3A_25 = arith.mulf %div3A_18, %div3A_18 : vector<1x16xf32>
    %sub3A = arith.subf %div3A_24, %mul3A_25 : vector<1x16xf32>
    %add3A = arith.constant 9.99999974E-6 : f32
    %add3A_26 = vector.broadcast %add3A : f32 to vector<1x16xf32>
    %add3A_27 = arith.addf %sub3A, %add3A_26 : vector<1x16xf32>
    %sqrt3A = math.sqrt %add3A_27 : vector<1x16xf32>
    %div3A_28 = arith.divf %get3A_12, %sqrt3A : vector<1x16xf32>
    %mul3A_29 = arith.mulf %div3A_18, %div3A_28 : vector<1x16xf32>
    %sub3A_30 = arith.subf %get3A_15, %mul3A_29 : vector<1x16xf32>
    %get3A_31 = arith.constant 0 : index
    %get3A_32 = arith.constant 0 : index
    %get3A_33 = vector.load %arg1[%get3A_31, %get3A_32] : memref<4000x3xf32, #tpu.memory_space<vmem>>, vector<4000x3xf32>
    %dot_general3A_34 = arith.constant dense<0.000000e+00> : vector<4000x16xf32>
    %dot_general3A_35 = tpu.matmul %get3A_33, %get3A_3, %dot_general3A_34 {dimension_numbers = #tpu.dot_dimension_numbers<[1], [0], [0], [1], [0, 0, 1, 1], [], []>, transpose_lhs_hint = false} : vector<4000x3xf32>, vector<3x16xf32>, vector<4000x16xf32> -> vector<4000x16xf32>
    %mul3A_36 = vector.broadcast %div3A_28 : vector<1x16xf32> to vector<4000x16xf32>
    %mul3A_37 = arith.mulf %dot_general3A_35, %mul3A_36 : vector<4000x16xf32>
    %add3A_38 = vector.broadcast %sub3A_30 : vector<1x16xf32> to vector<4000x16xf32>
    %add3A_39 = arith.addf %mul3A_37, %add3A_38 : vector<4000x16xf32>
    %max3A = arith.constant 0.000000e+00 : f32
    %max3A_40 = vector.broadcast %max3A : f32 to vector<4000x16xf32>
    %max3A_41 = arith.maximumf %add3A_39, %max3A_40 : vector<4000x16xf32>
    %get3A_42 = arith.constant 0 : index
    %get3A_43 = arith.constant 0 : index
    %get3A_44 = vector.load %arg7[%get3A_42, %get3A_43] : memref<1x16xf32, #tpu.memory_space<vmem>>, vector<1x16xf32>
    %reduce_sum3A_45 = arith.constant dense<0.000000e+00> : vector<16xf32>
    %reduce_sum3A_46 = vector.multi_reduction <add>, %max3A_41, %reduce_sum3A_45 [0] : vector<4000x16xf32> to vector<16xf32>
    %broadcast_in_dim3A_47 = vector.shape_cast %reduce_sum3A_46 : vector<16xf32> to vector<1x16xf32>
    %add3A_48 = arith.addf %get3A_44, %broadcast_in_dim3A_47 : vector<1x16xf32>
    %swap3A = arith.constant 0 : index
    %swap3A_49 = arith.constant 0 : index
    %swap3A_50 = vector.load %arg7[%swap3A, %swap3A_49] : memref<1x16xf32, #tpu.memory_space<vmem>>, vector<1x16xf32>
    tpu.vector_store %arg7[%swap3A, %swap3A_49], %add3A_48 {strides = array<i32>} : memref<1x16xf32, #tpu.memory_space<vmem>>, vector<1x16xf32>,
    %get3A_51 = arith.constant 0 : index
    %get3A_52 = arith.constant 0 : index
    %get3A_53 = vector.load %arg8[%get3A_51, %get3A_52] : memref<16x16xf32, #tpu.memory_space<vmem>>, vector<16x16xf32>
    %dot_general3A_54 = arith.constant dense<0.000000e+00> : vector<16x16xf32>
    %dot_general3A_55 = tpu.matmul %max3A_41, %max3A_41, %dot_general3A_54 {dimension_numbers = #tpu.dot_dimension_numbers<[0], [0], [1], [1], [0, 1, 1, 1], [], []>, precision = #tpu.contract_precision<fp32>, transpose_lhs_hint = false} : vector<4000x16xf32>, vector<4000x16xf32>, vector<16x16xf32> -> vector<16x16xf32>
    %add3A_56 = arith.addf %get3A_53, %dot_general3A_55 : vector<16x16xf32>
    %swap3A_57 = arith.constant 0 : index
    %swap3A_58 = arith.constant 0 : index
    %swap3A_59 = vector.load %arg8[%swap3A_57, %swap3A_58] : memref<16x16xf32, #tpu.memory_space<vmem>>, vector<16x16xf32>
    tpu.vector_store %arg8[%swap3A_57, %swap3A_58], %add3A_56 {strides = array<i32>} : memref<16x16xf32, #tpu.memory_space<vmem>>, vector<16x16xf32>,
    return
  }
  func.func @transform_0(%arg0: i32) -> (i32, i32) {
    %c0_i32 = arith.constant 0 : i32
    %c0_i32_0 = arith.constant 0 : i32
    return %arg0, %c0_i32 : i32, i32
  }
  func.func @transform_1(%arg0: i32) -> (i32, i32) {
    %c0_i32 = arith.constant 0 : i32
    %c0_i32_0 = arith.constant 0 : i32
    %c0_i32_1 = arith.constant 0 : i32
    return %c0_i32, %c0_i32_0 : i32, i32
  }
  func.func @transform_2(%arg0: i32) -> (i32, i32) {
    %c0_i32 = arith.constant 0 : i32
    %c0_i32_0 = arith.constant 0 : i32
    %c0_i32_1 = arith.constant 0 : i32
    return %c0_i32, %c0_i32_0 : i32, i32
  }
  func.func @transform_3(%arg0: i32) -> (i32, i32) {
    %c0_i32 = arith.constant 0 : i32
    %c0_i32_0 = arith.constant 0 : i32
    %c0_i32_1 = arith.constant 0 : i32
    return %c0_i32, %c0_i32_0 : i32, i32
  }
  func.func @transform_4(%arg0: i32) -> (i32, i32) {
    %c0_i32 = arith.constant 0 : i32
    %c0_i32_0 = arith.constant 0 : i32
    %c0_i32_1 = arith.constant 0 : i32
    return %c0_i32, %c0_i32_0 : i32, i32
  }
  func.func @transform_5(%arg0: i32) -> (i32, i32) {
    %c0_i32 = arith.constant 0 : i32
    %c0_i32_0 = arith.constant 0 : i32
    %c0_i32_1 = arith.constant 0 : i32
    return %c0_i32, %c0_i32_0 : i32, i32
  }
  func.func @transform_6(%arg0: i32) -> (i32, i32) {
    %c0_i32 = arith.constant 0 : i32
    %c0_i32_0 = arith.constant 0 : i32
    %c0_i32_1 = arith.constant 0 : i32
    return %c0_i32, %c0_i32_0 : i32, i32
  }
  func.func @transform_7(%arg0: i32) -> (i32, i32) {
    %c0_i32 = arith.constant 0 : i32
    %c0_i32_0 = arith.constant 0 : i32
    %c0_i32_1 = arith.constant 0 : i32
    return %c0_i32, %c0_i32_0 : i32, i32
  }
}

module attributes {stable_mosaic.version = 14 : i64} {
  func.func @_kC_body(%arg0: i32, %arg1: memref<4000x3xf32, #tpu.memory_space<vmem>>, %arg2: memref<4000x64xf32, #tpu.memory_space<vmem>>, %arg3: memref<1x3xf32, #tpu.memory_space<vmem>>, %arg4: memref<3x3xf32, #tpu.memory_space<vmem>>, %arg5: memref<3x16xf32, #tpu.memory_space<vmem>>, %arg6: memref<1x16xf32, #tpu.memory_space<vmem>>, %arg7: memref<1x16xf32, #tpu.memory_space<vmem>>, %arg8: memref<1x16xf32, #tpu.memory_space<vmem>>, %arg9: memref<16x16xf32, #tpu.memory_space<vmem>>, %arg10: memref<16x64xf32, #tpu.memory_space<vmem>>, %arg11: memref<1x64xf32, #tpu.memory_space<vmem>>, %arg12: memref<1x64xf32, #tpu.memory_space<vmem>>, %arg13: memref<1x64xf32, #tpu.memory_space<vmem>>, %arg14: memref<64x64xf32, #tpu.memory_space<vmem>>) attributes {dimension_semantics = [#tpu.dimension_semantics<arbitrary>], iteration_bounds = array<i64: 80>, scalar_prefetch = 0 : i64, scratch_operands = 0 : i64, tpu.core_type = #tpu.core_type<tc>, window_params = [{transform_indices = @transform_0, window_bounds = array<i64: 4000, 3>}, {transform_indices = @transform_1, window_bounds = array<i64: 4000, 64>}, {pipeline_mode = #tpu.pipeline_mode<synchronous>, transform_indices = @transform_2, window_bounds = array<i64: 1, 3>}, {pipeline_mode = #tpu.pipeline_mode<synchronous>, transform_indices = @transform_3, window_bounds = array<i64: 3, 3>}, {pipeline_mode = #tpu.pipeline_mode<synchronous>, transform_indices = @transform_4, window_bounds = array<i64: 3, 16>}, {pipeline_mode = #tpu.pipeline_mode<synchronous>, transform_indices = @transform_5, window_bounds = array<i64: 1, 16>}, {pipeline_mode = #tpu.pipeline_mode<synchronous>, transform_indices = @transform_6, window_bounds = array<i64: 1, 16>}, {pipeline_mode = #tpu.pipeline_mode<synchronous>, transform_indices = @transform_7, window_bounds = array<i64: 1, 16>}, {pipeline_mode = #tpu.pipeline_mode<synchronous>, transform_indices = @transform_8, window_bounds = array<i64: 16, 16>}, {pipeline_mode = #tpu.pipeline_mode<synchronous>, transform_indices = @transform_9, window_bounds = array<i64: 16, 64>}, {pipeline_mode = #tpu.pipeline_mode<synchronous>, transform_indices = @transform_10, window_bounds = array<i64: 1, 64>}, {pipeline_mode = #tpu.pipeline_mode<synchronous>, transform_indices = @transform_11, window_bounds = array<i64: 1, 64>}, {pipeline_mode = #tpu.pipeline_mode<synchronous>, transform_indices = @transform_12, window_bounds = array<i64: 1, 64>}, {pipeline_mode = #tpu.pipeline_mode<synchronous>, transform_indices = @transform_13, window_bounds = array<i64: 64, 64>}]} {
    %eq3A = arith.constant 0 : i32
    %eq3A_0 = arith.cmpi eq, %arg0, %eq3A : i32
    %convert_element_type3A = arith.extui %eq3A_0 : i1 to i32
    %cond3A = arith.constant 0 : i32
    %cond3A_1 = arith.cmpi ne, %convert_element_type3A, %cond3A : i32
    scf.if %cond3A_1 {
      %broadcast_in_dim3A_111 = arith.constant 0.000000e+00 : f32
      %broadcast_in_dim3A_112 = vector.broadcast %broadcast_in_dim3A_111 : f32 to vector<1x64xf32>
      %swap3A_113 = arith.constant 0 : index
      %swap3A_114 = arith.constant 0 : index
      %swap3A_115 = vector.load %arg13[%swap3A_113, %swap3A_114] : memref<1x64xf32, #tpu.memory_space<vmem>>, vector<1x64xf32>
      tpu.vector_store %arg13[%swap3A_113, %swap3A_114], %broadcast_in_dim3A_112 {strides = array<i32>} : memref<1x64xf32, #tpu.memory_space<vmem>>, vector<1x64xf32>,
      %broadcast_in_dim3A_116 = arith.constant 0.000000e+00 : f32
      %broadcast_in_dim3A_117 = vector.broadcast %broadcast_in_dim3A_116 : f32 to vector<64x64xf32>
      %swap3A_118 = arith.constant 0 : index
      %swap3A_119 = arith.constant 0 : index
      %swap3A_120 = vector.load %arg14[%swap3A_118, %swap3A_119] : memref<64x64xf32, #tpu.memory_space<vmem>>, vector<64x64xf32>
      tpu.vector_store %arg14[%swap3A_118, %swap3A_119], %broadcast_in_dim3A_117 {strides = array<i32>} : memref<64x64xf32, #tpu.memory_space<vmem>>, vector<64x64xf32>,
    } else {
    }
    %get3A = arith.constant 0 : index
    %get3A_2 = arith.constant 0 : index
    %get3A_3 = vector.load %arg5[%get3A, %get3A_2] : memref<3x16xf32, #tpu.memory_space<vmem>>, vector<3x16xf32>
    %get3A_4 = arith.constant 0 : index
    %get3A_5 = arith.constant 0 : index
    %get3A_6 = vector.load %arg10[%get3A_4, %get3A_5] : memref<16x64xf32, #tpu.memory_space<vmem>>, vector<16x64xf32>
    %get3A_7 = arith.constant 0 : index
    %get3A_8 = arith.constant 0 : index
    %get3A_9 = vector.load %arg3[%get3A_7, %get3A_8] : memref<1x3xf32, #tpu.memory_space<vmem>>, vector<1x3xf32>
    %get3A_10 = arith.constant 0 : index
    %get3A_11 = arith.constant 0 : index
    %get3A_12 = vector.load %arg4[%get3A_10, %get3A_11] : memref<3x3xf32, #tpu.memory_space<vmem>>, vector<3x3xf32>
    %get3A_13 = arith.constant 0 : index
    %get3A_14 = arith.constant 0 : index
    %get3A_15 = vector.load %arg6[%get3A_13, %get3A_14] : memref<1x16xf32, #tpu.memory_space<vmem>>, vector<1x16xf32>
    %get3A_16 = arith.constant 0 : index
    %get3A_17 = arith.constant 0 : index
    %get3A_18 = vector.load %arg7[%get3A_16, %get3A_17] : memref<1x16xf32, #tpu.memory_space<vmem>>, vector<1x16xf32>
    %dot_general3A = arith.constant dense<0.000000e+00> : vector<1x16xf32>
    %dot_general3A_19 = tpu.matmul %get3A_9, %get3A_3, %dot_general3A {dimension_numbers = #tpu.dot_dimension_numbers<[1], [0], [0], [1], [0, 0, 1, 1], [], []>, precision = #tpu.contract_precision<fp32>, transpose_lhs_hint = false} : vector<1x3xf32>, vector<3x16xf32>, vector<1x16xf32> -> vector<1x16xf32>
    %div3A = arith.constant 3.200000e+05 : f32
    %div3A_20 = vector.broadcast %div3A : f32 to vector<1x16xf32>
    %div3A_21 = arith.divf %dot_general3A_19, %div3A_20 : vector<1x16xf32>
    %dot_general3A_22 = arith.constant dense<0.000000e+00> : vector<3x16xf32>
    %dot_general3A_23 = tpu.matmul %get3A_12, %get3A_3, %dot_general3A_22 {dimension_numbers = #tpu.dot_dimension_numbers<[1], [0], [0], [1], [0, 0, 1, 1], [], []>, precision = #tpu.contract_precision<fp32>, transpose_lhs_hint = false} : vector<3x3xf32>, vector<3x16xf32>, vector<3x16xf32> -> vector<3x16xf32>
    %mul3A = arith.mulf %get3A_3, %dot_general3A_23 : vector<3x16xf32>
    %reduce_sum3A = arith.constant dense<0.000000e+00> : vector<16xf32>
    %reduce_sum3A_24 = vector.multi_reduction <add>, %mul3A, %reduce_sum3A [0] : vector<3x16xf32> to vector<16xf32>
    %broadcast_in_dim3A = vector.shape_cast %reduce_sum3A_24 : vector<16xf32> to vector<1x16xf32>
    %div3A_25 = arith.constant 3.200000e+05 : f32
    %div3A_26 = vector.broadcast %div3A_25 : f32 to vector<1x16xf32>
    %div3A_27 = arith.divf %broadcast_in_dim3A, %div3A_26 : vector<1x16xf32>
    %mul3A_28 = arith.mulf %div3A_21, %div3A_21 : vector<1x16xf32>
    %sub3A = arith.subf %div3A_27, %mul3A_28 : vector<1x16xf32>
    %add3A = arith.constant 9.99999974E-6 : f32
    %add3A_29 = vector.broadcast %add3A : f32 to vector<1x16xf32>
    %add3A_30 = arith.addf %sub3A, %add3A_29 : vector<1x16xf32>
    %sqrt3A = math.sqrt %add3A_30 : vector<1x16xf32>
    %div3A_31 = arith.divf %get3A_15, %sqrt3A : vector<1x16xf32>
    %mul3A_32 = arith.mulf %div3A_21, %div3A_31 : vector<1x16xf32>
    %sub3A_33 = arith.subf %get3A_18, %mul3A_32 : vector<1x16xf32>
    %get3A_34 = arith.constant 0 : index
    %get3A_35 = arith.constant 0 : index
    %get3A_36 = vector.load %arg8[%get3A_34, %get3A_35] : memref<1x16xf32, #tpu.memory_space<vmem>>, vector<1x16xf32>
    %get3A_37 = arith.constant 0 : index
    %get3A_38 = arith.constant 0 : index
    %get3A_39 = vector.load %arg9[%get3A_37, %get3A_38] : memref<16x16xf32, #tpu.memory_space<vmem>>, vector<16x16xf32>
    %get3A_40 = arith.constant 0 : index
    %get3A_41 = arith.constant 0 : index
    %get3A_42 = vector.load %arg11[%get3A_40, %get3A_41] : memref<1x64xf32, #tpu.memory_space<vmem>>, vector<1x64xf32>
    %get3A_43 = arith.constant 0 : index
    %get3A_44 = arith.constant 0 : index
    %get3A_45 = vector.load %arg12[%get3A_43, %get3A_44] : memref<1x64xf32, #tpu.memory_space<vmem>>, vector<1x64xf32>
    %dot_general3A_46 = arith.constant dense<0.000000e+00> : vector<1x64xf32>
    %dot_general3A_47 = tpu.matmul %get3A_36, %get3A_6, %dot_general3A_46 {dimension_numbers = #tpu.dot_dimension_numbers<[1], [0], [0], [1], [0, 0, 1, 1], [], []>, precision = #tpu.contract_precision<fp32>, transpose_lhs_hint = false} : vector<1x16xf32>, vector<16x64xf32>, vector<1x64xf32> -> vector<1x64xf32>
    %div3A_48 = arith.constant 3.200000e+05 : f32
    %div3A_49 = vector.broadcast %div3A_48 : f32 to vector<1x64xf32>
    %div3A_50 = arith.divf %dot_general3A_47, %div3A_49 : vector<1x64xf32>
    %dot_general3A_51 = arith.constant dense<0.000000e+00> : vector<16x64xf32>
    %dot_general3A_52 = tpu.matmul %get3A_39, %get3A_6, %dot_general3A_51 {dimension_numbers = #tpu.dot_dimension_numbers<[1], [0], [0], [1], [0, 0, 1, 1], [], []>, precision = #tpu.contract_precision<fp32>, transpose_lhs_hint = false} : vector<16x16xf32>, vector<16x64xf32>, vector<16x64xf32> -> vector<16x64xf32>
    %mul3A_53 = arith.mulf %get3A_6, %dot_general3A_52 : vector<16x64xf32>
    %reduce_sum3A_54 = arith.constant dense<0.000000e+00> : vector<64xf32>
    %reduce_sum3A_55 = vector.multi_reduction <add>, %mul3A_53, %reduce_sum3A_54 [0] : vector<16x64xf32> to vector<64xf32>
    %broadcast_in_dim3A_56 = vector.shape_cast %reduce_sum3A_55 : vector<64xf32> to vector<1x64xf32>
    %div3A_57 = arith.constant 3.200000e+05 : f32
    %div3A_58 = vector.broadcast %div3A_57 : f32 to vector<1x64xf32>
    %div3A_59 = arith.divf %broadcast_in_dim3A_56, %div3A_58 : vector<1x64xf32>
    %mul3A_60 = arith.mulf %div3A_50, %div3A_50 : vector<1x64xf32>
    %sub3A_61 = arith.subf %div3A_59, %mul3A_60 : vector<1x64xf32>
    %add3A_62 = arith.constant 9.99999974E-6 : f32
    %add3A_63 = vector.broadcast %add3A_62 : f32 to vector<1x64xf32>
    %add3A_64 = arith.addf %sub3A_61, %add3A_63 : vector<1x64xf32>
    %sqrt3A_65 = math.sqrt %add3A_64 : vector<1x64xf32>
    %div3A_66 = arith.divf %get3A_42, %sqrt3A_65 : vector<1x64xf32>
    %mul3A_67 = arith.mulf %div3A_50, %div3A_66 : vector<1x64xf32>
    %sub3A_68 = arith.subf %get3A_45, %mul3A_67 : vector<1x64xf32>
    %get3A_69 = arith.constant 0 : index
    %get3A_70 = arith.constant 0 : index
    %get3A_71 = vector.load %arg1[%get3A_69, %get3A_70] : memref<4000x3xf32, #tpu.memory_space<vmem>>, vector<4000x3xf32>
    %dot_general3A_72 = arith.constant dense<0.000000e+00> : vector<4000x16xf32>
    %dot_general3A_73 = tpu.matmul %get3A_71, %get3A_3, %dot_general3A_72 {dimension_numbers = #tpu.dot_dimension_numbers<[1], [0], [0], [1], [0, 0, 1, 1], [], []>, transpose_lhs_hint = false} : vector<4000x3xf32>, vector<3x16xf32>, vector<4000x16xf32> -> vector<4000x16xf32>
    %mul3A_74 = vector.broadcast %div3A_31 : vector<1x16xf32> to vector<4000x16xf32>
    %mul3A_75 = arith.mulf %dot_general3A_73, %mul3A_74 : vector<4000x16xf32>
    %add3A_76 = vector.broadcast %sub3A_33 : vector<1x16xf32> to vector<4000x16xf32>
    %add3A_77 = arith.addf %mul3A_75, %add3A_76 : vector<4000x16xf32>
    %max3A = arith.constant 0.000000e+00 : f32
    %max3A_78 = vector.broadcast %max3A : f32 to vector<4000x16xf32>
    %max3A_79 = arith.maximumf %add3A_77, %max3A_78 : vector<4000x16xf32>
    %dot_general3A_80 = arith.constant dense<0.000000e+00> : vector<4000x64xf32>
    %dot_general3A_81 = tpu.matmul %max3A_79, %get3A_6, %dot_general3A_80 {dimension_numbers = #tpu.dot_dimension_numbers<[1], [0], [0], [1], [0, 0, 1, 1], [], []>, transpose_lhs_hint = false} : vector<4000x16xf32>, vector<16x64xf32>, vector<4000x64xf32> -> vector<4000x64xf32>
    %mul3A_82 = vector.broadcast %div3A_66 : vector<1x64xf32> to vector<4000x64xf32>
    %mul3A_83 = arith.mulf %dot_general3A_81, %mul3A_82 : vector<4000x64xf32>
    %add3A_84 = vector.broadcast %sub3A_68 : vector<1x64xf32> to vector<4000x64xf32>
    %add3A_85 = arith.addf %mul3A_83, %add3A_84 : vector<4000x64xf32>
    %max3A_86 = arith.constant 0.000000e+00 : f32
    %max3A_87 = vector.broadcast %max3A_86 : f32 to vector<4000x64xf32>
    %max3A_88 = arith.maximumf %add3A_85, %max3A_87 : vector<4000x64xf32>
    %get3A_89 = arith.constant 0 : index
    %get3A_90 = arith.constant 0 : index
    %get3A_91 = vector.load %arg2[%get3A_89, %get3A_90] : memref<4000x64xf32, #tpu.memory_space<vmem>>, vector<4000x64xf32>
    %mul3A_92 = arith.mulf %get3A_91, %max3A_88 : vector<4000x64xf32>
    %get3A_93 = arith.constant 0 : index
    %get3A_94 = arith.constant 0 : index
    %get3A_95 = vector.load %arg13[%get3A_93, %get3A_94] : memref<1x64xf32, #tpu.memory_space<vmem>>, vector<1x64xf32>
    %reduce_sum3A_96 = arith.constant dense<0.000000e+00> : vector<64xf32>
    %reduce_sum3A_97 = vector.multi_reduction <add>, %mul3A_92, %reduce_sum3A_96 [0] : vector<4000x64xf32> to vector<64xf32>
    %broadcast_in_dim3A_98 = vector.shape_cast %reduce_sum3A_97 : vector<64xf32> to vector<1x64xf32>
    %add3A_99 = arith.addf %get3A_95, %broadcast_in_dim3A_98 : vector<1x64xf32>
    %swap3A = arith.constant 0 : index
    %swap3A_100 = arith.constant 0 : index
    %swap3A_101 = vector.load %arg13[%swap3A, %swap3A_100] : memref<1x64xf32, #tpu.memory_space<vmem>>, vector<1x64xf32>
    tpu.vector_store %arg13[%swap3A, %swap3A_100], %add3A_99 {strides = array<i32>} : memref<1x64xf32, #tpu.memory_space<vmem>>, vector<1x64xf32>,
    %get3A_102 = arith.constant 0 : index
    %get3A_103 = arith.constant 0 : index
    %get3A_104 = vector.load %arg14[%get3A_102, %get3A_103] : memref<64x64xf32, #tpu.memory_space<vmem>>, vector<64x64xf32>
    %dot_general3A_105 = arith.constant dense<0.000000e+00> : vector<64x64xf32>
    %dot_general3A_106 = tpu.matmul %mul3A_92, %mul3A_92, %dot_general3A_105 {dimension_numbers = #tpu.dot_dimension_numbers<[0], [0], [1], [1], [0, 1, 1, 1], [], []>, precision = #tpu.contract_precision<fp32>, transpose_lhs_hint = false} : vector<4000x64xf32>, vector<4000x64xf32>, vector<64x64xf32> -> vector<64x64xf32>
    %add3A_107 = arith.addf %get3A_104, %dot_general3A_106 : vector<64x64xf32>
    %swap3A_108 = arith.constant 0 : index
    %swap3A_109 = arith.constant 0 : index
    %swap3A_110 = vector.load %arg14[%swap3A_108, %swap3A_109] : memref<64x64xf32, #tpu.memory_space<vmem>>, vector<64x64xf32>
    tpu.vector_store %arg14[%swap3A_108, %swap3A_109], %add3A_107 {strides = array<i32>} : memref<64x64xf32, #tpu.memory_space<vmem>>, vector<64x64xf32>,
    return
  }
  func.func @transform_0(%arg0: i32) -> (i32, i32) {
    %c0_i32 = arith.constant 0 : i32
    %c0_i32_0 = arith.constant 0 : i32
    return %arg0, %c0_i32 : i32, i32
  }
  func.func @transform_1(%arg0: i32) -> (i32, i32) {
    %c0_i32 = arith.constant 0 : i32
    %c0_i32_0 = arith.constant 0 : i32
    return %arg0, %c0_i32 : i32, i32
  }
  func.func @transform_2(%arg0: i32) -> (i32, i32) {
    %c0_i32 = arith.constant 0 : i32
    %c0_i32_0 = arith.constant 0 : i32
    %c0_i32_1 = arith.constant 0 : i32
    return %c0_i32, %c0_i32_0 : i32, i32
  }
  func.func @transform_3(%arg0: i32) -> (i32, i32) {
    %c0_i32 = arith.constant 0 : i32
    %c0_i32_0 = arith.constant 0 : i32
    %c0_i32_1 = arith.constant 0 : i32
    return %c0_i32, %c0_i32_0 : i32, i32
  }
  func.func @transform_4(%arg0: i32) -> (i32, i32) {
    %c0_i32 = arith.constant 0 : i32
    %c0_i32_0 = arith.constant 0 : i32
    %c0_i32_1 = arith.constant 0 : i32
    return %c0_i32, %c0_i32_0 : i32, i32
  }
  func.func @transform_5(%arg0: i32) -> (i32, i32) {
    %c0_i32 = arith.constant 0 : i32
    %c0_i32_0 = arith.constant 0 : i32
    %c0_i32_1 = arith.constant 0 : i32
    return %c0_i32, %c0_i32_0 : i32, i32
  }
  func.func @transform_6(%arg0: i32) -> (i32, i32) {
    %c0_i32 = arith.constant 0 : i32
    %c0_i32_0 = arith.constant 0 : i32
    %c0_i32_1 = arith.constant 0 : i32
    return %c0_i32, %c0_i32_0 : i32, i32
  }
  func.func @transform_7(%arg0: i32) -> (i32, i32) {
    %c0_i32 = arith.constant 0 : i32
    %c0_i32_0 = arith.constant 0 : i32
    %c0_i32_1 = arith.constant 0 : i32
    return %c0_i32, %c0_i32_0 : i32, i32
  }
  func.func @transform_8(%arg0: i32) -> (i32, i32) {
    %c0_i32 = arith.constant 0 : i32
    %c0_i32_0 = arith.constant 0 : i32
    %c0_i32_1 = arith.constant 0 : i32
    return %c0_i32, %c0_i32_0 : i32, i32
  }
  func.func @transform_9(%arg0: i32) -> (i32, i32) {
    %c0_i32 = arith.constant 0 : i32
    %c0_i32_0 = arith.constant 0 : i32
    %c0_i32_1 = arith.constant 0 : i32
    return %c0_i32, %c0_i32_0 : i32, i32
  }
  func.func @transform_10(%arg0: i32) -> (i32, i32) {
    %c0_i32 = arith.constant 0 : i32
    %c0_i32_0 = arith.constant 0 : i32
    %c0_i32_1 = arith.constant 0 : i32
    return %c0_i32, %c0_i32_0 : i32, i32
  }
  func.func @transform_11(%arg0: i32) -> (i32, i32) {
    %c0_i32 = arith.constant 0 : i32
    %c0_i32_0 = arith.constant 0 : i32
    %c0_i32_1 = arith.constant 0 : i32
    return %c0_i32, %c0_i32_0 : i32, i32
  }
  func.func @transform_12(%arg0: i32) -> (i32, i32) {
    %c0_i32 = arith.constant 0 : i32
    %c0_i32_0 = arith.constant 0 : i32
    %c0_i32_1 = arith.constant 0 : i32
    return %c0_i32, %c0_i32_0 : i32, i32
  }
  func.func @transform_13(%arg0: i32) -> (i32, i32) {
    %c0_i32 = arith.constant 0 : i32
    %c0_i32_0 = arith.constant 0 : i32
    %c0_i32_1 = arith.constant 0 : i32
    return %c0_i32, %c0_i32_0 : i32, i32
  }
}

module attributes {stable_mosaic.version = 14 : i64} {
  func.func @_kD_body(%arg0: i32, %arg1: memref<2000x3xf32, #tpu.memory_space<vmem>>, %arg2: memref<2000x64xf32, #tpu.memory_space<vmem>>, %arg3: memref<1x3xf32, #tpu.memory_space<vmem>>, %arg4: memref<3x3xf32, #tpu.memory_space<vmem>>, %arg5: memref<3x16xf32, #tpu.memory_space<vmem>>, %arg6: memref<1x16xf32, #tpu.memory_space<vmem>>, %arg7: memref<1x16xf32, #tpu.memory_space<vmem>>, %arg8: memref<1x16xf32, #tpu.memory_space<vmem>>, %arg9: memref<16x16xf32, #tpu.memory_space<vmem>>, %arg10: memref<16x64xf32, #tpu.memory_space<vmem>>, %arg11: memref<1x64xf32, #tpu.memory_space<vmem>>, %arg12: memref<1x64xf32, #tpu.memory_space<vmem>>, %arg13: memref<1x64xf32, #tpu.memory_space<vmem>>, %arg14: memref<64x64xf32, #tpu.memory_space<vmem>>, %arg15: memref<64x128xf32, #tpu.memory_space<vmem>>, %arg16: memref<1x128xf32, #tpu.memory_space<vmem>>, %arg17: memref<1x128xf32, #tpu.memory_space<vmem>>, %arg18: memref<2000x128xf32, #tpu.memory_space<vmem>>, %arg19: memref<1x128xf32, #tpu.memory_space<vmem>>, %arg20: memref<128x128xf32, #tpu.memory_space<vmem>>, %arg21: memref<2x128xf32, #tpu.memory_space<vmem>>) attributes {dimension_semantics = [#tpu.dimension_semantics<arbitrary>], iteration_bounds = array<i64: 160>, scalar_prefetch = 0 : i64, scratch_operands = 1 : i64, tpu.core_type = #tpu.core_type<tc>, window_params = [{transform_indices = @transform_0, window_bounds = array<i64: 2000, 3>}, {transform_indices = @transform_1, window_bounds = array<i64: 2000, 64>}, {pipeline_mode = #tpu.pipeline_mode<synchronous>, transform_indices = @transform_2, window_bounds = array<i64: 1, 3>}, {pipeline_mode = #tpu.pipeline_mode<synchronous>, transform_indices = @transform_3, window_bounds = array<i64: 3, 3>}, {pipeline_mode = #tpu.pipeline_mode<synchronous>, transform_indices = @transform_4, window_bounds = array<i64: 3, 16>}, {pipeline_mode = #tpu.pipeline_mode<synchronous>, transform_indices = @transform_5, window_bounds = array<i64: 1, 16>}, {pipeline_mode = #tpu.pipeline_mode<synchronous>, transform_indices = @transform_6, window_bounds = array<i64: 1, 16>}, {pipeline_mode = #tpu.pipeline_mode<synchronous>, transform_indices = @transform_7, window_bounds = array<i64: 1, 16>}, {pipeline_mode = #tpu.pipeline_mode<synchronous>, transform_indices = @transform_8, window_bounds = array<i64: 16, 16>}, {pipeline_mode = #tpu.pipeline_mode<synchronous>, transform_indices = @transform_9, window_bounds = array<i64: 16, 64>}, {pipeline_mode = #tpu.pipeline_mode<synchronous>, transform_indices = @transform_10, window_bounds = array<i64: 1, 64>}, {pipeline_mode = #tpu.pipeline_mode<synchronous>, transform_indices = @transform_11, window_bounds = array<i64: 1, 64>}, {pipeline_mode = #tpu.pipeline_mode<synchronous>, transform_indices = @transform_12, window_bounds = array<i64: 1, 64>}, {pipeline_mode = #tpu.pipeline_mode<synchronous>, transform_indices = @transform_13, window_bounds = array<i64: 64, 64>}, {pipeline_mode = #tpu.pipeline_mode<synchronous>, transform_indices = @transform_14, window_bounds = array<i64: 64, 128>}, {pipeline_mode = #tpu.pipeline_mode<synchronous>, transform_indices = @transform_15, window_bounds = array<i64: 1, 128>}, {pipeline_mode = #tpu.pipeline_mode<synchronous>, transform_indices = @transform_16, window_bounds = array<i64: 1, 128>}, {transform_indices = @transform_17, window_bounds = array<i64: 2000, 128>}, {pipeline_mode = #tpu.pipeline_mode<synchronous>, transform_indices = @transform_18, window_bounds = array<i64: 1, 128>}, {pipeline_mode = #tpu.pipeline_mode<synchronous>, transform_indices = @transform_19, window_bounds = array<i64: 128, 128>}]} {
    %eq3A = arith.constant 0 : i32
    %eq3A_0 = arith.cmpi eq, %arg0, %eq3A : i32
    %convert_element_type3A = arith.extui %eq3A_0 : i1 to i32
    %cond3A = arith.constant 0 : i32
    %cond3A_1 = arith.cmpi ne, %convert_element_type3A, %cond3A : i32
    scf.if %cond3A_1 {
      %broadcast_in_dim3A_132 = arith.constant 0.000000e+00 : f32
      %broadcast_in_dim3A_133 = vector.broadcast %broadcast_in_dim3A_132 : f32 to vector<1x128xf32>
      %swap3A_134 = arith.constant 0 : index
      %swap3A_135 = arith.constant 0 : index
      %swap3A_136 = vector.load %arg19[%swap3A_134, %swap3A_135] : memref<1x128xf32, #tpu.memory_space<vmem>>, vector<1x128xf32>
      tpu.vector_store %arg19[%swap3A_134, %swap3A_135], %broadcast_in_dim3A_133 {strides = array<i32>} : memref<1x128xf32, #tpu.memory_space<vmem>>, vector<1x128xf32>,
      %broadcast_in_dim3A_137 = arith.constant 0.000000e+00 : f32
      %broadcast_in_dim3A_138 = vector.broadcast %broadcast_in_dim3A_137 : f32 to vector<128x128xf32>
      %swap3A_139 = arith.constant 0 : index
      %swap3A_140 = arith.constant 0 : index
      %swap3A_141 = vector.load %arg20[%swap3A_139, %swap3A_140] : memref<128x128xf32, #tpu.memory_space<vmem>>, vector<128x128xf32>
      tpu.vector_store %arg20[%swap3A_139, %swap3A_140], %broadcast_in_dim3A_138 {strides = array<i32>} : memref<128x128xf32, #tpu.memory_space<vmem>>, vector<128x128xf32>,
      %get3A_142 = arith.constant 0 : index
      %get3A_143 = arith.constant 0 : index
      %get3A_144 = vector.load %arg13[%get3A_142, %get3A_143] : memref<1x64xf32, #tpu.memory_space<vmem>>, vector<1x64xf32>
      %get3A_145 = arith.constant 0 : index
      %get3A_146 = arith.constant 0 : index
      %get3A_147 = vector.load %arg14[%get3A_145, %get3A_146] : memref<64x64xf32, #tpu.memory_space<vmem>>, vector<64x64xf32>
      %get3A_148 = arith.constant 0 : index
      %get3A_149 = arith.constant 0 : index
      %get3A_150 = vector.load %arg15[%get3A_148, %get3A_149] : memref<64x128xf32, #tpu.memory_space<vmem>>, vector<64x128xf32>
      %get3A_151 = arith.constant 0 : index
      %get3A_152 = arith.constant 0 : index
      %get3A_153 = vector.load %arg16[%get3A_151, %get3A_152] : memref<1x128xf32, #tpu.memory_space<vmem>>, vector<1x128xf32>
      %get3A_154 = arith.constant 0 : index
      %get3A_155 = arith.constant 0 : index
      %get3A_156 = vector.load %arg17[%get3A_154, %get3A_155] : memref<1x128xf32, #tpu.memory_space<vmem>>, vector<1x128xf32>
      %dot_general3A_157 = arith.constant dense<0.000000e+00> : vector<1x128xf32>
      %dot_general3A_158 = tpu.matmul %get3A_144, %get3A_150, %dot_general3A_157 {dimension_numbers = #tpu.dot_dimension_numbers<[1], [0], [0], [1], [0, 0, 1, 1], [], []>, precision = #tpu.contract_precision<fp32>, transpose_lhs_hint = false} : vector<1x64xf32>, vector<64x128xf32>, vector<1x128xf32> -> vector<1x128xf32>
      %div3A_159 = arith.constant 3.200000e+05 : f32
      %div3A_160 = vector.broadcast %div3A_159 : f32 to vector<1x128xf32>
      %div3A_161 = arith.divf %dot_general3A_158, %div3A_160 : vector<1x128xf32>
      %dot_general3A_162 = arith.constant dense<0.000000e+00> : vector<64x128xf32>
      %dot_general3A_163 = tpu.matmul %get3A_147, %get3A_150, %dot_general3A_162 {dimension_numbers = #tpu.dot_dimension_numbers<[1], [0], [0], [1], [0, 0, 1, 1], [], []>, precision = #tpu.contract_precision<fp32>, transpose_lhs_hint = false} : vector<64x64xf32>, vector<64x128xf32>, vector<64x128xf32> -> vector<64x128xf32>
      %mul3A_164 = arith.mulf %get3A_150, %dot_general3A_163 : vector<64x128xf32>
      %reduce_sum3A_165 = arith.constant dense<0.000000e+00> : vector<128xf32>
      %reduce_sum3A_166 = vector.multi_reduction <add>, %mul3A_164, %reduce_sum3A_165 [0] : vector<64x128xf32> to vector<128xf32>
      %broadcast_in_dim3A_167 = vector.shape_cast %reduce_sum3A_166 : vector<128xf32> to vector<1x128xf32>
      %div3A_168 = arith.constant 3.200000e+05 : f32
      %div3A_169 = vector.broadcast %div3A_168 : f32 to vector<1x128xf32>
      %div3A_170 = arith.divf %broadcast_in_dim3A_167, %div3A_169 : vector<1x128xf32>
      %mul3A_171 = arith.mulf %div3A_161, %div3A_161 : vector<1x128xf32>
      %sub3A_172 = arith.subf %div3A_170, %mul3A_171 : vector<1x128xf32>
      %add3A_173 = arith.constant 9.99999974E-6 : f32
      %add3A_174 = vector.broadcast %add3A_173 : f32 to vector<1x128xf32>
      %add3A_175 = arith.addf %sub3A_172, %add3A_174 : vector<1x128xf32>
      %sqrt3A_176 = math.sqrt %add3A_175 : vector<1x128xf32>
      %div3A_177 = arith.divf %get3A_153, %sqrt3A_176 : vector<1x128xf32>
      %mul3A_178 = arith.mulf %div3A_161, %div3A_177 : vector<1x128xf32>
      %sub3A_179 = arith.subf %get3A_156, %mul3A_178 : vector<1x128xf32>
      %swap3A_180 = arith.constant 0 : index
      %swap3A_181 = arith.constant 0 : index
      %swap3A_182 = vector.load %arg21[%swap3A_180, %swap3A_181] : memref<2x128xf32, #tpu.memory_space<vmem>>, vector<1x128xf32>
      tpu.vector_store %arg21[%swap3A_180, %swap3A_181], %div3A_177 {strides = array<i32>} : memref<2x128xf32, #tpu.memory_space<vmem>>, vector<1x128xf32>,
      %swap3A_183 = arith.constant 1 : index
      %swap3A_184 = arith.constant 0 : index
      %swap3A_185 = vector.load %arg21[%swap3A_183, %swap3A_184] : memref<2x128xf32, #tpu.memory_space<vmem>>, vector<1x128xf32>
      tpu.vector_store %arg21[%swap3A_183, %swap3A_184], %sub3A_179 {strides = array<i32>} : memref<2x128xf32, #tpu.memory_space<vmem>>, vector<1x128xf32>,
    } else {
    }
    %get3A = arith.constant 0 : index
    %get3A_2 = arith.constant 0 : index
    %get3A_3 = vector.load %arg5[%get3A, %get3A_2] : memref<3x16xf32, #tpu.memory_space<vmem>>, vector<3x16xf32>
    %get3A_4 = arith.constant 0 : index
    %get3A_5 = arith.constant 0 : index
    %get3A_6 = vector.load %arg10[%get3A_4, %get3A_5] : memref<16x64xf32, #tpu.memory_space<vmem>>, vector<16x64xf32>
    %get3A_7 = arith.constant 0 : index
    %get3A_8 = arith.constant 0 : index
    %get3A_9 = vector.load %arg3[%get3A_7, %get3A_8] : memref<1x3xf32, #tpu.memory_space<vmem>>, vector<1x3xf32>
    %get3A_10 = arith.constant 0 : index
    %get3A_11 = arith.constant 0 : index
    %get3A_12 = vector.load %arg4[%get3A_10, %get3A_11] : memref<3x3xf32, #tpu.memory_space<vmem>>, vector<3x3xf32>
    %get3A_13 = arith.constant 0 : index
    %get3A_14 = arith.constant 0 : index
    %get3A_15 = vector.load %arg6[%get3A_13, %get3A_14] : memref<1x16xf32, #tpu.memory_space<vmem>>, vector<1x16xf32>
    %get3A_16 = arith.constant 0 : index
    %get3A_17 = arith.constant 0 : index
    %get3A_18 = vector.load %arg7[%get3A_16, %get3A_17] : memref<1x16xf32, #tpu.memory_space<vmem>>, vector<1x16xf32>
    %dot_general3A = arith.constant dense<0.000000e+00> : vector<1x16xf32>
    %dot_general3A_19 = tpu.matmul %get3A_9, %get3A_3, %dot_general3A {dimension_numbers = #tpu.dot_dimension_numbers<[1], [0], [0], [1], [0, 0, 1, 1], [], []>, precision = #tpu.contract_precision<fp32>, transpose_lhs_hint = false} : vector<1x3xf32>, vector<3x16xf32>, vector<1x16xf32> -> vector<1x16xf32>
    %div3A = arith.constant 3.200000e+05 : f32
    %div3A_20 = vector.broadcast %div3A : f32 to vector<1x16xf32>
    %div3A_21 = arith.divf %dot_general3A_19, %div3A_20 : vector<1x16xf32>
    %dot_general3A_22 = arith.constant dense<0.000000e+00> : vector<3x16xf32>
    %dot_general3A_23 = tpu.matmul %get3A_12, %get3A_3, %dot_general3A_22 {dimension_numbers = #tpu.dot_dimension_numbers<[1], [0], [0], [1], [0, 0, 1, 1], [], []>, precision = #tpu.contract_precision<fp32>, transpose_lhs_hint = false} : vector<3x3xf32>, vector<3x16xf32>, vector<3x16xf32> -> vector<3x16xf32>
    %mul3A = arith.mulf %get3A_3, %dot_general3A_23 : vector<3x16xf32>
    %reduce_sum3A = arith.constant dense<0.000000e+00> : vector<16xf32>
    %reduce_sum3A_24 = vector.multi_reduction <add>, %mul3A, %reduce_sum3A [0] : vector<3x16xf32> to vector<16xf32>
    %broadcast_in_dim3A = vector.shape_cast %reduce_sum3A_24 : vector<16xf32> to vector<1x16xf32>
    %div3A_25 = arith.constant 3.200000e+05 : f32
    %div3A_26 = vector.broadcast %div3A_25 : f32 to vector<1x16xf32>
    %div3A_27 = arith.divf %broadcast_in_dim3A, %div3A_26 : vector<1x16xf32>
    %mul3A_28 = arith.mulf %div3A_21, %div3A_21 : vector<1x16xf32>
    %sub3A = arith.subf %div3A_27, %mul3A_28 : vector<1x16xf32>
    %add3A = arith.constant 9.99999974E-6 : f32
    %add3A_29 = vector.broadcast %add3A : f32 to vector<1x16xf32>
    %add3A_30 = arith.addf %sub3A, %add3A_29 : vector<1x16xf32>
    %sqrt3A = math.sqrt %add3A_30 : vector<1x16xf32>
    %div3A_31 = arith.divf %get3A_15, %sqrt3A : vector<1x16xf32>
    %mul3A_32 = arith.mulf %div3A_21, %div3A_31 : vector<1x16xf32>
    %sub3A_33 = arith.subf %get3A_18, %mul3A_32 : vector<1x16xf32>
    %get3A_34 = arith.constant 0 : index
    %get3A_35 = arith.constant 0 : index
    %get3A_36 = vector.load %arg8[%get3A_34, %get3A_35] : memref<1x16xf32, #tpu.memory_space<vmem>>, vector<1x16xf32>
    %get3A_37 = arith.constant 0 : index
    %get3A_38 = arith.constant 0 : index
    %get3A_39 = vector.load %arg9[%get3A_37, %get3A_38] : memref<16x16xf32, #tpu.memory_space<vmem>>, vector<16x16xf32>
    %get3A_40 = arith.constant 0 : index
    %get3A_41 = arith.constant 0 : index
    %get3A_42 = vector.load %arg11[%get3A_40, %get3A_41] : memref<1x64xf32, #tpu.memory_space<vmem>>, vector<1x64xf32>
    %get3A_43 = arith.constant 0 : index
    %get3A_44 = arith.constant 0 : index
    %get3A_45 = vector.load %arg12[%get3A_43, %get3A_44] : memref<1x64xf32, #tpu.memory_space<vmem>>, vector<1x64xf32>
    %dot_general3A_46 = arith.constant dense<0.000000e+00> : vector<1x64xf32>
    %dot_general3A_47 = tpu.matmul %get3A_36, %get3A_6, %dot_general3A_46 {dimension_numbers = #tpu.dot_dimension_numbers<[1], [0], [0], [1], [0, 0, 1, 1], [], []>, precision = #tpu.contract_precision<fp32>, transpose_lhs_hint = false} : vector<1x16xf32>, vector<16x64xf32>, vector<1x64xf32> -> vector<1x64xf32>
    %div3A_48 = arith.constant 3.200000e+05 : f32
    %div3A_49 = vector.broadcast %div3A_48 : f32 to vector<1x64xf32>
    %div3A_50 = arith.divf %dot_general3A_47, %div3A_49 : vector<1x64xf32>
    %dot_general3A_51 = arith.constant dense<0.000000e+00> : vector<16x64xf32>
    %dot_general3A_52 = tpu.matmul %get3A_39, %get3A_6, %dot_general3A_51 {dimension_numbers = #tpu.dot_dimension_numbers<[1], [0], [0], [1], [0, 0, 1, 1], [], []>, precision = #tpu.contract_precision<fp32>, transpose_lhs_hint = false} : vector<16x16xf32>, vector<16x64xf32>, vector<16x64xf32> -> vector<16x64xf32>
    %mul3A_53 = arith.mulf %get3A_6, %dot_general3A_52 : vector<16x64xf32>
    %reduce_sum3A_54 = arith.constant dense<0.000000e+00> : vector<64xf32>
    %reduce_sum3A_55 = vector.multi_reduction <add>, %mul3A_53, %reduce_sum3A_54 [0] : vector<16x64xf32> to vector<64xf32>
    %broadcast_in_dim3A_56 = vector.shape_cast %reduce_sum3A_55 : vector<64xf32> to vector<1x64xf32>
    %div3A_57 = arith.constant 3.200000e+05 : f32
    %div3A_58 = vector.broadcast %div3A_57 : f32 to vector<1x64xf32>
    %div3A_59 = arith.divf %broadcast_in_dim3A_56, %div3A_58 : vector<1x64xf32>
    %mul3A_60 = arith.mulf %div3A_50, %div3A_50 : vector<1x64xf32>
    %sub3A_61 = arith.subf %div3A_59, %mul3A_60 : vector<1x64xf32>
    %add3A_62 = arith.constant 9.99999974E-6 : f32
    %add3A_63 = vector.broadcast %add3A_62 : f32 to vector<1x64xf32>
    %add3A_64 = arith.addf %sub3A_61, %add3A_63 : vector<1x64xf32>
    %sqrt3A_65 = math.sqrt %add3A_64 : vector<1x64xf32>
    %div3A_66 = arith.divf %get3A_42, %sqrt3A_65 : vector<1x64xf32>
    %mul3A_67 = arith.mulf %div3A_50, %div3A_66 : vector<1x64xf32>
    %sub3A_68 = arith.subf %get3A_45, %mul3A_67 : vector<1x64xf32>
    %get3A_69 = arith.constant 0 : index
    %get3A_70 = arith.constant 0 : index
    %get3A_71 = vector.load %arg1[%get3A_69, %get3A_70] : memref<2000x3xf32, #tpu.memory_space<vmem>>, vector<2000x3xf32>
    %dot_general3A_72 = arith.constant dense<0.000000e+00> : vector<2000x16xf32>
    %dot_general3A_73 = tpu.matmul %get3A_71, %get3A_3, %dot_general3A_72 {dimension_numbers = #tpu.dot_dimension_numbers<[1], [0], [0], [1], [0, 0, 1, 1], [], []>, transpose_lhs_hint = false} : vector<2000x3xf32>, vector<3x16xf32>, vector<2000x16xf32> -> vector<2000x16xf32>
    %mul3A_74 = vector.broadcast %div3A_31 : vector<1x16xf32> to vector<2000x16xf32>
    %mul3A_75 = arith.mulf %dot_general3A_73, %mul3A_74 : vector<2000x16xf32>
    %add3A_76 = vector.broadcast %sub3A_33 : vector<1x16xf32> to vector<2000x16xf32>
    %add3A_77 = arith.addf %mul3A_75, %add3A_76 : vector<2000x16xf32>
    %max3A = arith.constant 0.000000e+00 : f32
    %max3A_78 = vector.broadcast %max3A : f32 to vector<2000x16xf32>
    %max3A_79 = arith.maximumf %add3A_77, %max3A_78 : vector<2000x16xf32>
    %dot_general3A_80 = arith.constant dense<0.000000e+00> : vector<2000x64xf32>
    %dot_general3A_81 = tpu.matmul %max3A_79, %get3A_6, %dot_general3A_80 {dimension_numbers = #tpu.dot_dimension_numbers<[1], [0], [0], [1], [0, 0, 1, 1], [], []>, transpose_lhs_hint = false} : vector<2000x16xf32>, vector<16x64xf32>, vector<2000x64xf32> -> vector<2000x64xf32>
    %mul3A_82 = vector.broadcast %div3A_66 : vector<1x64xf32> to vector<2000x64xf32>
    %mul3A_83 = arith.mulf %dot_general3A_81, %mul3A_82 : vector<2000x64xf32>
    %add3A_84 = vector.broadcast %sub3A_68 : vector<1x64xf32> to vector<2000x64xf32>
    %add3A_85 = arith.addf %mul3A_83, %add3A_84 : vector<2000x64xf32>
    %max3A_86 = arith.constant 0.000000e+00 : f32
    %max3A_87 = vector.broadcast %max3A_86 : f32 to vector<2000x64xf32>
    %max3A_88 = arith.maximumf %add3A_85, %max3A_87 : vector<2000x64xf32>
    %get3A_89 = arith.constant 0 : index
    %get3A_90 = arith.constant 0 : index
    %get3A_91 = vector.load %arg2[%get3A_89, %get3A_90] : memref<2000x64xf32, #tpu.memory_space<vmem>>, vector<2000x64xf32>
    %mul3A_92 = arith.mulf %get3A_91, %max3A_88 : vector<2000x64xf32>
    %get3A_93 = arith.constant 0 : index
    %get3A_94 = arith.constant 0 : index
    %get3A_95 = vector.load %arg15[%get3A_93, %get3A_94] : memref<64x128xf32, #tpu.memory_space<vmem>>, vector<64x128xf32>
    %dot_general3A_96 = arith.constant dense<0.000000e+00> : vector<2000x128xf32>
    %dot_general3A_97 = tpu.matmul %mul3A_92, %get3A_95, %dot_general3A_96 {dimension_numbers = #tpu.dot_dimension_numbers<[1], [0], [0], [1], [0, 0, 1, 1], [], []>, transpose_lhs_hint = false} : vector<2000x64xf32>, vector<64x128xf32>, vector<2000x128xf32> -> vector<2000x128xf32>
    %get3A_98 = arith.constant 0 : index
    %get3A_99 = arith.constant 0 : index
    %get3A_100 = vector.load %arg21[%get3A_98, %get3A_99] : memref<2x128xf32, #tpu.memory_space<vmem>>, vector<1x128xf32>
    %mul3A_101 = vector.broadcast %get3A_100 : vector<1x128xf32> to vector<2000x128xf32>
    %mul3A_102 = arith.mulf %dot_general3A_97, %mul3A_101 : vector<2000x128xf32>
    %get3A_103 = arith.constant 1 : index
    %get3A_104 = arith.constant 0 : index
    %get3A_105 = vector.load %arg21[%get3A_103, %get3A_104] : memref<2x128xf32, #tpu.memory_space<vmem>>, vector<1x128xf32>
    %add3A_106 = vector.broadcast %get3A_105 : vector<1x128xf32> to vector<2000x128xf32>
    %add3A_107 = arith.addf %mul3A_102, %add3A_106 : vector<2000x128xf32>
    %max3A_108 = arith.constant 0.000000e+00 : f32
    %max3A_109 = vector.broadcast %max3A_108 : f32 to vector<2000x128xf32>
    %max3A_110 = arith.maximumf %add3A_107, %max3A_109 : vector<2000x128xf32>
    %swap3A = arith.constant 0 : index
    %swap3A_111 = arith.constant 0 : index
    %swap3A_112 = vector.load %arg18[%swap3A, %swap3A_111] : memref<2000x128xf32, #tpu.memory_space<vmem>>, vector<2000x128xf32>
    tpu.vector_store %arg18[%swap3A, %swap3A_111], %max3A_110 {strides = array<i32>} : memref<2000x128xf32, #tpu.memory_space<vmem>>, vector<2000x128xf32>,
    %get3A_113 = arith.constant 0 : index
    %get3A_114 = arith.constant 0 : index
    %get3A_115 = vector.load %arg19[%get3A_113, %get3A_114] : memref<1x128xf32, #tpu.memory_space<vmem>>, vector<1x128xf32>
    %reduce_sum3A_116 = arith.constant dense<0.000000e+00> : vector<128xf32>
    %reduce_sum3A_117 = vector.multi_reduction <add>, %max3A_110, %reduce_sum3A_116 [0] : vector<2000x128xf32> to vector<128xf32>
    %broadcast_in_dim3A_118 = vector.shape_cast %reduce_sum3A_117 : vector<128xf32> to vector<1x128xf32>
    %add3A_119 = arith.addf %get3A_115, %broadcast_in_dim3A_118 : vector<1x128xf32>
    %swap3A_120 = arith.constant 0 : index
    %swap3A_121 = arith.constant 0 : index
    %swap3A_122 = vector.load %arg19[%swap3A_120, %swap3A_121] : memref<1x128xf32, #tpu.memory_space<vmem>>, vector<1x128xf32>
    tpu.vector_store %arg19[%swap3A_120, %swap3A_121], %add3A_119 {strides = array<i32>} : memref<1x128xf32, #tpu.memory_space<vmem>>, vector<1x128xf32>,
    %get3A_123 = arith.constant 0 : index
    %get3A_124 = arith.constant 0 : index
    %get3A_125 = vector.load %arg20[%get3A_123, %get3A_124] : memref<128x128xf32, #tpu.memory_space<vmem>>, vector<128x128xf32>
    %dot_general3A_126 = arith.constant dense<0.000000e+00> : vector<128x128xf32>
    %dot_general3A_127 = tpu.matmul %max3A_110, %max3A_110, %dot_general3A_126 {dimension_numbers = #tpu.dot_dimension_numbers<[0], [0], [1], [1], [0, 1, 1, 1], [], []>, precision = #tpu.contract_precision<fp32>, transpose_lhs_hint = false} : vector<2000x128xf32>, vector<2000x128xf32>, vector<128x128xf32> -> vector<128x128xf32>
    %add3A_128 = arith.addf %get3A_125, %dot_general3A_127 : vector<128x128xf32>
    %swap3A_129 = arith.constant 0 : index
    %swap3A_130 = arith.constant 0 : index
    %swap3A_131 = vector.load %arg20[%swap3A_129, %swap3A_130] : memref<128x128xf32, #tpu.memory_space<vmem>>, vector<128x128xf32>
    tpu.vector_store %arg20[%swap3A_129, %swap3A_130], %add3A_128 {strides = array<i32>} : memref<128x128xf32, #tpu.memory_space<vmem>>, vector<128x128xf32>,
    return
  }
  func.func @transform_0(%arg0: i32) -> (i32, i32) {
    %c0_i32 = arith.constant 0 : i32
    %c0_i32_0 = arith.constant 0 : i32
    return %arg0, %c0_i32 : i32, i32
  }
  func.func @transform_1(%arg0: i32) -> (i32, i32) {
    %c0_i32 = arith.constant 0 : i32
    %c0_i32_0 = arith.constant 0 : i32
    return %arg0, %c0_i32 : i32, i32
  }
  func.func @transform_2(%arg0: i32) -> (i32, i32) {
    %c0_i32 = arith.constant 0 : i32
    %c0_i32_0 = arith.constant 0 : i32
    %c0_i32_1 = arith.constant 0 : i32
    return %c0_i32, %c0_i32_0 : i32, i32
  }
  func.func @transform_3(%arg0: i32) -> (i32, i32) {
    %c0_i32 = arith.constant 0 : i32
    %c0_i32_0 = arith.constant 0 : i32
    %c0_i32_1 = arith.constant 0 : i32
    return %c0_i32, %c0_i32_0 : i32, i32
  }
  func.func @transform_4(%arg0: i32) -> (i32, i32) {
    %c0_i32 = arith.constant 0 : i32
    %c0_i32_0 = arith.constant 0 : i32
    %c0_i32_1 = arith.constant 0 : i32
    return %c0_i32, %c0_i32_0 : i32, i32
  }
  func.func @transform_5(%arg0: i32) -> (i32, i32) {
    %c0_i32 = arith.constant 0 : i32
    %c0_i32_0 = arith.constant 0 : i32
    %c0_i32_1 = arith.constant 0 : i32
    return %c0_i32, %c0_i32_0 : i32, i32
  }
  func.func @transform_6(%arg0: i32) -> (i32, i32) {
    %c0_i32 = arith.constant 0 : i32
    %c0_i32_0 = arith.constant 0 : i32
    %c0_i32_1 = arith.constant 0 : i32
    return %c0_i32, %c0_i32_0 : i32, i32
  }
  func.func @transform_7(%arg0: i32) -> (i32, i32) {
    %c0_i32 = arith.constant 0 : i32
    %c0_i32_0 = arith.constant 0 : i32
    %c0_i32_1 = arith.constant 0 : i32
    return %c0_i32, %c0_i32_0 : i32, i32
  }
  func.func @transform_8(%arg0: i32) -> (i32, i32) {
    %c0_i32 = arith.constant 0 : i32
    %c0_i32_0 = arith.constant 0 : i32
    %c0_i32_1 = arith.constant 0 : i32
    return %c0_i32, %c0_i32_0 : i32, i32
  }
  func.func @transform_9(%arg0: i32) -> (i32, i32) {
    %c0_i32 = arith.constant 0 : i32
    %c0_i32_0 = arith.constant 0 : i32
    %c0_i32_1 = arith.constant 0 : i32
    return %c0_i32, %c0_i32_0 : i32, i32
  }
  func.func @transform_10(%arg0: i32) -> (i32, i32) {
    %c0_i32 = arith.constant 0 : i32
    %c0_i32_0 = arith.constant 0 : i32
    %c0_i32_1 = arith.constant 0 : i32
    return %c0_i32, %c0_i32_0 : i32, i32
  }
  func.func @transform_11(%arg0: i32) -> (i32, i32) {
    %c0_i32 = arith.constant 0 : i32
    %c0_i32_0 = arith.constant 0 : i32
    %c0_i32_1 = arith.constant 0 : i32
    return %c0_i32, %c0_i32_0 : i32, i32
  }
  func.func @transform_12(%arg0: i32) -> (i32, i32) {
    %c0_i32 = arith.constant 0 : i32
    %c0_i32_0 = arith.constant 0 : i32
    %c0_i32_1 = arith.constant 0 : i32
    return %c0_i32, %c0_i32_0 : i32, i32
  }
  func.func @transform_13(%arg0: i32) -> (i32, i32) {
    %c0_i32 = arith.constant 0 : i32
    %c0_i32_0 = arith.constant 0 : i32
    %c0_i32_1 = arith.constant 0 : i32
    return %c0_i32, %c0_i32_0 : i32, i32
  }
  func.func @transform_14(%arg0: i32) -> (i32, i32) {
    %c0_i32 = arith.constant 0 : i32
    %c0_i32_0 = arith.constant 0 : i32
    %c0_i32_1 = arith.constant 0 : i32
    return %c0_i32, %c0_i32_0 : i32, i32
  }
  func.func @transform_15(%arg0: i32) -> (i32, i32) {
    %c0_i32 = arith.constant 0 : i32
    %c0_i32_0 = arith.constant 0 : i32
    %c0_i32_1 = arith.constant 0 : i32
    return %c0_i32, %c0_i32_0 : i32, i32
  }
  func.func @transform_16(%arg0: i32) -> (i32, i32) {
    %c0_i32 = arith.constant 0 : i32
    %c0_i32_0 = arith.constant 0 : i32
    %c0_i32_1 = arith.constant 0 : i32
    return %c0_i32, %c0_i32_0 : i32, i32
  }
  func.func @transform_17(%arg0: i32) -> (i32, i32) {
    %c0_i32 = arith.constant 0 : i32
    %c0_i32_0 = arith.constant 0 : i32
    return %arg0, %c0_i32 : i32, i32
  }
  func.func @transform_18(%arg0: i32) -> (i32, i32) {
    %c0_i32 = arith.constant 0 : i32
    %c0_i32_0 = arith.constant 0 : i32
    %c0_i32_1 = arith.constant 0 : i32
    return %c0_i32, %c0_i32_0 : i32, i32
  }
  func.func @transform_19(%arg0: i32) -> (i32, i32) {
    %c0_i32 = arith.constant 0 : i32
    %c0_i32_0 = arith.constant 0 : i32
    %c0_i32_1 = arith.constant 0 : i32
    return %c0_i32, %c0_i32_0 : i32, i32
  }
}

module attributes {stable_mosaic.version = 14 : i64} {
  func.func @_kM_body(%arg0: i32, %arg1: memref<512x128xf32, #tpu.memory_space<vmem>>, %arg2: memref<512x128xf32, #tpu.memory_space<vmem>>, %arg3: memref<512x128xf32, #tpu.memory_space<vmem>>, %arg4: memref<512x128xf32, #tpu.memory_space<vmem>>, %arg5: memref<128x128xf32, #tpu.memory_space<vmem>>, %arg6: memref<512x128xf32, #tpu.memory_space<vmem>>, %arg7: memref<128x128xf32, #tpu.memory_space<vmem>>) attributes {dimension_semantics = [#tpu.dimension_semantics<arbitrary>], iteration_bounds = array<i64: 20>, scalar_prefetch = 0 : i64, scratch_operands = 0 : i64, tpu.core_type = #tpu.core_type<tc>, window_params = [{transform_indices = @transform_0, window_bounds = array<i64: 512, 128>}, {transform_indices = @transform_1, window_bounds = array<i64: 512, 128>}, {transform_indices = @transform_2, window_bounds = array<i64: 512, 128>}, {transform_indices = @transform_3, window_bounds = array<i64: 512, 128>}, {pipeline_mode = #tpu.pipeline_mode<synchronous>, transform_indices = @transform_4, window_bounds = array<i64: 128, 128>}, {transform_indices = @transform_5, window_bounds = array<i64: 512, 128>}, {pipeline_mode = #tpu.pipeline_mode<synchronous>, transform_indices = @transform_6, window_bounds = array<i64: 128, 128>}]} {
    %eq3A = arith.constant 0 : i32
    %eq3A_0 = arith.cmpi eq, %arg0, %eq3A : i32
    %convert_element_type3A = arith.extui %eq3A_0 : i1 to i32
    %cond3A = arith.constant 0 : i32
    %cond3A_1 = arith.cmpi ne, %convert_element_type3A, %cond3A : i32
    scf.if %cond3A_1 {
      %broadcast_in_dim3A_34 = arith.constant 0.000000e+00 : f32
      %broadcast_in_dim3A_35 = vector.broadcast %broadcast_in_dim3A_34 : f32 to vector<128x128xf32>
      %swap3A_36 = arith.constant 0 : index
      %swap3A_37 = arith.constant 0 : index
      %swap3A_38 = vector.load %arg7[%swap3A_36, %swap3A_37] : memref<128x128xf32, #tpu.memory_space<vmem>>, vector<128x128xf32>
      tpu.vector_store %arg7[%swap3A_36, %swap3A_37], %broadcast_in_dim3A_35 {strides = array<i32>} : memref<128x128xf32, #tpu.memory_space<vmem>>, vector<128x128xf32>,
    } else {
    }
    %get3A = arith.constant 0 : index
    %get3A_2 = arith.constant 0 : index
    %get3A_3 = vector.load %arg1[%get3A, %get3A_2] : memref<512x128xf32, #tpu.memory_space<vmem>>, vector<512x128xf32>
    %get3A_4 = arith.constant 0 : index
    %get3A_5 = arith.constant 0 : index
    %get3A_6 = vector.load %arg2[%get3A_4, %get3A_5] : memref<512x128xf32, #tpu.memory_space<vmem>>, vector<512x128xf32>
    %add3A = arith.addf %get3A_3, %get3A_6 : vector<512x128xf32>
    %get3A_7 = arith.constant 0 : index
    %get3A_8 = arith.constant 0 : index
    %get3A_9 = vector.load %arg3[%get3A_7, %get3A_8] : memref<512x128xf32, #tpu.memory_space<vmem>>, vector<512x128xf32>
    %get3A_10 = arith.constant 0 : index
    %get3A_11 = arith.constant 0 : index
    %get3A_12 = vector.load %arg4[%get3A_10, %get3A_11] : memref<512x128xf32, #tpu.memory_space<vmem>>, vector<512x128xf32>
    %add3A_13 = arith.addf %get3A_9, %get3A_12 : vector<512x128xf32>
    %slice3A = vector.extract_strided_slice %add3A_13 {offsets = [0, 0], sizes = [512, 1], strides = [1, 1]} : vector<512x128xf32> to vector<512x1xf32>
    %gt3A = arith.constant 0.000000e+00 : f32
    %gt3A_14 = vector.broadcast %gt3A : f32 to vector<512x1xf32>
    %gt3A_15 = arith.cmpf ogt, %slice3A, %gt3A_14 : vector<512x1xf32>
    %div3A = vector.broadcast %slice3A : vector<512x1xf32> to vector<512x128xf32>
    %div3A_16 = arith.divf %add3A, %div3A : vector<512x128xf32>
    %jit3A = arith.constant 0.000000e+00 : f32
    %broadcast_in_dim3A = vector.shape_cast %gt3A_15 : vector<512x1xi1> to vector<512x1xi1>
    %broadcast_in_dim3A_17 = vector.broadcast %broadcast_in_dim3A : vector<512x1xi1> to vector<512x128xi1>
    %broadcast_in_dim3A_18 = vector.broadcast %jit3A : f32 to vector<512x128xf32>
    %select_n3A = arith.select %broadcast_in_dim3A_17, %div3A_16, %broadcast_in_dim3A_18 : vector<512x128xi1>, vector<512x128xf32>
    %get3A_19 = arith.constant 0 : index
    %get3A_20 = arith.constant 0 : index
    %get3A_21 = vector.load %arg5[%get3A_19, %get3A_20] : memref<128x128xf32, #tpu.memory_space<vmem>>, vector<128x128xf32>
    %dot_general3A = arith.constant dense<0.000000e+00> : vector<512x128xf32>
    %dot_general3A_22 = tpu.matmul %select_n3A, %get3A_21, %dot_general3A {dimension_numbers = #tpu.dot_dimension_numbers<[1], [0], [0], [1], [0, 0, 1, 1], [], []>, transpose_lhs_hint = false} : vector<512x128xf32>, vector<128x128xf32>, vector<512x128xf32> -> vector<512x128xf32>
    %swap3A = arith.constant 0 : index
    %swap3A_23 = arith.constant 0 : index
    %swap3A_24 = vector.load %arg6[%swap3A, %swap3A_23] : memref<512x128xf32, #tpu.memory_space<vmem>>, vector<512x128xf32>
    tpu.vector_store %arg6[%swap3A, %swap3A_23], %dot_general3A_22 {strides = array<i32>} : memref<512x128xf32, #tpu.memory_space<vmem>>, vector<512x128xf32>,
    %get3A_25 = arith.constant 0 : index
    %get3A_26 = arith.constant 0 : index
    %get3A_27 = vector.load %arg7[%get3A_25, %get3A_26] : memref<128x128xf32, #tpu.memory_space<vmem>>, vector<128x128xf32>
    %dot_general3A_28 = arith.constant dense<0.000000e+00> : vector<128x128xf32>
    %dot_general3A_29 = tpu.matmul %add3A, %select_n3A, %dot_general3A_28 {dimension_numbers = #tpu.dot_dimension_numbers<[0], [0], [1], [1], [0, 1, 1, 1], [], []>, precision = #tpu.contract_precision<fp32>, transpose_lhs_hint = false} : vector<512x128xf32>, vector<512x128xf32>, vector<128x128xf32> -> vector<128x128xf32>
    %add3A_30 = arith.addf %get3A_27, %dot_general3A_29 : vector<128x128xf32>
    %swap3A_31 = arith.constant 0 : index
    %swap3A_32 = arith.constant 0 : index
    %swap3A_33 = vector.load %arg7[%swap3A_31, %swap3A_32] : memref<128x128xf32, #tpu.memory_space<vmem>>, vector<128x128xf32>
    tpu.vector_store %arg7[%swap3A_31, %swap3A_32], %add3A_30 {strides = array<i32>} : memref<128x128xf32, #tpu.memory_space<vmem>>, vector<128x128xf32>,
    return
  }
  func.func @transform_0(%arg0: i32) -> (i32, i32) {
    %c0_i32 = arith.constant 0 : i32
    %c0_i32_0 = arith.constant 0 : i32
    return %arg0, %c0_i32 : i32, i32
  }
  func.func @transform_1(%arg0: i32) -> (i32, i32) {
    %add3A = arith.constant 20 : i32
    %add3A_0 = arith.addi %arg0, %add3A : i32
    %c0_i32 = arith.constant 0 : i32
    %c0_i32_1 = arith.constant 0 : i32
    return %add3A_0, %c0_i32 : i32, i32
  }
  func.func @transform_2(%arg0: i32) -> (i32, i32) {
    %c0_i32 = arith.constant 0 : i32
    %c0_i32_0 = arith.constant 0 : i32
    return %arg0, %c0_i32 : i32, i32
  }
  func.func @transform_3(%arg0: i32) -> (i32, i32) {
    %add3A = arith.constant 20 : i32
    %add3A_0 = arith.addi %arg0, %add3A : i32
    %c0_i32 = arith.constant 0 : i32
    %c0_i32_1 = arith.constant 0 : i32
    return %add3A_0, %c0_i32 : i32, i32
  }
  func.func @transform_4(%arg0: i32) -> (i32, i32) {
    %c0_i32 = arith.constant 0 : i32
    %c0_i32_0 = arith.constant 0 : i32
    %c0_i32_1 = arith.constant 0 : i32
    return %c0_i32, %c0_i32_0 : i32, i32
  }
  func.func @transform_5(%arg0: i32) -> (i32, i32) {
    %c0_i32 = arith.constant 0 : i32
    %c0_i32_0 = arith.constant 0 : i32
    return %arg0, %c0_i32 : i32, i32
  }
  func.func @transform_6(%arg0: i32) -> (i32, i32) {
    %c0_i32 = arith.constant 0 : i32
    %c0_i32_0 = arith.constant 0 : i32
    %c0_i32_1 = arith.constant 0 : i32
    return %c0_i32, %c0_i32_0 : i32, i32
  }
}

module attributes {stable_mosaic.version = 14 : i64} {
  func.func @_kE_body(%arg0: i32, %arg1: memref<512x128xf32, #tpu.memory_space<vmem>>, %arg2: memref<512x128xf32, #tpu.memory_space<vmem>>, %arg3: memref<128x128xf32, #tpu.memory_space<vmem>>, %arg4: memref<128x128xf32, #tpu.memory_space<vmem>>, %arg5: memref<128x128xf32, #tpu.memory_space<vmem>>, %arg6: memref<128x128xf32, #tpu.memory_space<vmem>>, %arg7: memref<1x128xf32, #tpu.memory_space<vmem>>, %arg8: memref<1x128xf32, #tpu.memory_space<vmem>>, %arg9: memref<1x128xf32, #tpu.memory_space<vmem>>, %arg10: memref<512x128xf32, #tpu.memory_space<vmem>>, %arg11: memref<2x128xf32, #tpu.memory_space<vmem>>) attributes {dimension_semantics = [#tpu.dimension_semantics<arbitrary>], iteration_bounds = array<i64: 625>, scalar_prefetch = 0 : i64, scratch_operands = 1 : i64, tpu.core_type = #tpu.core_type<tc>, window_params = [{transform_indices = @transform_0, window_bounds = array<i64: 512, 128>}, {transform_indices = @transform_1, window_bounds = array<i64: 512, 128>}, {pipeline_mode = #tpu.pipeline_mode<synchronous>, transform_indices = @transform_2, window_bounds = array<i64: 128, 128>}, {pipeline_mode = #tpu.pipeline_mode<synchronous>, transform_indices = @transform_3, window_bounds = array<i64: 128, 128>}, {pipeline_mode = #tpu.pipeline_mode<synchronous>, transform_indices = @transform_4, window_bounds = array<i64: 128, 128>}, {pipeline_mode = #tpu.pipeline_mode<synchronous>, transform_indices = @transform_5, window_bounds = array<i64: 128, 128>}, {pipeline_mode = #tpu.pipeline_mode<synchronous>, transform_indices = @transform_6, window_bounds = array<i64: 1, 128>}, {pipeline_mode = #tpu.pipeline_mode<synchronous>, transform_indices = @transform_7, window_bounds = array<i64: 1, 128>}, {pipeline_mode = #tpu.pipeline_mode<synchronous>, transform_indices = @transform_8, window_bounds = array<i64: 1, 128>}, {transform_indices = @transform_9, window_bounds = array<i64: 512, 128>}]} {
    %eq3A = arith.constant 0 : i32
    %eq3A_0 = arith.cmpi eq, %arg0, %eq3A : i32
    %convert_element_type3A = arith.extui %eq3A_0 : i1 to i32
    %cond3A = arith.constant 0 : i32
    %cond3A_1 = arith.cmpi ne, %convert_element_type3A, %cond3A : i32
    scf.if %cond3A_1 {
      %get3A_24 = arith.constant 0 : index
      %get3A_25 = arith.constant 0 : index
      %get3A_26 = vector.load %arg3[%get3A_24, %get3A_25] : memref<128x128xf32, #tpu.memory_space<vmem>>, vector<128x128xf32>
      %get3A_27 = arith.constant 0 : index
      %get3A_28 = arith.constant 0 : index
      %get3A_29 = vector.load %arg4[%get3A_27, %get3A_28] : memref<128x128xf32, #tpu.memory_space<vmem>>, vector<128x128xf32>
      %get3A_30 = arith.constant 0 : index
      %get3A_31 = arith.constant 0 : index
      %get3A_32 = vector.load %arg5[%get3A_30, %get3A_31] : memref<128x128xf32, #tpu.memory_space<vmem>>, vector<128x128xf32>
      %get3A_33 = arith.constant 0 : index
      %get3A_34 = arith.constant 0 : index
      %get3A_35 = vector.load %arg7[%get3A_33, %get3A_34] : memref<1x128xf32, #tpu.memory_space<vmem>>, vector<1x128xf32>
      %add3A_36 = arith.addf %get3A_26, %get3A_29 : vector<128x128xf32>
      %dot_general3A_37 = arith.constant dense<0.000000e+00> : vector<1x128xf32>
      %dot_general3A_38 = tpu.matmul %get3A_35, %add3A_36, %dot_general3A_37 {dimension_numbers = #tpu.dot_dimension_numbers<[1], [0], [0], [1], [0, 0, 1, 1], [], []>, precision = #tpu.contract_precision<fp32>, transpose_lhs_hint = false} : vector<1x128xf32>, vector<128x128xf32>, vector<1x128xf32> -> vector<1x128xf32>
      %div3A = arith.constant 3.200000e+05 : f32
      %div3A_39 = vector.broadcast %div3A : f32 to vector<1x128xf32>
      %div3A_40 = arith.divf %dot_general3A_38, %div3A_39 : vector<1x128xf32>
      %get3A_41 = arith.constant 0 : index
      %get3A_42 = arith.constant 0 : index
      %get3A_43 = vector.load %arg6[%get3A_41, %get3A_42] : memref<128x128xf32, #tpu.memory_space<vmem>>, vector<128x128xf32>
      %dot_general3A_44 = arith.constant dense<0.000000e+00> : vector<128x128xf32>
      %dot_general3A_45 = tpu.matmul %get3A_43, %get3A_26, %dot_general3A_44 {dimension_numbers = #tpu.dot_dimension_numbers<[1], [0], [0], [1], [0, 0, 1, 1], [], []>, precision = #tpu.contract_precision<fp32>, transpose_lhs_hint = false} : vector<128x128xf32>, vector<128x128xf32>, vector<128x128xf32> -> vector<128x128xf32>
      %mul3A_46 = arith.mulf %get3A_26, %dot_general3A_45 : vector<128x128xf32>
      %reduce_sum3A = arith.constant dense<0.000000e+00> : vector<128xf32>
      %reduce_sum3A_47 = vector.multi_reduction <add>, %mul3A_46, %reduce_sum3A [0] : vector<128x128xf32> to vector<128xf32>
      %broadcast_in_dim3A = vector.shape_cast %reduce_sum3A_47 : vector<128xf32> to vector<1x128xf32>
      %dot_general3A_48 = arith.constant dense<0.000000e+00> : vector<128x128xf32>
      %dot_general3A_49 = tpu.matmul %get3A_32, %get3A_29, %dot_general3A_48 {dimension_numbers = #tpu.dot_dimension_numbers<[1], [0], [0], [1], [0, 0, 1, 1], [], []>, precision = #tpu.contract_precision<fp32>, transpose_lhs_hint = false} : vector<128x128xf32>, vector<128x128xf32>, vector<128x128xf32> -> vector<128x128xf32>
      %mul3A_50 = arith.mulf %get3A_26, %dot_general3A_49 : vector<128x128xf32>
      %reduce_sum3A_51 = arith.constant dense<0.000000e+00> : vector<128xf32>
      %reduce_sum3A_52 = vector.multi_reduction <add>, %mul3A_50, %reduce_sum3A_51 [0] : vector<128x128xf32> to vector<128xf32>
      %broadcast_in_dim3A_53 = vector.shape_cast %reduce_sum3A_52 : vector<128xf32> to vector<1x128xf32>
      %dot_general3A_54 = arith.constant dense<0.000000e+00> : vector<128x128xf32>
      %dot_general3A_55 = tpu.matmul %get3A_32, %get3A_29, %dot_general3A_54 {dimension_numbers = #tpu.dot_dimension_numbers<[1], [0], [0], [1], [0, 0, 1, 1], [], []>, precision = #tpu.contract_precision<fp32>, transpose_lhs_hint = false} : vector<128x128xf32>, vector<128x128xf32>, vector<128x128xf32> -> vector<128x128xf32>
      %mul3A_56 = arith.mulf %get3A_29, %dot_general3A_55 : vector<128x128xf32>
      %reduce_sum3A_57 = arith.constant dense<0.000000e+00> : vector<128xf32>
      %reduce_sum3A_58 = vector.multi_reduction <add>, %mul3A_56, %reduce_sum3A_57 [0] : vector<128x128xf32> to vector<128xf32>
      %broadcast_in_dim3A_59 = vector.shape_cast %reduce_sum3A_58 : vector<128xf32> to vector<1x128xf32>
      %mul3A_60 = arith.constant 2.000000e+00 : f32
      %mul3A_61 = vector.broadcast %mul3A_60 : f32 to vector<1x128xf32>
      %mul3A_62 = arith.mulf %mul3A_61, %broadcast_in_dim3A_53 : vector<1x128xf32>
      %add3A_63 = arith.addf %broadcast_in_dim3A, %mul3A_62 : vector<1x128xf32>
      %add3A_64 = arith.addf %add3A_63, %broadcast_in_dim3A_59 : vector<1x128xf32>
      %div3A_65 = arith.constant 3.200000e+05 : f32
      %div3A_66 = vector.broadcast %div3A_65 : f32 to vector<1x128xf32>
      %div3A_67 = arith.divf %add3A_64, %div3A_66 : vector<1x128xf32>
      %mul3A_68 = arith.mulf %div3A_40, %div3A_40 : vector<1x128xf32>
      %sub3A = arith.subf %div3A_67, %mul3A_68 : vector<1x128xf32>
      %get3A_69 = arith.constant 0 : index
      %get3A_70 = arith.constant 0 : index
      %get3A_71 = vector.load %arg8[%get3A_69, %get3A_70] : memref<1x128xf32, #tpu.memory_space<vmem>>, vector<1x128xf32>
      %add3A_72 = arith.constant 9.99999974E-6 : f32
      %add3A_73 = vector.broadcast %add3A_72 : f32 to vector<1x128xf32>
      %add3A_74 = arith.addf %sub3A, %add3A_73 : vector<1x128xf32>
      %sqrt3A = math.sqrt %add3A_74 : vector<1x128xf32>
      %div3A_75 = arith.divf %get3A_71, %sqrt3A : vector<1x128xf32>
      %swap3A_76 = arith.constant 0 : index
      %swap3A_77 = arith.constant 0 : index
      %swap3A_78 = vector.load %arg11[%swap3A_76, %swap3A_77] : memref<2x128xf32, #tpu.memory_space<vmem>>, vector<1x128xf32>
      tpu.vector_store %arg11[%swap3A_76, %swap3A_77], %div3A_75 {strides = array<i32>} : memref<2x128xf32, #tpu.memory_space<vmem>>, vector<1x128xf32>,
      %get3A_79 = arith.constant 0 : index
      %get3A_80 = arith.constant 0 : index
      %get3A_81 = vector.load %arg9[%get3A_79, %get3A_80] : memref<1x128xf32, #tpu.memory_space<vmem>>, vector<1x128xf32>
      %mul3A_82 = arith.mulf %div3A_40, %div3A_75 : vector<1x128xf32>
      %sub3A_83 = arith.subf %get3A_81, %mul3A_82 : vector<1x128xf32>
      %swap3A_84 = arith.constant 1 : index
      %swap3A_85 = arith.constant 0 : index
      %swap3A_86 = vector.load %arg11[%swap3A_84, %swap3A_85] : memref<2x128xf32, #tpu.memory_space<vmem>>, vector<1x128xf32>
      tpu.vector_store %arg11[%swap3A_84, %swap3A_85], %sub3A_83 {strides = array<i32>} : memref<2x128xf32, #tpu.memory_space<vmem>>, vector<1x128xf32>,
    } else {
    }
    %get3A = arith.constant 0 : index
    %get3A_2 = arith.constant 0 : index
    %get3A_3 = vector.load %arg1[%get3A, %get3A_2] : memref<512x128xf32, #tpu.memory_space<vmem>>, vector<512x128xf32>
    %get3A_4 = arith.constant 0 : index
    %get3A_5 = arith.constant 0 : index
    %get3A_6 = vector.load %arg3[%get3A_4, %get3A_5] : memref<128x128xf32, #tpu.memory_space<vmem>>, vector<128x128xf32>
    %dot_general3A = arith.constant dense<0.000000e+00> : vector<512x128xf32>
    %dot_general3A_7 = tpu.matmul %get3A_3, %get3A_6, %dot_general3A {dimension_numbers = #tpu.dot_dimension_numbers<[1], [0], [0], [1], [0, 0, 1, 1], [], []>, transpose_lhs_hint = false} : vector<512x128xf32>, vector<128x128xf32>, vector<512x128xf32> -> vector<512x128xf32>
    %get3A_8 = arith.constant 0 : index
    %get3A_9 = arith.constant 0 : index
    %get3A_10 = vector.load %arg2[%get3A_8, %get3A_9] : memref<512x128xf32, #tpu.memory_space<vmem>>, vector<512x128xf32>
    %add3A = arith.addf %dot_general3A_7, %get3A_10 : vector<512x128xf32>
    %get3A_11 = arith.constant 0 : index
    %get3A_12 = arith.constant 0 : index
    %get3A_13 = vector.load %arg11[%get3A_11, %get3A_12] : memref<2x128xf32, #tpu.memory_space<vmem>>, vector<1x128xf32>
    %mul3A = vector.broadcast %get3A_13 : vector<1x128xf32> to vector<512x128xf32>
    %mul3A_14 = arith.mulf %add3A, %mul3A : vector<512x128xf32>
    %get3A_15 = arith.constant 1 : index
    %get3A_16 = arith.constant 0 : index
    %get3A_17 = vector.load %arg11[%get3A_15, %get3A_16] : memref<2x128xf32, #tpu.memory_space<vmem>>, vector<1x128xf32>
    %add3A_18 = vector.broadcast %get3A_17 : vector<1x128xf32> to vector<512x128xf32>
    %add3A_19 = arith.addf %mul3A_14, %add3A_18 : vector<512x128xf32>
    %max3A = arith.constant 0.000000e+00 : f32
    %max3A_20 = vector.broadcast %max3A : f32 to vector<512x128xf32>
    %max3A_21 = arith.maximumf %add3A_19, %max3A_20 : vector<512x128xf32>
    %swap3A = arith.constant 0 : index
    %swap3A_22 = arith.constant 0 : index
    %swap3A_23 = vector.load %arg10[%swap3A, %swap3A_22] : memref<512x128xf32, #tpu.memory_space<vmem>>, vector<512x128xf32>
    tpu.vector_store %arg10[%swap3A, %swap3A_22], %max3A_21 {strides = array<i32>} : memref<512x128xf32, #tpu.memory_space<vmem>>, vector<512x128xf32>,
    return
  }
  func.func @transform_0(%arg0: i32) -> (i32, i32) {
    %c0_i32 = arith.constant 0 : i32
    %c0_i32_0 = arith.constant 0 : i32
    return %arg0, %c0_i32 : i32, i32
  }
  func.func @transform_1(%arg0: i32) -> (i32, i32) {
    %c0_i32 = arith.constant 0 : i32
    %c0_i32_0 = arith.constant 0 : i32
    return %arg0, %c0_i32 : i32, i32
  }
  func.func @transform_2(%arg0: i32) -> (i32, i32) {
    %c0_i32 = arith.constant 0 : i32
    %c0_i32_0 = arith.constant 0 : i32
    %c0_i32_1 = arith.constant 0 : i32
    return %c0_i32, %c0_i32_0 : i32, i32
  }
  func.func @transform_3(%arg0: i32) -> (i32, i32) {
    %c0_i32 = arith.constant 0 : i32
    %c0_i32_0 = arith.constant 0 : i32
    %c0_i32_1 = arith.constant 0 : i32
    return %c0_i32, %c0_i32_0 : i32, i32
  }
  func.func @transform_4(%arg0: i32) -> (i32, i32) {
    %c0_i32 = arith.constant 0 : i32
    %c0_i32_0 = arith.constant 0 : i32
    %c0_i32_1 = arith.constant 0 : i32
    return %c0_i32, %c0_i32_0 : i32, i32
  }
  func.func @transform_5(%arg0: i32) -> (i32, i32) {
    %c0_i32 = arith.constant 0 : i32
    %c0_i32_0 = arith.constant 0 : i32
    %c0_i32_1 = arith.constant 0 : i32
    return %c0_i32, %c0_i32_0 : i32, i32
  }
  func.func @transform_6(%arg0: i32) -> (i32, i32) {
    %c0_i32 = arith.constant 0 : i32
    %c0_i32_0 = arith.constant 0 : i32
    %c0_i32_1 = arith.constant 0 : i32
    return %c0_i32, %c0_i32_0 : i32, i32
  }
  func.func @transform_7(%arg0: i32) -> (i32, i32) {
    %c0_i32 = arith.constant 0 : i32
    %c0_i32_0 = arith.constant 0 : i32
    %c0_i32_1 = arith.constant 0 : i32
    return %c0_i32, %c0_i32_0 : i32, i32
  }
  func.func @transform_8(%arg0: i32) -> (i32, i32) {
    %c0_i32 = arith.constant 0 : i32
    %c0_i32_0 = arith.constant 0 : i32
    %c0_i32_1 = arith.constant 0 : i32
    return %c0_i32, %c0_i32_0 : i32, i32
  }
  func.func @transform_9(%arg0: i32) -> (i32, i32) {
    %c0_i32 = arith.constant 0 : i32
    %c0_i32_0 = arith.constant 0 : i32
    return %arg0, %c0_i32 : i32, i32
  }
}

module attributes {stable_mosaic.version = 14 : i64} {
  func.func @_kF_body(%arg0: i32, %arg1: memref<512x128xf32, #tpu.memory_space<vmem>>, %arg2: memref<512x128xf32, #tpu.memory_space<vmem>>, %arg3: memref<512x128xf32, #tpu.memory_space<vmem>>, %arg4: memref<512x128xf32, #tpu.memory_space<vmem>>, %arg5: memref<512x128xf32, #tpu.memory_space<vmem>>, %arg6: memref<512x128xf32, #tpu.memory_space<vmem>>, %arg7: memref<128x128xf32, #tpu.memory_space<vmem>>, %arg8: memref<128x128xf32, #tpu.memory_space<vmem>>, %arg9: memref<1x128xf32, #tpu.memory_space<vmem>>, %arg10: memref<512x128xf32, #tpu.memory_space<vmem>>) attributes {dimension_semantics = [#tpu.dimension_semantics<arbitrary>], iteration_bounds = array<i64: 20>, scalar_prefetch = 0 : i64, scratch_operands = 0 : i64, tpu.core_type = #tpu.core_type<tc>, window_params = [{transform_indices = @transform_0, window_bounds = array<i64: 512, 128>}, {transform_indices = @transform_1, window_bounds = array<i64: 512, 128>}, {transform_indices = @transform_2, window_bounds = array<i64: 512, 128>}, {transform_indices = @transform_3, window_bounds = array<i64: 512, 128>}, {transform_indices = @transform_4, window_bounds = array<i64: 512, 128>}, {transform_indices = @transform_5, window_bounds = array<i64: 512, 128>}, {pipeline_mode = #tpu.pipeline_mode<synchronous>, transform_indices = @transform_6, window_bounds = array<i64: 128, 128>}, {pipeline_mode = #tpu.pipeline_mode<synchronous>, transform_indices = @transform_7, window_bounds = array<i64: 128, 128>}, {pipeline_mode = #tpu.pipeline_mode<synchronous>, transform_indices = @transform_8, window_bounds = array<i64: 1, 128>}, {transform_indices = @transform_9, window_bounds = array<i64: 512, 128>}]} {
    %get3A = arith.constant 0 : index
    %get3A_0 = arith.constant 0 : index
    %get3A_1 = vector.load %arg5[%get3A, %get3A_0] : memref<512x128xf32, #tpu.memory_space<vmem>>, vector<512x128xf32>
    %get3A_2 = arith.constant 0 : index
    %get3A_3 = arith.constant 0 : index
    %get3A_4 = vector.load %arg6[%get3A_2, %get3A_3] : memref<512x128xf32, #tpu.memory_space<vmem>>, vector<512x128xf32>
    %add3A = arith.addf %get3A_1, %get3A_4 : vector<512x128xf32>
    %slice3A = vector.extract_strided_slice %add3A {offsets = [0, 0], sizes = [512, 1], strides = [1, 1]} : vector<512x128xf32> to vector<512x1xf32>
    %get3A_5 = arith.constant 0 : index
    %get3A_6 = arith.constant 0 : index
    %get3A_7 = vector.load %arg1[%get3A_5, %get3A_6] : memref<512x128xf32, #tpu.memory_space<vmem>>, vector<512x128xf32>
    %get3A_8 = arith.constant 0 : index
    %get3A_9 = arith.constant 0 : index
    %get3A_10 = vector.load %arg2[%get3A_8, %get3A_9] : memref<512x128xf32, #tpu.memory_space<vmem>>, vector<512x128xf32>
    %add3A_11 = arith.addf %get3A_7, %get3A_10 : vector<512x128xf32>
    %div3A = vector.broadcast %slice3A : vector<512x1xf32> to vector<512x128xf32>
    %div3A_12 = arith.divf %add3A_11, %div3A : vector<512x128xf32>
    %get3A_13 = arith.constant 0 : index
    %get3A_14 = arith.constant 0 : index
    %get3A_15 = vector.load %arg3[%get3A_13, %get3A_14] : memref<512x128xf32, #tpu.memory_space<vmem>>, vector<512x128xf32>
    %get3A_16 = arith.constant 0 : index
    %get3A_17 = arith.constant 0 : index
    %get3A_18 = vector.load %arg4[%get3A_16, %get3A_17] : memref<512x128xf32, #tpu.memory_space<vmem>>, vector<512x128xf32>
    %add3A_19 = arith.addf %get3A_15, %get3A_18 : vector<512x128xf32>
    %div3A_20 = vector.broadcast %slice3A : vector<512x1xf32> to vector<512x128xf32>
    %div3A_21 = arith.divf %add3A_19, %div3A_20 : vector<512x128xf32>
    %get3A_22 = arith.constant 0 : index
    %get3A_23 = arith.constant 0 : index
    %get3A_24 = vector.load %arg7[%get3A_22, %get3A_23] : memref<128x128xf32, #tpu.memory_space<vmem>>, vector<128x128xf32>
    %dot_general3A = arith.constant dense<0.000000e+00> : vector<512x128xf32>
    %dot_general3A_25 = tpu.matmul %div3A_12, %get3A_24, %dot_general3A {dimension_numbers = #tpu.dot_dimension_numbers<[1], [0], [0], [1], [0, 0, 1, 1], [], []>, transpose_lhs_hint = false} : vector<512x128xf32>, vector<128x128xf32>, vector<512x128xf32> -> vector<512x128xf32>
    %get3A_26 = arith.constant 0 : index
    %get3A_27 = arith.constant 0 : index
    %get3A_28 = vector.load %arg8[%get3A_26, %get3A_27] : memref<128x128xf32, #tpu.memory_space<vmem>>, vector<128x128xf32>
    %dot_general3A_29 = arith.constant dense<0.000000e+00> : vector<512x128xf32>
    %dot_general3A_30 = tpu.matmul %div3A_21, %get3A_28, %dot_general3A_29 {dimension_numbers = #tpu.dot_dimension_numbers<[1], [0], [0], [1], [0, 0, 1, 1], [], []>, transpose_lhs_hint = false} : vector<512x128xf32>, vector<128x128xf32>, vector<512x128xf32> -> vector<512x128xf32>
    %add3A_31 = arith.addf %dot_general3A_25, %dot_general3A_30 : vector<512x128xf32>
    %get3A_32 = arith.constant 0 : index
    %get3A_33 = arith.constant 0 : index
    %get3A_34 = vector.load %arg9[%get3A_32, %get3A_33] : memref<1x128xf32, #tpu.memory_space<vmem>>, vector<1x128xf32>
    %add3A_35 = vector.broadcast %get3A_34 : vector<1x128xf32> to vector<512x128xf32>
    %add3A_36 = arith.addf %add3A_31, %add3A_35 : vector<512x128xf32>
    %swap3A = arith.constant 0 : index
    %swap3A_37 = arith.constant 0 : index
    %swap3A_38 = vector.load %arg10[%swap3A, %swap3A_37] : memref<512x128xf32, #tpu.memory_space<vmem>>, vector<512x128xf32>
    tpu.vector_store %arg10[%swap3A, %swap3A_37], %add3A_36 {strides = array<i32>} : memref<512x128xf32, #tpu.memory_space<vmem>>, vector<512x128xf32>,
    return
  }
  func.func @transform_0(%arg0: i32) -> (i32, i32) {
    %c0_i32 = arith.constant 0 : i32
    %c0_i32_0 = arith.constant 0 : i32
    return %arg0, %c0_i32 : i32, i32
  }
  func.func @transform_1(%arg0: i32) -> (i32, i32) {
    %add3A = arith.constant 20 : i32
    %add3A_0 = arith.addi %arg0, %add3A : i32
    %c0_i32 = arith.constant 0 : i32
    %c0_i32_1 = arith.constant 0 : i32
    return %add3A_0, %c0_i32 : i32, i32
  }
  func.func @transform_2(%arg0: i32) -> (i32, i32) {
    %c0_i32 = arith.constant 0 : i32
    %c0_i32_0 = arith.constant 0 : i32
    return %arg0, %c0_i32 : i32, i32
  }
  func.func @transform_3(%arg0: i32) -> (i32, i32) {
    %add3A = arith.constant 20 : i32
    %add3A_0 = arith.addi %arg0, %add3A : i32
    %c0_i32 = arith.constant 0 : i32
    %c0_i32_1 = arith.constant 0 : i32
    return %add3A_0, %c0_i32 : i32, i32
  }
  func.func @transform_4(%arg0: i32) -> (i32, i32) {
    %c0_i32 = arith.constant 0 : i32
    %c0_i32_0 = arith.constant 0 : i32
    return %arg0, %c0_i32 : i32, i32
  }
  func.func @transform_5(%arg0: i32) -> (i32, i32) {
    %add3A = arith.constant 20 : i32
    %add3A_0 = arith.addi %arg0, %add3A : i32
    %c0_i32 = arith.constant 0 : i32
    %c0_i32_1 = arith.constant 0 : i32
    return %add3A_0, %c0_i32 : i32, i32
  }
  func.func @transform_6(%arg0: i32) -> (i32, i32) {
    %c0_i32 = arith.constant 0 : i32
    %c0_i32_0 = arith.constant 0 : i32
    %c0_i32_1 = arith.constant 0 : i32
    return %c0_i32, %c0_i32_0 : i32, i32
  }
  func.func @transform_7(%arg0: i32) -> (i32, i32) {
    %c0_i32 = arith.constant 0 : i32
    %c0_i32_0 = arith.constant 0 : i32
    %c0_i32_1 = arith.constant 0 : i32
    return %c0_i32, %c0_i32_0 : i32, i32
  }
  func.func @transform_8(%arg0: i32) -> (i32, i32) {
    %c0_i32 = arith.constant 0 : i32
    %c0_i32_0 = arith.constant 0 : i32
    %c0_i32_1 = arith.constant 0 : i32
    return %c0_i32, %c0_i32_0 : i32, i32
  }
  func.func @transform_9(%arg0: i32) -> (i32, i32) {
    %c0_i32 = arith.constant 0 : i32
    %c0_i32_0 = arith.constant 0 : i32
    return %arg0, %c0_i32 : i32, i32
  }
}

</mosaic_0001>

<sc_bundles>
// kernel: kernel.13.cloned.1.call-start
scs
__scs_entry_jumppad:
0x0: {  	(pc) =	sbr.rel $0x88, $3  }
0x1: {  	(tag) =	ssettag $0x0;
	lr =	simm.s32 $0x1  }
0x2: {  	[smem:$0x3F8F] =	sst lr;
	_ =	strace $0xD0000000  }
0x3: {  	_ = 	snop  }
0x4: {  	_ = 	snop  }
0x5: {  	_ = 	snop  }
0x6: {  	_ = 	snop  }
0x7: {  	_ = 	snop  }
__scs_overlays_trampoline_lowered:
0x8: {  	[smem:$0x3F9E] =	sst s0  }
0x9: {  	[smem:$0x3F9F] =	sst s1  }
0xa: {  	[smem:$0x3FA0] =	sst s2  }
0xb: {  	[smem:$0x3FA1] =	sst s3  }
0xc: {  	[smem:$0x3FA2] =	sst s4  }
0xd: {  	[smem:$0x3FA3] =	sst s5  }
0xe: {  	[smem:$0x3FA4] =	sst s6  }
0xf: {  	[smem:$0x3FA5] =	sst s7  }
0x10: {  	[smem:$0x3FA6] =	sst s8  }
0x11: {  	[smem:$0x3FA7] =	sst s9;
	s0 =	simm.s32 @!p0 $0x0  }
0x12: {  	s1 =	sld [smem:$0x3F8D];
	s0 =	simm.s32 @p0 $0x1  }
0x13: {  	[smem:$0x3FA8] =	sst s0;
	s0 =	simm.s32 @!p1 $0x0  }
0x14: {  	s2 =	sld [smem:$0x3F8C];
	s0 =	simm.s32 @p1 $0x1  }
0x15: {  	[smem:$0x3FA9] =	sst s0;
	s0 =	simm.s32 @!p2 $0x0  }
0x16: {  	s3 =	sld [smem:$0x3FDB];
	s0 =	simm.s32 @p2 $0x1  }
0x17: {  	s4 =	simm.s32 $0x1BF5;
	[smem:$0x3FAB] =	sst s0  }
0x18: {  	s0 =	sld [smem:$0x3F8E];
	_ =	swait.ge [sflag:s4], $0x0  }
0x19: {  	s7 =	sld [smem:$0x3F8F]  }
0x1a: {  	s8 =	sadd.s32 $0xFFFFE003, lr  }
0x1b: {  	s9 =	sadd.s32 $0xFFFFFEF7, lr;
	s5 =	simm.s32 $0xFFFFFFFF;
	p2 =	slt.u32 s8, $0xFFFFF086  }
0x1c: {  	p1 =	slt.u32 s9, $0xF7A;
	s5 =	simm.s32 @!p2 $0x0  }
0x1d: {  	s5 =	simm.s32 @p1 $0x1;
	p0 =	seq.s32 s7, s2  }
0x1e: {  	s7 =	smul.u32 @!p0 $0xF7A, s2;
	p2 =	seq.s32 @!p0 s5, $0x0  }
0x1f: {  	s9 =	smul.u32 $0xF7A, s1;
	s8 =	simm.s32 @!p0 $0x1BF5;
	p2 =	por !p2, p0  }
0x20: {  	[sflag:s8] =	ssyncset.s32 @!p0 $0xFFFFF086;
	s6 =	sadd.s32 @!p0 s3, s7;
	s7 =	simm.s32 @!p0 $0x108  }
0x21: {  	s3 =	sadd.s32 s3, s9;
	s6 =	sadd.s32 @!p0 $0x88, s6;
	s7 =	simm.s32 @p2 $0x1082  }
0x22: {  	[simem:s7], [sflag:s8] =	dma.local @!p0 [hbm:s6], $0xF7A  }
0x23: {  	s9 =	sor.u32 $0xD0000000, s2;
	s6 =	simm.s32 $0x108;
	_ =	swait.ge @!p0 [sflag:s8], $0x0  }
0x24: {  	s3 =	sadd.s32 $0x88, s3;
	s6 =	simm.s32 @!p1 $0x1082;
	[sflag:s4] =	ssyncset.s32 $0xFFFFF086  }
0x25: {  	[simem:s6], [sflag:s4] =	dma.local [hbm:s3], $0xF7A  }
0x26: {  	[smem:$0x3F8F] =	sst s1;
	(tag) =	ssettag s2;
	_ =	strace s9  }
0x27: {  	s1 =	sld [smem:$0x3F9F]  }
0x28: {  	s2 =	sld [smem:$0x3FA0]  }
0x29: {  	s4 =	sld [smem:$0x3FA2]  }
0x2a: {  	p0 =	seq.s32 s5, $0x0;
	s5 =	sld [smem:$0x3FA3]  }
0x2b: {  	s6 =	sld [smem:$0x3FA4]  }
0x2c: {  	s7 =	sld [smem:$0x3FA5]  }
0x2d: {  	s3 =	simm.s32 $0x108;
	s8 =	sld [smem:$0x3FA6]  }
0x2e: {  	s3 =	simm.s32 @!p0 $0x1082;
	s9 =	sld [smem:$0x3FA7]  }
0x2f: {  	lr =	sadd.s32 s0, s3;
	s0 =	sld [smem:$0x3F9E]  }
0x30: {  	s3 =	sld [smem:$0x3FA1]  }
0x31: {  	[smem:$0x3FAA] =	sst s10  }
0x32: {  	s10 =	sld [smem:$0x3FA8];
	_ =	sdelay $0x3  }
0x33: {  	p0 =	seq.s32 s10, $0x1;
	s10 =	sld [smem:$0x3FAA];
	_ =	sdelay $0x3  }
0x34: {  	[smem:$0x3FAA] =	sst s10  }
0x35: {  	s10 =	sld [smem:$0x3FA9];
	_ =	sdelay $0x3  }
0x36: {  	p1 =	seq.s32 s10, $0x1;
	s10 =	sld [smem:$0x3FAA];
	_ =	sdelay $0x3  }
0x37: {  	[smem:$0x3FAA] =	sst s10  }
0x38: {  	s10 =	sld [smem:$0x3FAB]  }
0x39: {  	_ = 	snop;
	(pc) =	sbr.ind lr, $3  }
0x3a: {  	_ = 	snop  }
0x3b: {  	_ = 	snop  }
0x3c: {  	p2 =	seq.s32 s10, $0x1;
	s10 =	sld [smem:$0x3FAA]  }
0x3d: {  	_ =	shalt  }
0x3e: {  	_ =	shalt  }
0x3f: {  	_ =	shalt  }
0x40: {  	_ =	shalt  }
0x41: {  	_ =	shalt  }
0x42: {  	_ =	shalt  }
0x43: {  	_ =	shalt  }
0x44: {  	_ =	shalt  }
0x45: {  	_ =	shalt  }
0x46: {  	_ =	shalt  }
0x47: {  	_ =	shalt  }
0x48: {  	_ =	shalt  }
0x49: {  	_ =	shalt  }
0x4a: {  	_ =	shalt  }
0x4b: {  	_ =	shalt  }
0x4c: {  	_ =	shalt  }
0x4d: {  	_ =	shalt  }
0x4e: {  	_ =	shalt  }
0x4f: {  	_ =	shalt  }
0x50: {  	_ =	shalt  }
0x51: {  	_ =	shalt  }
0x52: {  	_ =	shalt  }
0x53: {  	_ =	shalt  }
0x54: {  	_ =	shalt  }
0x55: {  	_ =	shalt  }
0x56: {  	_ =	shalt  }
0x57: {  	_ =	shalt  }
0x58: {  	_ =	shalt  }
0x59: {  	_ =	shalt  }
0x5a: {  	_ =	shalt  }
0x5b: {  	_ =	shalt  }
0x5c: {  	_ =	shalt  }
0x5d: {  	_ =	shalt  }
0x5e: {  	_ =	shalt  }
0x5f: {  	_ =	shalt  }
0x60: {  	_ =	shalt  }
0x61: {  	_ =	shalt  }
0x62: {  	_ =	shalt  }
0x63: {  	_ =	shalt  }
0x64: {  	_ =	shalt  }
0x65: {  	_ =	shalt  }
0x66: {  	_ =	shalt  }
0x67: {  	_ =	shalt  }
0x68: {  	_ =	shalt  }
0x69: {  	_ =	shalt  }
0x6a: {  	_ =	shalt  }
0x6b: {  	_ =	shalt  }
0x6c: {  	_ =	shalt  }
0x6d: {  	_ =	shalt  }
0x6e: {  	_ =	shalt  }
0x6f: {  	_ =	shalt  }
0x70: {  	_ =	shalt  }
0x71: {  	_ =	shalt  }
0x72: {  	_ =	shalt  }
0x73: {  	_ =	shalt  }
0x74: {  	_ =	shalt  }
0x75: {  	_ =	shalt  }
0x76: {  	_ =	shalt  }
0x77: {  	_ =	shalt  }
0x78: {  	_ =	shalt  }
0x79: {  	_ =	shalt  }
0x7a: {  	_ =	shalt  }
0x7b: {  	_ =	shalt  }
0x7c: {  	_ =	shalt  }
0x7d: {  	_ =	shalt  }
0x7e: {  	_ =	shalt  }
0x7f: {  	_ =	shalt  }
0x80: {  	_ =	shalt  }
0x81: {  	_ =	shalt  }
0x82: {  	_ =	shalt  }
0x83: {  	_ =	shalt  }
0x84: {  	_ =	shalt  }
0x85: {  	_ =	shalt  }
0x86: {  	_ =	shalt  }
0x87: {  	_ =	shalt  }
.Lfunc_end0:
.L_simem_size_0:
called_computation_lowered:
.L_overlay_start_0:
0x88: {  	s2 =	sld [smem:$0x3FD9]  }
0x89: {  	s3 =	sld [smem:$0x3FFE];
	_ =	sdelay $0x1  }
0x8a: {  	s1 =	srdreg.scid  }
0x8b: {  	s0 =	sand.u32 $0x1, s1  }
0x8c: {  	s14 =	sshll.u32 s0, $0xA;
	s2 =	sadd.s32 s3, s2  }
0x8d: {  	s2 =	sadd.s32 s2, s14  }
0x8e: {  	[smem:$0x3FB6] =	sst s2  }
0x8f: {  	_ = 	snop  }
0x90: {  	s2 =	sld [smem:$0x3FD0];
	_ =	sdelay $0x2  }
0x91: {  	s15 =	simm.s32 $0xB;
	s4 =	simm.s32 $0x10  }
0x92: {  	[smem:s4], [sflag:s15] =	dma.local [hbm:s2], $0x1  }
0x93: {  	_ =	swait.eq [sflag:s15], $0x1  }
0x94: {  	[sflag:s15] =	ssyncset.done $0x0  }
0x95: {  	[sflag:s15] =	ssyncadd.s32 $0xFFFFFFFF  }
0x96: {  	s16 =	sld [smem:$0x11];
	(tm) =	ssettm $0x1  }
0x97: {  	s17 =	sld [smem:$0x3FFB];
	_ =	sdelay $0x3  }
0x98: {  	_ =	strace s17  }
0x99: {  	s3 =	sld [smem:$0x3FFC];
	_ =	sdelay $0x3  }
0x9a: {  	_ =	strace s3  }
0x9b: {  	s3 =	sld [smem:$0x3FFD];
	_ =	sdelay $0x3  }
0x9c: {  	_ =	strace s3  }
0x9d: {  	_ =	strace $0x8FFFFFFF  }
0x9e: {  	s18 =	sld [smem:$0x3FDB];
	_ =	sdelay $0x1  }
0x9f: {  	s19 =	simm.s32 $_scs_section_size  }
0xa0: {  	s5 =	simm.s32 $_size__tile_overlayer_lowered;
	s6 =	simm.s32 $_tile_overlayer_lowered  }
0xa1: {  	s22 =	simm.s32 $0x1BFF;
	s21 =	sshll.u32 s6, $0x1;
	s3 =	sadd.s32 s19, s18  }
0xa2: {  	s7 =	simm.s32 $0x0;
	s20 =	sshll.u32 s5, $0x1;
	s5 =	sadd.s32 s21, s3  }
0xa3: {  	[timem:s7], [sflag:s22] =	dma.local [hbm:s5], s20  }
0xa4: {  	_ =	swait.ge [sflag:s22], s20  }
0xa5: {  	s4 =	ssub.s32 $0x0, s20;
	[sflag:s22] =	ssyncset.done $0x0  }
0xa6: {  	[sflag:s22] =	ssyncadd.s32 s4;
	_ =	sdelay $0x1  }
0xa7: {  	s23 =	simm.s32 $0x1B8B  }
0xa8: {  	_ =	swait.ge [sflag:s23], $0x1  }
0xa9: {  	[sflag:s23] =	ssyncset.done $0x0  }
0xaa: {  	s25 =	simm.s32 $0x1B8E;
	s24 =	sld [smem:$0x3FFE];
	[sflag:s23] =	ssyncadd.s32 $0xFFFFFFFF  }
0xab: {  	s26 =	simm.s32 $execute0_lowered;
	[smem:$0x3FD2] =	sst s25  }
0xac: {  	s5 =	sshll.u32 s26, $0x1;
	_ =	strace $0x80000046;
	[dreg:$0x1] =	wrdreg $0xFFFFFFFF  }
0xad: {  	s28 =	simm.s32 $_size_execute0_lowered;
	s3 =	sadd.s32 s3, s5;
	[dreg:$0x0] =	wrdreg $0x0  }
0xae: {  	s5 =	sshll.u32 s28, $0x1;
	[dreg:$0x2] =	wrdreg s3  }
0xaf: {  	[dreg:$0x3] =	wrdreg s5  }
0xb0: {  	[dreg:$0x4] =	wrdreg $0xC0  }
0xb1: {  	_ =	task [dreg:s7], $0x5FFFF  }
0xb2: {  	[dreg:$0x1] =	wrdreg $0xFFFFFFFF  }
0xb3: {  	[dreg:$0x0] =	wrdreg $0x60  }
0xb4: {  	[dreg:$0x2] =	wrdreg s24  }
0xb5: {  	[dreg:$0x3] =	wrdreg s16  }
0xb6: {  	[dreg:$0x4] =	wrdreg $0x51000  }
0xb7: {  	[dreg:$0x5] =	wrdreg $0x9  }
0xb8: {  	_ =	task.clear_ibuf [dreg:s7], $0x6FFFF;
	_ =	strace $0x90000046  }
0xb9: {  	s29 =	simm.s32 $0x9;
	_ =	strace $0x80000048  }
0xba: {  	_ =	swait.ge [sflag:s29], $0x1  }
0xbb: {  	[sflag:s29] =	ssyncadd.s32 $0xFFFFFFFF  }
0xbc: {  	_ =	strace $0x90000048  }
0xbd: {  	_ =	sfence  }
0xbe: {  	s30 =	sld [smem:$0x0];
	_ =	sdelay $0x2  }
0xbf: {  	s31 =	sshll.u32 s1, $0xD;
	s1 =	sshrl.u32 s1, $0x2  }
0xc0: {  	s3 =	sand.u32 $0x4000, s31;
	s1 =	sadd.s32 s1, s30  }
0xc1: {  	s0 =	sor.u32 s3, s0;
	s1 =	sshll.u32 s1, $0x11  }
0xc2: {  	s0 =	sor.u32 s1, s0  }
0xc3: {  	s0 =	sadd.s32 $0x8F2B, s0  }
0xc4: {  	[sflag:s0] =	ssyncadd.remote.s32 $0x1  }
0xc5: {  	_ =	sfence.sel $0xFFFF  }
0xc6: {  	[dreg:$0x0] =	wrdreg $0xFFFFFFFF;
	(pc) =	sbr.abs _section_cstart, $3  }
0xc7: {  	[dreg:$0x1] =	wrdreg $0xFFFFFFFF  }
0xc8: {  	_ =	task.clear_ibuf [dreg:s7], $0x2FFFF;
	_ =	strace $0x9FFFFFFF  }
0xc9: {  	(tm) =	ssettm $0x7FFFFFFF  }
tec
execute0_lowered:
.L_overlay_start_1:
0x0: {  	(tag) =	ssettag $0x1  }
0x1: {  	s5 =	rddreg [dreg:$0x0]  }
0x2: {  	s12 =	rddreg [dreg:$0x1]  }
0x3: {  	s2 =	rddreg [dreg:$0x2]  }
0x4: {  	s0 =	rddreg [dreg:$0x3];
	s1 =	stileid.u32  }
0x5: {  	s3 =	simm.s32 $0x0;
	s4 =	srdreg.scid;
	s6 =	smul.u32 $0x2800, s1  }
0x6: {  	s18 =	simm.s32 $0x1;
	s19 =	simm.s32 $0x50;
	s8 =	smul.u32 $0x50000, s1  }
0x7: {  	[smem:$0x7FF] =	sst s3;
	s9 =	sand.u32 $0x1, s4;
	s15 =	smul.u32 $0x4E20, s1  }
0x8: {  	s10 =	sadd.s32 $0x5800, s5;
	s4 =	sadd.s32 $0x4E8200, s5;
	s17 =	smul.u32 $0x4E200, s1  }
0x9: {  	s20 =	sshll.u32 s1, $0x1;
	s24 =	sshll.u32 s1, $0x6;
	s7 =	smul.u32 $0x28000, s9  }
0xa: {  	_ =	strace $0x80000047;
	s21 =	ssub.s32 $0x2, s9;
	s16 =	smul.u32 $0x2710, s9  }
0xb: {  	s22 =	sor.u32 s9, s20;
	s28 =	smul.u32 $0x27100, s9;
	s20 =	simm.s32 $0x2  }
0xc: {  	s23 =	sshrl.u32 s21, $0x1;
	s8 =	sshrl.u32 s8, $0x2;
	s6 =	sadd.s32 s6, s7  }
0xd: {  	s13 =	ssub.s32 s21, s23;
	s14 =	sadd.s32 s8, s2;
	s15 =	sadd.s32 s16, s15  }
0xe: {  	s16 =	simm.s32 $0x2900;
	s21 =	simm.s32 $0x0;
	s11 =	sadd.s32 s6, s5  }
0xf: {  	s6 =	smul.u32 $0x2710, s22;
	s5 =	sor.u32 $0x1C03, s24;
	s9 =	smax.u32 s13, $0x1  }
0x10: {  	s29 =	sadd.s32 $0x50, s15;
	s31 =	sshrl.u32 s15, $0x3;
	s13 =	sshrl.u32 s14, $0x3  }
0x11: {  	s14 =	simm.s32 $0x3;
	s15 =	simm.s32 $0x100;
	s6 =	sadd.s32 $0x26C0, s6  }
0x12: {  	s8 =	sadd.s32 $0x4EAA00, s11;
	s30 =	sshrl.u32 s29, $0x3;
	s26 =	sshll.u32 s6, $0x4  }
0x13: {  	s25 =	sshrl.u32 s6, $0x3;
	s7 =	sadd.s32 s10, s26;
	s10 =	sadd.s32 s17, s10  }
0x14: {  	s11 =	sadd.s32 s30, s12;
	s6 =	sadd.s32 s12, s25;
	s10 =	sadd.s32 s28, s10  }
0x15: {  	s12 =	sadd.s32 s31, s12;
	s17 =	simm.s32 $0x80;
	s10 =	sadd.s32 $0x500, s10  }
.LBB2_1:
0x16: {  	[spmem:s13], [sflag:s5] =	dma.local [hbm:s4], $0x2800  }
0x17: {  	_ =	swait.ge [sflag:s14], $0x2800  }
0x18: {  	[sflag:s14] =	ssyncset.done $0x0  }
0x19: {  	[sflag:s14] =	ssyncadd.s32 $0xFFFFD800  }
0x1a: {  	s22 =	sadd.s32 $0xFFFFFB00, s10;
	[bflag:$0x0] =	sbarrier.arrive $0xFFFF  }
0x1b: {  	[tilespmem:s15], [sflag:$0x1] =	stream.linear.gather [hbm4b:s22+s3], $0x2800, $0x38;
	[tilespmem:$0x19100] =	vst v63  }
0x1c: {  	s30 =	sadd.s32 $0x0, s12  }
0x1d: {  	[tilespmem:s3], [sflag:$0x3] =	stream.linear.gather [hbm4b:s30+s3], $0x50, $0x38;
	[tilespmem:$0x19100] =	vst v63  }
0x1e: {  	_ =	swait.ge [sflag:s14], $0x50  }
0x1f: {  	[sflag:s14] =	ssyncset.done $0x0  }
0x20: {  	[sflag:s14] =	ssyncadd.s32 $0xFFFFFFB0  }
0x21: {  	[tilespmem:s16], [sflag:$0x2] =	stream.linear.gather [hbm4b:s10+s3], $0x2800, $0x38;
	[tilespmem:$0x19100] =	vst v63  }
0x22: {  	s31 =	sadd.s32 $0x0, s11  }
0x23: {  	[tilespmem:s17], [sflag:$0x3] =	stream.linear.gather [hbm4b:s31+s3], $0x50, $0x38;
	[tilespmem:$0x19100] =	vst v63  }
0x24: {  	_ =	swait.ge [sflag:s14], $0x50  }
0x25: {  	[sflag:s14] =	ssyncset.done $0x0  }
0x26: {  	[sflag:s14] =	ssyncadd.s32 $0xFFFFFFB0  }
0x27: {  	_ =	swait.ge [sflag:s18], $0x2800  }
0x28: {  	[sflag:s18] =	ssyncset.done $0x0  }
0x29: {  	[sflag:s18] =	ssyncadd.s32 $0xFFFFD800  }
0x2a: {  	[spmem:s2] =	stream.indirect.scatter.add.f32 [tilespmem:s15], [sflag:$0x3], $0x80, s3, s19, $0xb8;
	[tilespmem:$0x19100] =	vst v63  }
0x2b: {  	_ =	swait.ge [sflag:s14], $0x2800  }
0x2c: {  	[sflag:s14] =	ssyncset.done $0x0  }
0x2d: {  	[sflag:s14] =	ssyncadd.s32 $0xFFFFD800  }
0x2e: {  	_ =	swait.ge [sflag:s20], $0x2800  }
0x2f: {  	[sflag:s20] =	ssyncset.done $0x0  }
0x30: {  	[sflag:s20] =	ssyncadd.s32 $0xFFFFD800  }
0x31: {  	[spmem:s2] =	stream.indirect.scatter.add.f32 [tilespmem:s16], [sflag:$0x3], $0x80, s17, s19, $0xb8;
	[tilespmem:$0x19100] =	vst v63  }
0x32: {  	s24 =	simm.s32 $0x28;
	_ =	swait.ge [sflag:s14], $0x2800  }
0x33: {  	s23 =	sadd.s32 $0xA00, s10;
	s22 =	simm.s32 $0x14;
	[sflag:s14] =	ssyncset.done $0x0  }
.LBB2_2:
0x34: {  	p0 =	sne.s32 s24, $0x4C4;
	s25 =	sadd.s32 $0xFFFFFB00, s23;
	[sflag:s14] =	ssyncadd.s32 $0xFFFFD800  }
0x35: {  	[tilespmem:s15], [sflag:$0x1] =	stream.linear.gather [hbm4b:s25+s3], $0x2800, $0x38;
	[tilespmem:$0x19100] =	vst v63  }
0x36: {  	s26 =	smov.u32 s24;
	s24 =	sadd.s32 $0x14, s24;
	s25 =	sadd.s32 s22, s12  }
0x37: {  	[tilespmem:s3], [sflag:$0x3] =	stream.linear.gather [hbm4b:s25+s3], $0x50, $0x38;
	[tilespmem:$0x19100] =	vst v63  }
0x38: {  	_ =	swait.ge [sflag:s14], $0x50  }
0x39: {  	[sflag:s14] =	ssyncset.done $0x0  }
0x3a: {  	[sflag:s14] =	ssyncadd.s32 $0xFFFFFFB0  }
0x3b: {  	[tilespmem:s16], [sflag:$0x2] =	stream.linear.gather [hbm4b:s23+s3], $0x2800, $0x38;
	[tilespmem:$0x19100] =	vst v63  }
0x3c: {  	s25 =	sadd.s32 s22, s11;
	s22 =	smov.u32 s26  }
0x3d: {  	[tilespmem:s17], [sflag:$0x3] =	stream.linear.gather [hbm4b:s25+s3], $0x50, $0x38;
	[tilespmem:$0x19100] =	vst v63  }
0x3e: {  	_ =	swait.ge [sflag:s14], $0x50  }
0x3f: {  	[sflag:s14] =	ssyncset.done $0x0  }
0x40: {  	[sflag:s14] =	ssyncadd.s32 $0xFFFFFFB0  }
0x41: {  	_ =	swait.ge [sflag:s18], $0x2800  }
0x42: {  	[sflag:s18] =	ssyncset.done $0x0  }
0x43: {  	[sflag:s18] =	ssyncadd.s32 $0xFFFFD800  }
0x44: {  	[spmem:s2] =	stream.indirect.scatter.add.f32 [tilespmem:s15], [sflag:$0x3], $0x80, s3, s19, $0xb8;
	[tilespmem:$0x19100] =	vst v63  }
0x45: {  	_ =	swait.ge [sflag:s14], $0x2800  }
0x46: {  	[sflag:s14] =	ssyncset.done $0x0  }
0x47: {  	[sflag:s14] =	ssyncadd.s32 $0xFFFFD800  }
0x48: {  	_ =	swait.ge [sflag:s20], $0x2800  }
.Ltmp0:
0x49: {  	[sflag:s20] =	ssyncset.done $0x0;
	(pc) =	sbr.rel @p0 .LBB2_2-.Ltmp0, $4  }
0x4a: {  	[sflag:s20] =	ssyncadd.s32 $0xFFFFD800  }
0x4b: {  	[spmem:s2] =	stream.indirect.scatter.add.f32 [tilespmem:s16], [sflag:$0x3], $0x80, s17, s19, $0xb8;
	[tilespmem:$0x19100] =	vst v63  }
0x4c: {  	_ =	swait.ge [sflag:s14], $0x2800  }
0x4d: {  	s23 =	sadd.s32 $0xA00, s23;
	[sflag:s14] =	ssyncset.done $0x0  }
0x4e: {  	s24 =	sadd.s32 $0xFFFFFB00, s23;
	[sflag:s14] =	ssyncadd.s32 $0xFFFFD800  }
0x4f: {  	[tilespmem:s15], [sflag:$0x1] =	stream.linear.gather [hbm4b:s24+s3], $0x2800, $0x38;
	[tilespmem:$0x19100] =	vst v63  }
0x50: {  	s30 =	sadd.s32 s22, s12  }
0x51: {  	[tilespmem:s3], [sflag:$0x3] =	stream.linear.gather [hbm4b:s30+s3], $0x50, $0x38;
	[tilespmem:$0x19100] =	vst v63  }
0x52: {  	_ =	swait.ge [sflag:s14], $0x50  }
0x53: {  	[sflag:s14] =	ssyncset.done $0x0  }
0x54: {  	[sflag:s14] =	ssyncadd.s32 $0xFFFFFFB0  }
0x55: {  	[tilespmem:s16], [sflag:$0x2] =	stream.linear.gather [hbm4b:s23+s3], $0x2800, $0x38;
	[tilespmem:$0x19100] =	vst v63  }
0x56: {  	s31 =	sadd.s32 s22, s11  }
0x57: {  	[tilespmem:s17], [sflag:$0x3] =	stream.linear.gather [hbm4b:s31+s3], $0x50, $0x38;
	[tilespmem:$0x19100] =	vst v63  }
0x58: {  	_ =	swait.ge [sflag:s14], $0x50  }
0x59: {  	[sflag:s14] =	ssyncset.done $0x0  }
0x5a: {  	[sflag:s14] =	ssyncadd.s32 $0xFFFFFFB0  }
0x5b: {  	_ =	swait.ge [sflag:s18], $0x2800  }
0x5c: {  	[sflag:s18] =	ssyncset.done $0x0  }
0x5d: {  	[sflag:s18] =	ssyncadd.s32 $0xFFFFD800  }
0x5e: {  	[spmem:s2] =	stream.indirect.scatter.add.f32 [tilespmem:s15], [sflag:$0x3], $0x80, s3, s19, $0xb8;
	[tilespmem:$0x19100] =	vst v63  }
0x5f: {  	_ =	swait.ge [sflag:s14], $0x2800  }
0x60: {  	[sflag:s14] =	ssyncset.done $0x0  }
0x61: {  	[sflag:s14] =	ssyncadd.s32 $0xFFFFD800  }
0x62: {  	_ =	swait.ge [sflag:s20], $0x2800  }
0x63: {  	[sflag:s20] =	ssyncset.done $0x0  }
0x64: {  	[sflag:s20] =	ssyncadd.s32 $0xFFFFD800  }
0x65: {  	[spmem:s2] =	stream.indirect.scatter.add.f32 [tilespmem:s16], [sflag:$0x3], $0x80, s17, s19, $0xb8;
	[tilespmem:$0x19100] =	vst v63  }
0x66: {  	_ =	swait.ge [sflag:s14], $0x2800  }
0x67: {  	[sflag:s14] =	ssyncset.done $0x0  }
0x68: {  	[sflag:s14] =	ssyncadd.s32 $0xFFFFD800  }
0x69: {  	[tilespmem:s3], [sflag:$0x3] =	stream.linear.gather [hbm4b:s6+s3], $0x50, $0x38;
	[tilespmem:$0x19100] =	vst v63  }
0x6a: {  	_ =	swait.ge [sflag:s14], $0x50  }
0x6b: {  	[sflag:s14] =	ssyncset.done $0x0  }
0x6c: {  	[sflag:s14] =	ssyncadd.s32 $0xFFFFFFB0  }
0x6d: {  	[tilespmem:s15], [sflag:$0x3] =	stream.linear.gather [hbm4b:s7+s3], $0x2800, $0x38;
	[tilespmem:$0x19100] =	vst v63  }
0x6e: {  	_ =	swait.ge [sflag:s14], $0x2800  }
0x6f: {  	[sflag:s14] =	ssyncset.done $0x0  }
0x70: {  	[sflag:s14] =	ssyncadd.s32 $0xFFFFD800  }
0x71: {  	[spmem:s2] =	stream.indirect.scatter.add.f32 [tilespmem:s15], [sflag:$0x3], $0x80, s3, s19, $0xb8;
	[tilespmem:$0x19100] =	vst v63  }
0x72: {  	_ =	swait.ge [sflag:s14], $0x2800  }
0x73: {  	s21 =	sadd.s32 $0x1, s21;
	[sflag:s14] =	ssyncset.done $0x0  }
0x74: {  	p0 =	sne.s32 s21, s9;
	[sflag:s14] =	ssyncadd.s32 $0xFFFFD800  }
.Ltmp1:
0x75: {  	[bflag:$0x0] =	sbarrier.arrive $0xFFFF;
	(pc) =	sbr.rel @p0 .LBB2_1-.Ltmp1, $4  }
0x76: {  	[hbm:s8], [sflag:s5] =	dma.local [spmem:s13], $0x2800  }
0x77: {  	_ =	swait.ge [sflag:s14], $0x2800  }
0x78: {  	[sflag:s14] =	ssyncset.done $0x0  }
0x79: {  	[sflag:s14] =	ssyncadd.s32 $0xFFFFD800  }
0x7a: {  	_ =	sfence.sel $0x180000  }
0x7b: {  	[bflag:$0x0] =	sbarrier.arrive $0xFFFF  }
0x7c: {  	p0 =	sne.s32 s1, $0x0;
	_ =	strace $0x90000047  }
0x7d: {  	s0 =	sadd.s32 @!p0 $0x100000, s0;
	[bflag:$0x2] =	sbarrier.arrive $0xFFFF  }
0x7e: {  	[sflag:s0] =	ssyncadd.tile.s32 @!p0 $0x1;
	_ =	shalt  }
.Lfunc_end2:
_tile_overlayer_lowered:
.L_overlay_start_2:
0x7f: {  	(tag) =	ssettag $0x2  }
0x80: {  	s0 =	rddreg [dreg:$0x0];
	s2 =	stileid.u32  }
0x81: {  	s1 =	rddreg [dreg:$0x1];
	p0 =	sne.s32 s2, $0x0  }
0x82: {  	s3 =	rddreg [dreg:$0x2];
	[bflag:$0x3] =	sbarrier.arrive $0xFFFF;
	s2 =	simm.s32 @!p0 $0x1C03  }
0x83: {  	[timem:s3], [sflag:s2] =	dma.local @!p0 [hbm:s0], s1  }
0x84: {  	s0 =	simm.s32 @!p0 $0x3  }
0x85: {  	_ =	swait.ge @!p0 [sflag:s0], s1  }
0x86: {  	s1 =	ssub.s32 @!p0 $0x0, s1;
	[sflag:s0] =	ssyncset.done @!p0 $0x0  }
0x87: {  	[sflag:s0] =	ssyncadd.s32 @!p0 s1  }
0x88: {  	[bflag:$0x3] =	sbarrier.arrive $0xFFFF  }
0x89: {  	_ =	shalt  }

// kernel: kernel.16.cloned.1.call-start
scs
__scs_entry_jumppad:
0x0: {  	(pc) =	sbr.rel $0x88, $3  }
0x1: {  	(tag) =	ssettag $0x0;
	lr =	simm.s32 $0x1  }
0x2: {  	[smem:$0x3F8F] =	sst lr;
	_ =	strace $0xD0000000  }
0x3: {  	_ = 	snop  }
0x4: {  	_ = 	snop  }
0x5: {  	_ = 	snop  }
0x6: {  	_ = 	snop  }
0x7: {  	_ = 	snop  }
__scs_overlays_trampoline_lowered:
0x8: {  	[smem:$0x3F9E] =	sst s0  }
0x9: {  	[smem:$0x3F9F] =	sst s1  }
0xa: {  	[smem:$0x3FA0] =	sst s2  }
0xb: {  	[smem:$0x3FA1] =	sst s3  }
0xc: {  	[smem:$0x3FA2] =	sst s4  }
0xd: {  	[smem:$0x3FA3] =	sst s5  }
0xe: {  	[smem:$0x3FA4] =	sst s6  }
0xf: {  	[smem:$0x3FA5] =	sst s7  }
0x10: {  	[smem:$0x3FA6] =	sst s8  }
0x11: {  	[smem:$0x3FA7] =	sst s9;
	s0 =	simm.s32 @!p0 $0x0  }
0x12: {  	s1 =	sld [smem:$0x3F8D];
	s0 =	simm.s32 @p0 $0x1  }
0x13: {  	[smem:$0x3FA8] =	sst s0;
	s0 =	simm.s32 @!p1 $0x0  }
0x14: {  	s2 =	sld [smem:$0x3F8C];
	s0 =	simm.s32 @p1 $0x1  }
0x15: {  	[smem:$0x3FA9] =	sst s0;
	s0 =	simm.s32 @!p2 $0x0  }
0x16: {  	s3 =	sld [smem:$0x3FDB];
	s0 =	simm.s32 @p2 $0x1  }
0x17: {  	s4 =	simm.s32 $0x1BF5;
	[smem:$0x3FAB] =	sst s0  }
0x18: {  	s0 =	sld [smem:$0x3F8E];
	_ =	swait.ge [sflag:s4], $0x0  }
0x19: {  	s7 =	sld [smem:$0x3F8F]  }
0x1a: {  	s8 =	sadd.s32 $0xFFFFE003, lr  }
0x1b: {  	s9 =	sadd.s32 $0xFFFFFEF7, lr;
	s5 =	simm.s32 $0xFFFFFFFF;
	p2 =	slt.u32 s8, $0xFFFFF086  }
0x1c: {  	p1 =	slt.u32 s9, $0xF7A;
	s5 =	simm.s32 @!p2 $0x0  }
0x1d: {  	s5 =	simm.s32 @p1 $0x1;
	p0 =	seq.s32 s7, s2  }
0x1e: {  	s7 =	smul.u32 @!p0 $0xF7A, s2;
	p2 =	seq.s32 @!p0 s5, $0x0  }
0x1f: {  	s9 =	smul.u32 $0xF7A, s1;
	s8 =	simm.s32 @!p0 $0x1BF5;
	p2 =	por !p2, p0  }
0x20: {  	[sflag:s8] =	ssyncset.s32 @!p0 $0xFFFFF086;
	s6 =	sadd.s32 @!p0 s3, s7;
	s7 =	simm.s32 @!p0 $0x108  }
0x21: {  	s3 =	sadd.s32 s3, s9;
	s6 =	sadd.s32 @!p0 $0x88, s6;
	s7 =	simm.s32 @p2 $0x1082  }
0x22: {  	[simem:s7], [sflag:s8] =	dma.local @!p0 [hbm:s6], $0xF7A  }
0x23: {  	s9 =	sor.u32 $0xD0000000, s2;
	s6 =	simm.s32 $0x108;
	_ =	swait.ge @!p0 [sflag:s8], $0x0  }
0x24: {  	s3 =	sadd.s32 $0x88, s3;
	s6 =	simm.s32 @!p1 $0x1082;
	[sflag:s4] =	ssyncset.s32 $0xFFFFF086  }
0x25: {  	[simem:s6], [sflag:s4] =	dma.local [hbm:s3], $0xF7A  }
0x26: {  	[smem:$0x3F8F] =	sst s1;
	(tag) =	ssettag s2;
	_ =	strace s9  }
0x27: {  	s1 =	sld [smem:$0x3F9F]  }
0x28: {  	s2 =	sld [smem:$0x3FA0]  }
0x29: {  	s4 =	sld [smem:$0x3FA2]  }
0x2a: {  	p0 =	seq.s32 s5, $0x0;
	s5 =	sld [smem:$0x3FA3]  }
0x2b: {  	s6 =	sld [smem:$0x3FA4]  }
0x2c: {  	s7 =	sld [smem:$0x3FA5]  }
0x2d: {  	s3 =	simm.s32 $0x108;
	s8 =	sld [smem:$0x3FA6]  }
0x2e: {  	s3 =	simm.s32 @!p0 $0x1082;
	s9 =	sld [smem:$0x3FA7]  }
0x2f: {  	lr =	sadd.s32 s0, s3;
	s0 =	sld [smem:$0x3F9E]  }
0x30: {  	s3 =	sld [smem:$0x3FA1]  }
0x31: {  	[smem:$0x3FAA] =	sst s10  }
0x32: {  	s10 =	sld [smem:$0x3FA8];
	_ =	sdelay $0x3  }
0x33: {  	p0 =	seq.s32 s10, $0x1;
	s10 =	sld [smem:$0x3FAA];
	_ =	sdelay $0x3  }
0x34: {  	[smem:$0x3FAA] =	sst s10  }
0x35: {  	s10 =	sld [smem:$0x3FA9];
	_ =	sdelay $0x3  }
0x36: {  	p1 =	seq.s32 s10, $0x1;
	s10 =	sld [smem:$0x3FAA];
	_ =	sdelay $0x3  }
0x37: {  	[smem:$0x3FAA] =	sst s10  }
0x38: {  	s10 =	sld [smem:$0x3FAB]  }
0x39: {  	_ = 	snop;
	(pc) =	sbr.ind lr, $3  }
0x3a: {  	_ = 	snop  }
0x3b: {  	_ = 	snop  }
0x3c: {  	p2 =	seq.s32 s10, $0x1;
	s10 =	sld [smem:$0x3FAA]  }
0x3d: {  	_ =	shalt  }
0x3e: {  	_ =	shalt  }
0x3f: {  	_ =	shalt  }
0x40: {  	_ =	shalt  }
0x41: {  	_ =	shalt  }
0x42: {  	_ =	shalt  }
0x43: {  	_ =	shalt  }
0x44: {  	_ =	shalt  }
0x45: {  	_ =	shalt  }
0x46: {  	_ =	shalt  }
0x47: {  	_ =	shalt  }
0x48: {  	_ =	shalt  }
0x49: {  	_ =	shalt  }
0x4a: {  	_ =	shalt  }
0x4b: {  	_ =	shalt  }
0x4c: {  	_ =	shalt  }
0x4d: {  	_ =	shalt  }
0x4e: {  	_ =	shalt  }
0x4f: {  	_ =	shalt  }
0x50: {  	_ =	shalt  }
0x51: {  	_ =	shalt  }
0x52: {  	_ =	shalt  }
0x53: {  	_ =	shalt  }
0x54: {  	_ =	shalt  }
0x55: {  	_ =	shalt  }
0x56: {  	_ =	shalt  }
0x57: {  	_ =	shalt  }
0x58: {  	_ =	shalt  }
0x59: {  	_ =	shalt  }
0x5a: {  	_ =	shalt  }
0x5b: {  	_ =	shalt  }
0x5c: {  	_ =	shalt  }
0x5d: {  	_ =	shalt  }
0x5e: {  	_ =	shalt  }
0x5f: {  	_ =	shalt  }
0x60: {  	_ =	shalt  }
0x61: {  	_ =	shalt  }
0x62: {  	_ =	shalt  }
0x63: {  	_ =	shalt  }
0x64: {  	_ =	shalt  }
0x65: {  	_ =	shalt  }
0x66: {  	_ =	shalt  }
0x67: {  	_ =	shalt  }
0x68: {  	_ =	shalt  }
0x69: {  	_ =	shalt  }
0x6a: {  	_ =	shalt  }
0x6b: {  	_ =	shalt  }
0x6c: {  	_ =	shalt  }
0x6d: {  	_ =	shalt  }
0x6e: {  	_ =	shalt  }
0x6f: {  	_ =	shalt  }
0x70: {  	_ =	shalt  }
0x71: {  	_ =	shalt  }
0x72: {  	_ =	shalt  }
0x73: {  	_ =	shalt  }
0x74: {  	_ =	shalt  }
0x75: {  	_ =	shalt  }
0x76: {  	_ =	shalt  }
0x77: {  	_ =	shalt  }
0x78: {  	_ =	shalt  }
0x79: {  	_ =	shalt  }
0x7a: {  	_ =	shalt  }
0x7b: {  	_ =	shalt  }
0x7c: {  	_ =	shalt  }
0x7d: {  	_ =	shalt  }
0x7e: {  	_ =	shalt  }
0x7f: {  	_ =	shalt  }
0x80: {  	_ =	shalt  }
0x81: {  	_ =	shalt  }
0x82: {  	_ =	shalt  }
0x83: {  	_ =	shalt  }
0x84: {  	_ =	shalt  }
0x85: {  	_ =	shalt  }
0x86: {  	_ =	shalt  }
0x87: {  	_ =	shalt  }
.Lfunc_end0:
.L_simem_size_0:
called_computation.1_lowered:
.L_overlay_start_0:
0x88: {  	s2 =	sld [smem:$0x3FD9]  }
0x89: {  	s3 =	sld [smem:$0x3FFE];
	_ =	sdelay $0x1  }
0x8a: {  	s1 =	srdreg.scid  }
0x8b: {  	s0 =	sand.u32 $0x1, s1  }
0x8c: {  	s15 =	sshll.u32 s0, $0xA;
	s2 =	sadd.s32 s3, s2  }
0x8d: {  	s2 =	sadd.s32 s2, s15  }
0x8e: {  	[smem:$0x3FB6] =	sst s2  }
0x8f: {  	_ = 	snop  }
0x90: {  	s2 =	sld [smem:$0x3FD0];
	_ =	sdelay $0x2  }
0x91: {  	s4 =	simm.s32 $0xB;
	s16 =	simm.s32 $0x10  }
0x92: {  	[smem:s16], [sflag:s4] =	dma.local [hbm:s2], $0x1  }
0x93: {  	_ =	swait.eq [sflag:s4], $0x1  }
0x94: {  	[sflag:s4] =	ssyncset.done $0x0  }
0x95: {  	s17 =	sld [smem:$0x10];
	[sflag:s4] =	ssyncadd.s32 $0xFFFFFFFF  }
0x96: {  	s18 =	sld [smem:$0x11];
	(tm) =	ssettm $0x1  }
0x97: {  	s19 =	sld [smem:$0x3FFB];
	_ =	sdelay $0x3  }
0x98: {  	_ =	strace s19  }
0x99: {  	s2 =	sld [smem:$0x3FFC];
	_ =	sdelay $0x3  }
0x9a: {  	_ =	strace s2  }
0x9b: {  	s2 =	sld [smem:$0x3FFD];
	_ =	sdelay $0x3  }
0x9c: {  	_ =	strace s2  }
0x9d: {  	_ =	strace $0x8FFFFFFF  }
0x9e: {  	s20 =	sld [smem:$0x3FDB];
	_ =	sdelay $0x1  }
0x9f: {  	s5 =	simm.s32 $_scs_section_size  }
0xa0: {  	s6 =	simm.s32 $_size__tile_overlayer_lowered;
	s7 =	simm.s32 $_tile_overlayer_lowered  }
0xa1: {  	s8 =	simm.s32 $0x1BFF;
	s21 =	sshll.u32 s7, $0x1;
	s5 =	sadd.s32 s5, s20  }
0xa2: {  	s22 =	simm.s32 $0x0;
	s6 =	sshll.u32 s6, $0x1;
	s7 =	sadd.s32 s21, s5  }
0xa3: {  	[timem:s22], [sflag:s8] =	dma.local [hbm:s7], s6  }
0xa4: {  	_ =	swait.ge [sflag:s8], s6  }
0xa5: {  	s6 =	ssub.s32 $0x0, s6;
	[sflag:s8] =	ssyncset.done $0x0  }
0xa6: {  	[sflag:s8] =	ssyncadd.s32 s6;
	_ =	sdelay $0x1  }
0xa7: {  	s23 =	simm.s32 $0x1B8B  }
0xa8: {  	_ =	swait.ge [sflag:s23], $0x1  }
0xa9: {  	[sflag:s23] =	ssyncset.done $0x0  }
0xaa: {  	[sflag:s23] =	ssyncadd.s32 $0xFFFFFFFF  }
0xab: {  	s6 =	sld [smem:$0x0]  }
0xac: {  	s7 =	sand.u32 $0xFFFFFFFE, s1  }
0xad: {  	p0 =	sne.s32 s1, s7  }
0xae: {  	s7 =	sshll.u32 @p0 s7, $0xE  }
0xaf: {  	s7 =	sadd.s32 @p0 $0x11B8D, s7;
	s8 =	sshll.u32 @p0 s6, $0x11  }
0xb0: {  	s7 =	sor.u32 @p0 s8, s7  }
0xb1: {  	[sflag:s7] =	ssyncadd.remote.s32 @p0 $0x1;
	_ =	sdelay $0x1  }
0xb2: {  	s7 =	simm.s32 @p0 $0x1B8D  }
0xb3: {  	_ =	swait.eq @p0 [sflag:s7], $0x1  }
0xb4: {  	[sflag:s7] =	ssyncadd.s32 @p0 $0xFFFFFFFF  }
0xb5: {  	s8 =	sshll.u32 @!p0 s1, $0xE  }
0xb6: {  	s8 =	sor.u32 @!p0 $0x4000, s8;
	s7 =	simm.s32 @!p0 $0x1B8D  }
0xb7: {  	s6 =	sshll.u32 @!p0 s6, $0x11;
	s8 =	sadd.s32 @!p0 $0x11B8D, s8;
	_ =	swait.eq @!p0 [sflag:s7], $0x1  }
0xb8: {  	s6 =	sor.u32 @!p0 s6, s8;
	[sflag:s7] =	ssyncadd.s32 @!p0 $0xFFFFFFFF  }
0xb9: {  	s25 =	simm.s32 $0x1B8E;
	s24 =	sld [smem:$0x3FFE];
	[sflag:s6] =	ssyncadd.remote.s32 @!p0 $0x1  }
0xba: {  	s26 =	simm.s32 $execute0_lowered;
	[smem:$0x3FD2] =	sst s25  }
0xbb: {  	s7 =	sshll.u32 s26, $0x1;
	_ =	strace $0x80000049;
	[dreg:$0x1] =	wrdreg $0xFFFFFFFF  }
0xbc: {  	s28 =	simm.s32 $_size_execute0_lowered;
	s5 =	sadd.s32 s5, s7;
	[dreg:$0x0] =	wrdreg $0x0  }
0xbd: {  	s7 =	sshll.u32 s28, $0x1;
	[dreg:$0x2] =	wrdreg s5  }
0xbe: {  	[dreg:$0x3] =	wrdreg s7  }
0xbf: {  	[dreg:$0x4] =	wrdreg $0xC0  }
0xc0: {  	_ =	task [dreg:s22], $0x5FFFF  }
0xc1: {  	[dreg:$0x1] =	wrdreg $0xFFFFFFFF  }
0xc2: {  	[dreg:$0x0] =	wrdreg $0x60  }
0xc3: {  	[dreg:$0x2] =	wrdreg s18  }
0xc4: {  	[dreg:$0x3] =	wrdreg s24  }
0xc5: {  	[dreg:$0x4] =	wrdreg s17  }
0xc6: {  	[dreg:$0x5] =	wrdreg $0x29000  }
0xc7: {  	[dreg:$0x6] =	wrdreg $0xA  }
0xc8: {  	_ =	task.clear_ibuf [dreg:s22], $0x7FFFF;
	_ =	strace $0x90000049  }
0xc9: {  	s29 =	simm.s32 $0xA;
	_ =	strace $0x8000004B  }
0xca: {  	_ =	swait.ge [sflag:s29], $0x1  }
0xcb: {  	[sflag:s29] =	ssyncadd.s32 $0xFFFFFFFF  }
0xcc: {  	_ =	strace $0x9000004B  }
0xcd: {  	_ =	sfence  }
0xce: {  	s30 =	sld [smem:$0x0];
	_ =	sdelay $0x2  }
0xcf: {  	s31 =	sshll.u32 s1, $0xD;
	s1 =	sshrl.u32 s1, $0x2  }
0xd0: {  	s4 =	sand.u32 $0x4000, s31;
	s1 =	sadd.s32 s1, s30  }
0xd1: {  	s0 =	sor.u32 s4, s0;
	s1 =	sshll.u32 s1, $0x11  }
0xd2: {  	s0 =	sor.u32 s1, s0  }
0xd3: {  	s0 =	sadd.s32 $0x8F2B, s0  }
0xd4: {  	[sflag:s0] =	ssyncadd.remote.s32 $0x1  }
0xd5: {  	_ =	sfence.sel $0xFFFF  }
0xd6: {  	[dreg:$0x0] =	wrdreg $0xFFFFFFFF;
	(pc) =	sbr.abs _section_cstart, $3  }
0xd7: {  	[dreg:$0x1] =	wrdreg $0xFFFFFFFF  }
0xd8: {  	_ =	task.clear_ibuf [dreg:s22], $0x2FFFF;
	_ =	strace $0x9FFFFFFF  }
0xd9: {  	(tm) =	ssettm $0x7FFFFFFF  }
tec
execute0_lowered:
.L_overlay_start_1:
0x0: {  	(tag) =	ssettag $0x1  }
0x1: {  	s11 =	rddreg [dreg:$0x0]  }
0x2: {  	s6 =	rddreg [dreg:$0x1]  }
0x3: {  	s1 =	rddreg [dreg:$0x2]  }
0x4: {  	s3 =	rddreg [dreg:$0x3]  }
0x5: {  	s0 =	rddreg [dreg:$0x4];
	s4 =	simm.s32 $0x0;
	s2 =	stileid.u32  }
0x6: {  	s5 =	srdreg.scid;
	s15 =	simm.s32 $0x80;
	s8 =	smul.u32 $0x2800, s2  }
0x7: {  	s16 =	simm.s32 $0x50;
	s17 =	simm.s32 $0x0;
	s25 =	smul.u32 $0x50000, s2  }
0x8: {  	s7 =	sand.u32 $0x1, s5;
	s24 =	sshll.u32 s2, $0x1;
	s12 =	smul.u32 $0x4E20, s2  }
0x9: {  	[smem:$0x7FF] =	sst s4;
	s9 =	smul.u32 $0x28000, s7;
	s5 =	sor.u32 s7, s24  }
0xa: {  	_ =	strace $0x8000004A;
	s26 =	ssub.s32 $0x2, s7;
	s7 =	smul.u32 $0x2710, s7  }
0xb: {  	s29 =	sshll.u32 s2, $0x6;
	s10 =	smul.u32 $0x2710, s5;
	s5 =	sadd.s32 $0x4E8200, s6  }
0xc: {  	s13 =	sshrl.u32 s26, $0x1;
	s8 =	sadd.s32 s8, s9;
	s9 =	sshrl.u32 s25, $0x2  }
0xd: {  	s13 =	ssub.s32 s26, s13;
	s12 =	sadd.s32 s7, s12;
	s8 =	sadd.s32 s8, s6  }
0xe: {  	s14 =	sadd.s32 s9, s3;
	s28 =	sshrl.u32 s10, $0x3;
	s6 =	sor.u32 $0x1C01, s29  }
0xf: {  	s30 =	sadd.s32 $0x50, s12;
	s12 =	sshrl.u32 s12, $0x3;
	s9 =	smax.u32 s13, $0x1  }
0x10: {  	s13 =	simm.s32 $0x1;
	s10 =	sadd.s32 s11, s28;
	s31 =	sshrl.u32 s30, $0x3  }
0x11: {  	s8 =	sadd.s32 $0x53AA00, s8;
	s7 =	sadd.s32 $0x4D8, s10;
	s10 =	sadd.s32 s31, s11  }
0x12: {  	s11 =	sadd.s32 s12, s11;
	s12 =	sshrl.u32 s14, $0x3;
	s14 =	simm.s32 $0x100  }
.LBB2_1:
0x13: {  	[spmem:s12], [sflag:s6] =	dma.local [hbm:s5], $0x2800  }
0x14: {  	_ =	swait.ge [sflag:s13], $0x2800  }
0x15: {  	[sflag:s13] =	ssyncset.done $0x0  }
0x16: {  	[sflag:s13] =	ssyncadd.s32 $0xFFFFD800  }
0x17: {  	[tilespmem:s14], [sflag:$0x1] =	stream.linear.gather [hbm4b:s1+s4], $0x2800, $0x38;
	[tilespmem:$0x16900] =	vst v63  }
0x18: {  	_ =	swait.ge [sflag:s13], $0x2800  }
0x19: {  	[sflag:s13] =	ssyncset.done $0x0  }
0x1a: {  	[sflag:s13] =	ssyncadd.s32 $0xFFFFD800  }
0x1b: {  	s18 =	sadd.s32 $0x0, s11;
	[bflag:$0x0] =	sbarrier.arrive $0xFFFF  }
0x1c: {  	[tilespmem:s4], [sflag:$0x1] =	stream.linear.gather [hbm4b:s18+s4], $0x50, $0x38;
	[tilespmem:$0x16900] =	vst v63  }
0x1d: {  	_ =	swait.ge [sflag:s13], $0x50  }
0x1e: {  	[sflag:s13] =	ssyncset.done $0x0  }
0x1f: {  	s31 =	sadd.s32 $0x0, s10;
	[sflag:s13] =	ssyncadd.s32 $0xFFFFFFB0  }
0x20: {  	[tilespmem:s15], [sflag:$0x1] =	stream.linear.gather [hbm4b:s31+s4], $0x50, $0x38;
	[tilespmem:$0x16900] =	vst v63  }
0x21: {  	_ =	swait.ge [sflag:s13], $0x50  }
0x22: {  	[sflag:s13] =	ssyncset.done $0x0  }
0x23: {  	[sflag:s13] =	ssyncadd.s32 $0xFFFFFFB0  }
0x24: {  	[spmem:s3] =	stream.indirect.scatter.add.f32 [tilespmem:s14], [sflag:$0x1], $0x80, s4, s16, $0xb8;
	[tilespmem:$0x16900] =	vst v63  }
0x25: {  	_ =	swait.ge [sflag:s13], $0x2800  }
0x26: {  	[sflag:s13] =	ssyncset.done $0x0  }
0x27: {  	[sflag:s13] =	ssyncadd.s32 $0xFFFFD800  }
0x28: {  	[spmem:s3] =	stream.indirect.scatter.add.f32 [tilespmem:s14], [sflag:$0x1], $0x80, s15, s16, $0xb8;
	[tilespmem:$0x16900] =	vst v63  }
0x29: {  	_ =	swait.ge [sflag:s13], $0x2800  }
0x2a: {  	s19 =	simm.s32 $0x28;
	s18 =	simm.s32 $0x14;
	[sflag:s13] =	ssyncset.done $0x0  }
.LBB2_2:
0x2b: {  	s20 =	sadd.s32 s18, s11  }
0x2c: {  	[sflag:s13] =	ssyncadd.s32 $0xFFFFD800;
	s21 =	smov.u32 s19;
	s22 =	sadd.s32 $0x14, s19  }
0x2d: {  	[tilespmem:s4], [sflag:$0x1] =	stream.linear.gather [hbm4b:s20+s4], $0x50, $0x38;
	[tilespmem:$0x16900] =	vst v63  }
0x2e: {  	p0 =	sne.s32 s19, $0x4C4;
	_ =	swait.ge [sflag:s13], $0x50  }
0x2f: {  	[sflag:s13] =	ssyncset.done $0x0  }
0x30: {  	s19 =	sadd.s32 s18, s10;
	s18 =	smov.u32 s21;
	[sflag:s13] =	ssyncadd.s32 $0xFFFFFFB0  }
0x31: {  	[tilespmem:s15], [sflag:$0x1] =	stream.linear.gather [hbm4b:s19+s4], $0x50, $0x38;
	[tilespmem:$0x16900] =	vst v63  }
0x32: {  	_ =	swait.ge [sflag:s13], $0x50  }
0x33: {  	[sflag:s13] =	ssyncset.done $0x0  }
0x34: {  	[sflag:s13] =	ssyncadd.s32 $0xFFFFFFB0  }
0x35: {  	[spmem:s3] =	stream.indirect.scatter.add.f32 [tilespmem:s14], [sflag:$0x1], $0x80, s4, s16, $0xb8;
	[tilespmem:$0x16900] =	vst v63  }
0x36: {  	_ =	swait.ge [sflag:s13], $0x2800  }
.Ltmp0:
0x37: {  	[sflag:s13] =	ssyncset.done $0x0;
	(pc) =	sbr.rel @p0 .LBB2_2-.Ltmp0, $4  }
0x38: {  	[sflag:s13] =	ssyncadd.s32 $0xFFFFD800  }
0x39: {  	[spmem:s3] =	stream.indirect.scatter.add.f32 [tilespmem:s14], [sflag:$0x1], $0x80, s15, s16, $0xb8;
	[tilespmem:$0x16900] =	vst v63  }
0x3a: {  	_ =	swait.ge [sflag:s13], $0x2800  }
0x3b: {  	s19 =	smov.u32 s22;
	[sflag:s13] =	ssyncset.done $0x0  }
0x3c: {  	s19 =	sadd.s32 s18, s11;
	[sflag:s13] =	ssyncadd.s32 $0xFFFFD800  }
0x3d: {  	[tilespmem:s4], [sflag:$0x1] =	stream.linear.gather [hbm4b:s19+s4], $0x50, $0x38;
	[tilespmem:$0x16900] =	vst v63  }
0x3e: {  	_ =	swait.ge [sflag:s13], $0x50  }
0x3f: {  	[sflag:s13] =	ssyncset.done $0x0  }
0x40: {  	s31 =	sadd.s32 s18, s10;
	[sflag:s13] =	ssyncadd.s32 $0xFFFFFFB0  }
0x41: {  	[tilespmem:s15], [sflag:$0x1] =	stream.linear.gather [hbm4b:s31+s4], $0x50, $0x38;
	[tilespmem:$0x16900] =	vst v63  }
0x42: {  	_ =	swait.ge [sflag:s13], $0x50  }
0x43: {  	[sflag:s13] =	ssyncset.done $0x0  }
0x44: {  	[sflag:s13] =	ssyncadd.s32 $0xFFFFFFB0  }
0x45: {  	[spmem:s3] =	stream.indirect.scatter.add.f32 [tilespmem:s14], [sflag:$0x1], $0x80, s4, s16, $0xb8;
	[tilespmem:$0x16900] =	vst v63  }
0x46: {  	_ =	swait.ge [sflag:s13], $0x2800  }
0x47: {  	[sflag:s13] =	ssyncset.done $0x0  }
0x48: {  	[sflag:s13] =	ssyncadd.s32 $0xFFFFD800  }
0x49: {  	[spmem:s3] =	stream.indirect.scatter.add.f32 [tilespmem:s14], [sflag:$0x1], $0x80, s15, s16, $0xb8;
	[tilespmem:$0x16900] =	vst v63  }
0x4a: {  	_ =	swait.ge [sflag:s13], $0x2800  }
0x4b: {  	[sflag:s13] =	ssyncset.done $0x0  }
0x4c: {  	[sflag:s13] =	ssyncadd.s32 $0xFFFFD800  }
0x4d: {  	[tilespmem:s4], [sflag:$0x1] =	stream.linear.gather [hbm4b:s7+s4], $0x50, $0x38;
	[tilespmem:$0x16900] =	vst v63  }
0x4e: {  	_ =	swait.ge [sflag:s13], $0x50  }
0x4f: {  	[sflag:s13] =	ssyncset.done $0x0  }
0x50: {  	[sflag:s13] =	ssyncadd.s32 $0xFFFFFFB0  }
0x51: {  	[spmem:s3] =	stream.indirect.scatter.add.f32 [tilespmem:s14], [sflag:$0x1], $0x80, s4, s16, $0xb8;
	[tilespmem:$0x16900] =	vst v63  }
0x52: {  	_ =	swait.ge [sflag:s13], $0x2800  }
0x53: {  	s17 =	sadd.s32 $0x1, s17;
	[sflag:s13] =	ssyncset.done $0x0  }
0x54: {  	p0 =	sne.s32 s17, s9;
	[sflag:s13] =	ssyncadd.s32 $0xFFFFD800  }
.Ltmp1:
0x55: {  	[bflag:$0x0] =	sbarrier.arrive $0xFFFF;
	(pc) =	sbr.rel @p0 .LBB2_1-.Ltmp1, $4  }
0x56: {  	[hbm:s8], [sflag:s6] =	dma.local [spmem:s12], $0x2800  }
0x57: {  	_ =	swait.ge [sflag:s13], $0x2800  }
0x58: {  	[sflag:s13] =	ssyncset.done $0x0  }
0x59: {  	[sflag:s13] =	ssyncadd.s32 $0xFFFFD800  }
0x5a: {  	_ =	sfence.sel $0x180000  }
0x5b: {  	[bflag:$0x0] =	sbarrier.arrive $0xFFFF  }
0x5c: {  	p0 =	sne.s32 s2, $0x0;
	_ =	strace $0x9000004A  }
0x5d: {  	s0 =	sadd.s32 @!p0 $0x100000, s0;
	[bflag:$0x2] =	sbarrier.arrive $0xFFFF  }
0x5e: {  	[sflag:s0] =	ssyncadd.tile.s32 @!p0 $0x1;
	_ =	shalt  }
.Lfunc_end2:
_tile_overlayer_lowered:
.L_overlay_start_2:
0x5f: {  	(tag) =	ssettag $0x2  }
0x60: {  	s0 =	rddreg [dreg:$0x0];
	s2 =	stileid.u32  }
0x61: {  	s1 =	rddreg [dreg:$0x1];
	p0 =	sne.s32 s2, $0x0  }
0x62: {  	s3 =	rddreg [dreg:$0x2];
	[bflag:$0x3] =	sbarrier.arrive $0xFFFF;
	s2 =	simm.s32 @!p0 $0x1C01  }
0x63: {  	[timem:s3], [sflag:s2] =	dma.local @!p0 [hbm:s0], s1  }
0x64: {  	s0 =	simm.s32 @!p0 $0x1  }
0x65: {  	_ =	swait.ge @!p0 [sflag:s0], s1  }
0x66: {  	s1 =	ssub.s32 @!p0 $0x0, s1;
	[sflag:s0] =	ssyncset.done @!p0 $0x0  }
0x67: {  	[sflag:s0] =	ssyncadd.s32 @!p0 s1  }
0x68: {  	[bflag:$0x3] =	sbarrier.arrive $0xFFFF  }
0x69: {  	_ =	shalt  }

// kernel: kernel.19.cloned.1.call-start
scs
__scs_entry_jumppad:
0x0: {  	(pc) =	sbr.rel $0x88, $3  }
0x1: {  	(tag) =	ssettag $0x0;
	lr =	simm.s32 $0x1  }
0x2: {  	[smem:$0x3F8F] =	sst lr;
	_ =	strace $0xD0000000  }
0x3: {  	_ = 	snop  }
0x4: {  	_ = 	snop  }
0x5: {  	_ = 	snop  }
0x6: {  	_ = 	snop  }
0x7: {  	_ = 	snop  }
__scs_overlays_trampoline_lowered:
0x8: {  	[smem:$0x3F9E] =	sst s0  }
0x9: {  	[smem:$0x3F9F] =	sst s1  }
0xa: {  	[smem:$0x3FA0] =	sst s2  }
0xb: {  	[smem:$0x3FA1] =	sst s3  }
0xc: {  	[smem:$0x3FA2] =	sst s4  }
0xd: {  	[smem:$0x3FA3] =	sst s5  }
0xe: {  	[smem:$0x3FA4] =	sst s6  }
0xf: {  	[smem:$0x3FA5] =	sst s7  }
0x10: {  	[smem:$0x3FA6] =	sst s8  }
0x11: {  	[smem:$0x3FA7] =	sst s9;
	s0 =	simm.s32 @!p0 $0x0  }
0x12: {  	s1 =	sld [smem:$0x3F8D];
	s0 =	simm.s32 @p0 $0x1  }
0x13: {  	[smem:$0x3FA8] =	sst s0;
	s0 =	simm.s32 @!p1 $0x0  }
0x14: {  	s2 =	sld [smem:$0x3F8C];
	s0 =	simm.s32 @p1 $0x1  }
0x15: {  	[smem:$0x3FA9] =	sst s0;
	s0 =	simm.s32 @!p2 $0x0  }
0x16: {  	s3 =	sld [smem:$0x3FDB];
	s0 =	simm.s32 @p2 $0x1  }
0x17: {  	s4 =	simm.s32 $0x1BF5;
	[smem:$0x3FAB] =	sst s0  }
0x18: {  	s0 =	sld [smem:$0x3F8E];
	_ =	swait.ge [sflag:s4], $0x0  }
0x19: {  	s7 =	sld [smem:$0x3F8F]  }
0x1a: {  	s8 =	sadd.s32 $0xFFFFE003, lr  }
0x1b: {  	s9 =	sadd.s32 $0xFFFFFEF7, lr;
	s5 =	simm.s32 $0xFFFFFFFF;
	p2 =	slt.u32 s8, $0xFFFFF086  }
0x1c: {  	p1 =	slt.u32 s9, $0xF7A;
	s5 =	simm.s32 @!p2 $0x0  }
0x1d: {  	s5 =	simm.s32 @p1 $0x1;
	p0 =	seq.s32 s7, s2  }
0x1e: {  	s7 =	smul.u32 @!p0 $0xF7A, s2;
	p2 =	seq.s32 @!p0 s5, $0x0  }
0x1f: {  	s9 =	smul.u32 $0xF7A, s1;
	s8 =	simm.s32 @!p0 $0x1BF5;
	p2 =	por !p2, p0  }
0x20: {  	[sflag:s8] =	ssyncset.s32 @!p0 $0xFFFFF086;
	s6 =	sadd.s32 @!p0 s3, s7;
	s7 =	simm.s32 @!p0 $0x108  }
0x21: {  	s3 =	sadd.s32 s3, s9;
	s6 =	sadd.s32 @!p0 $0x88, s6;
	s7 =	simm.s32 @p2 $0x1082  }
0x22: {  	[simem:s7], [sflag:s8] =	dma.local @!p0 [hbm:s6], $0xF7A  }
0x23: {  	s9 =	sor.u32 $0xD0000000, s2;
	s6 =	simm.s32 $0x108;
	_ =	swait.ge @!p0 [sflag:s8], $0x0  }
0x24: {  	s3 =	sadd.s32 $0x88, s3;
	s6 =	simm.s32 @!p1 $0x1082;
	[sflag:s4] =	ssyncset.s32 $0xFFFFF086  }
0x25: {  	[simem:s6], [sflag:s4] =	dma.local [hbm:s3], $0xF7A  }
0x26: {  	[smem:$0x3F8F] =	sst s1;
	(tag) =	ssettag s2;
	_ =	strace s9  }
0x27: {  	s1 =	sld [smem:$0x3F9F]  }
0x28: {  	s2 =	sld [smem:$0x3FA0]  }
0x29: {  	s4 =	sld [smem:$0x3FA2]  }
0x2a: {  	p0 =	seq.s32 s5, $0x0;
	s5 =	sld [smem:$0x3FA3]  }
0x2b: {  	s6 =	sld [smem:$0x3FA4]  }
0x2c: {  	s7 =	sld [smem:$0x3FA5]  }
0x2d: {  	s3 =	simm.s32 $0x108;
	s8 =	sld [smem:$0x3FA6]  }
0x2e: {  	s3 =	simm.s32 @!p0 $0x1082;
	s9 =	sld [smem:$0x3FA7]  }
0x2f: {  	lr =	sadd.s32 s0, s3;
	s0 =	sld [smem:$0x3F9E]  }
0x30: {  	s3 =	sld [smem:$0x3FA1]  }
0x31: {  	[smem:$0x3FAA] =	sst s10  }
0x32: {  	s10 =	sld [smem:$0x3FA8];
	_ =	sdelay $0x3  }
0x33: {  	p0 =	seq.s32 s10, $0x1;
	s10 =	sld [smem:$0x3FAA];
	_ =	sdelay $0x3  }
0x34: {  	[smem:$0x3FAA] =	sst s10  }
0x35: {  	s10 =	sld [smem:$0x3FA9];
	_ =	sdelay $0x3  }
0x36: {  	p1 =	seq.s32 s10, $0x1;
	s10 =	sld [smem:$0x3FAA];
	_ =	sdelay $0x3  }
0x37: {  	[smem:$0x3FAA] =	sst s10  }
0x38: {  	s10 =	sld [smem:$0x3FAB]  }
0x39: {  	_ = 	snop;
	(pc) =	sbr.ind lr, $3  }
0x3a: {  	_ = 	snop  }
0x3b: {  	_ = 	snop  }
0x3c: {  	p2 =	seq.s32 s10, $0x1;
	s10 =	sld [smem:$0x3FAA]  }
0x3d: {  	_ =	shalt  }
0x3e: {  	_ =	shalt  }
0x3f: {  	_ =	shalt  }
0x40: {  	_ =	shalt  }
0x41: {  	_ =	shalt  }
0x42: {  	_ =	shalt  }
0x43: {  	_ =	shalt  }
0x44: {  	_ =	shalt  }
0x45: {  	_ =	shalt  }
0x46: {  	_ =	shalt  }
0x47: {  	_ =	shalt  }
0x48: {  	_ =	shalt  }
0x49: {  	_ =	shalt  }
0x4a: {  	_ =	shalt  }
0x4b: {  	_ =	shalt  }
0x4c: {  	_ =	shalt  }
0x4d: {  	_ =	shalt  }
0x4e: {  	_ =	shalt  }
0x4f: {  	_ =	shalt  }
0x50: {  	_ =	shalt  }
0x51: {  	_ =	shalt  }
0x52: {  	_ =	shalt  }
0x53: {  	_ =	shalt  }
0x54: {  	_ =	shalt  }
0x55: {  	_ =	shalt  }
0x56: {  	_ =	shalt  }
0x57: {  	_ =	shalt  }
0x58: {  	_ =	shalt  }
0x59: {  	_ =	shalt  }
0x5a: {  	_ =	shalt  }
0x5b: {  	_ =	shalt  }
0x5c: {  	_ =	shalt  }
0x5d: {  	_ =	shalt  }
0x5e: {  	_ =	shalt  }
0x5f: {  	_ =	shalt  }
0x60: {  	_ =	shalt  }
0x61: {  	_ =	shalt  }
0x62: {  	_ =	shalt  }
0x63: {  	_ =	shalt  }
0x64: {  	_ =	shalt  }
0x65: {  	_ =	shalt  }
0x66: {  	_ =	shalt  }
0x67: {  	_ =	shalt  }
0x68: {  	_ =	shalt  }
0x69: {  	_ =	shalt  }
0x6a: {  	_ =	shalt  }
0x6b: {  	_ =	shalt  }
0x6c: {  	_ =	shalt  }
0x6d: {  	_ =	shalt  }
0x6e: {  	_ =	shalt  }
0x6f: {  	_ =	shalt  }
0x70: {  	_ =	shalt  }
0x71: {  	_ =	shalt  }
0x72: {  	_ =	shalt  }
0x73: {  	_ =	shalt  }
0x74: {  	_ =	shalt  }
0x75: {  	_ =	shalt  }
0x76: {  	_ =	shalt  }
0x77: {  	_ =	shalt  }
0x78: {  	_ =	shalt  }
0x79: {  	_ =	shalt  }
0x7a: {  	_ =	shalt  }
0x7b: {  	_ =	shalt  }
0x7c: {  	_ =	shalt  }
0x7d: {  	_ =	shalt  }
0x7e: {  	_ =	shalt  }
0x7f: {  	_ =	shalt  }
0x80: {  	_ =	shalt  }
0x81: {  	_ =	shalt  }
0x82: {  	_ =	shalt  }
0x83: {  	_ =	shalt  }
0x84: {  	_ =	shalt  }
0x85: {  	_ =	shalt  }
0x86: {  	_ =	shalt  }
0x87: {  	_ =	shalt  }
.Lfunc_end0:
.L_simem_size_0:
called_computation.2_lowered:
.L_overlay_start_0:
0x88: {  	s2 =	sld [smem:$0x3FD9]  }
0x89: {  	s3 =	sld [smem:$0x3FFE];
	_ =	sdelay $0x1  }
0x8a: {  	s1 =	srdreg.scid  }
0x8b: {  	s0 =	sand.u32 $0x1, s1  }
0x8c: {  	s14 =	sshll.u32 s0, $0xA;
	s2 =	sadd.s32 s3, s2  }
0x8d: {  	s2 =	sadd.s32 s2, s14  }
0x8e: {  	[smem:$0x3FB6] =	sst s2  }
0x8f: {  	_ = 	snop  }
0x90: {  	s2 =	sld [smem:$0x3FD0];
	_ =	sdelay $0x2  }
0x91: {  	s15 =	simm.s32 $0xB;
	s4 =	simm.s32 $0x10  }
0x92: {  	[smem:s4], [sflag:s15] =	dma.local [hbm:s2], $0x1  }
0x93: {  	_ =	swait.eq [sflag:s15], $0x1  }
0x94: {  	[sflag:s15] =	ssyncset.done $0x0  }
0x95: {  	s16 =	sld [smem:$0x10];
	[sflag:s15] =	ssyncadd.s32 $0xFFFFFFFF  }
0x96: {  	s17 =	sld [smem:$0x11];
	(tm) =	ssettm $0x1  }
0x97: {  	s18 =	sld [smem:$0x3FFB];
	_ =	sdelay $0x3  }
0x98: {  	_ =	strace s18  }
0x99: {  	s4 =	sld [smem:$0x3FFC];
	_ =	sdelay $0x3  }
0x9a: {  	_ =	strace s4  }
0x9b: {  	s4 =	sld [smem:$0x3FFD];
	_ =	sdelay $0x3  }
0x9c: {  	_ =	strace s4  }
0x9d: {  	_ =	strace $0x8FFFFFFF  }
0x9e: {  	s19 =	sld [smem:$0x3FDB];
	_ =	sdelay $0x1  }
0x9f: {  	s5 =	simm.s32 $_scs_section_size  }
0xa0: {  	s6 =	simm.s32 $_size__tile_overlayer_lowered;
	s7 =	simm.s32 $_tile_overlayer_lowered  }
0xa1: {  	s22 =	simm.s32 $0x1BFF;
	s21 =	sshll.u32 s7, $0x1;
	s4 =	sadd.s32 s5, s19  }
0xa2: {  	s8 =	simm.s32 $0x0;
	s20 =	sshll.u32 s6, $0x1;
	s6 =	sadd.s32 s21, s4  }
0xa3: {  	[timem:s8], [sflag:s22] =	dma.local [hbm:s6], s20  }
0xa4: {  	_ =	swait.ge [sflag:s22], s20  }
0xa5: {  	s5 =	ssub.s32 $0x0, s20;
	[sflag:s22] =	ssyncset.done $0x0  }
0xa6: {  	[sflag:s22] =	ssyncadd.s32 s5;
	_ =	sdelay $0x1  }
0xa7: {  	s23 =	simm.s32 $0x1B8B  }
0xa8: {  	_ =	swait.ge [sflag:s23], $0x1  }
0xa9: {  	[sflag:s23] =	ssyncset.done $0x0  }
0xaa: {  	s25 =	simm.s32 $0x1B8E;
	s24 =	sld [smem:$0x3FFE];
	[sflag:s23] =	ssyncadd.s32 $0xFFFFFFFF  }
0xab: {  	s26 =	simm.s32 $execute0_lowered;
	[smem:$0x3FD2] =	sst s25  }
0xac: {  	s6 =	sshll.u32 s26, $0x1;
	_ =	strace $0x8000004C;
	[dreg:$0x1] =	wrdreg $0xFFFFFFFF  }
0xad: {  	s28 =	simm.s32 $_size_execute0_lowered;
	s4 =	sadd.s32 s4, s6;
	[dreg:$0x0] =	wrdreg $0x0  }
0xae: {  	s6 =	sshll.u32 s28, $0x1;
	[dreg:$0x2] =	wrdreg s4  }
0xaf: {  	[dreg:$0x3] =	wrdreg s6  }
0xb0: {  	[dreg:$0x4] =	wrdreg $0xC0  }
0xb1: {  	_ =	task [dreg:s8], $0x5FFFF  }
0xb2: {  	[dreg:$0x1] =	wrdreg $0xFFFFFFFF  }
0xb3: {  	[dreg:$0x0] =	wrdreg $0x60  }
0xb4: {  	[dreg:$0x2] =	wrdreg s16  }
0xb5: {  	[dreg:$0x3] =	wrdreg s17  }
0xb6: {  	[dreg:$0x4] =	wrdreg s24  }
0xb7: {  	[dreg:$0x5] =	wrdreg $0x9  }
0xb8: {  	_ =	task.clear_ibuf [dreg:s8], $0x6FFFF;
	_ =	strace $0x9000004C  }
0xb9: {  	s29 =	simm.s32 $0x9;
	_ =	strace $0x8000004E  }
0xba: {  	_ =	swait.ge [sflag:s29], $0x1  }
0xbb: {  	[sflag:s29] =	ssyncadd.s32 $0xFFFFFFFF  }
0xbc: {  	_ =	strace $0x9000004E  }
0xbd: {  	_ =	sfence  }
0xbe: {  	s30 =	sld [smem:$0x0];
	_ =	sdelay $0x2  }
0xbf: {  	s31 =	sshll.u32 s1, $0xD;
	s1 =	sshrl.u32 s1, $0x2  }
0xc0: {  	s3 =	sand.u32 $0x4000, s31;
	s1 =	sadd.s32 s1, s30  }
0xc1: {  	s0 =	sor.u32 s3, s0;
	s1 =	sshll.u32 s1, $0x11  }
0xc2: {  	s0 =	sor.u32 s1, s0  }
0xc3: {  	s0 =	sadd.s32 $0x8F2B, s0  }
0xc4: {  	[sflag:s0] =	ssyncadd.remote.s32 $0x1  }
0xc5: {  	_ =	sfence.sel $0xFFFF  }
0xc6: {  	[dreg:$0x0] =	wrdreg $0xFFFFFFFF;
	(pc) =	sbr.abs _section_cstart, $3  }
0xc7: {  	[dreg:$0x1] =	wrdreg $0xFFFFFFFF  }
0xc8: {  	_ =	task.clear_ibuf [dreg:s8], $0x2FFFF;
	_ =	strace $0x9FFFFFFF  }
0xc9: {  	(tm) =	ssettm $0x7FFFFFFF  }
tec
execute0_lowered:
.L_overlay_start_1:
0x0: {  	(tag) =	ssettag $0x1  }
0x1: {  	s1 =	rddreg [dreg:$0x0]  }
0x2: {  	s9 =	rddreg [dreg:$0x1];
	s2 =	srdreg.scid  }
0x3: {  	s0 =	stileid.u32;
	s4 =	rddreg [dreg:$0x2]  }
0x4: {  	s3 =	simm.s32 $0x0;
	s14 =	simm.s32 $0x2900;
	s15 =	simm.s32 $0x1  }
0x5: {  	s16 =	simm.s32 $0x2;
	s17 =	simm.s32 $0x0;
	s5 =	sand.u32 $0x1, s2  }
0x6: {  	s6 =	sshll.u32 s0, $0x1;
	s2 =	rddreg [dreg:$0x3];
	s8 =	smul.u32 $0x4E20, s0  }
0x7: {  	[smem:$0x7FF] =	sst s3;
	s7 =	sadd.s32 $0x58C200, s4;
	s30 =	smul.u32 $0x4E200, s0  }
0x8: {  	s6 =	sor.u32 s5, s6;
	s29 =	ssub.s32 $0x2, s5;
	s12 =	smul.u32 $0x2710, s5  }
0x9: {  	_ =	strace $0x8000004D;
	s6 =	smul.u32 $0x2710, s6;
	s10 =	sshrl.u32 s29, $0x1  }
0xa: {  	s13 =	smul.u32 $0x27100, s5;
	s10 =	ssub.s32 s29, s10;
	s12 =	sadd.s32 s12, s8  }
0xb: {  	s6 =	sadd.s32 $0x26C0, s6;
	s8 =	sadd.s32 $0x50, s12;
	s31 =	sshrl.u32 s12, $0x3  }
0xc: {  	s12 =	simm.s32 $0x100;
	s11 =	sshrl.u32 s6, $0x3;
	s6 =	sshll.u32 s6, $0x4  }
0xd: {  	s8 =	sshrl.u32 s8, $0x3;
	s4 =	sadd.s32 s9, s11;
	s5 =	sadd.s32 s7, s6  }
0xe: {  	s7 =	sadd.s32 s30, s7;
	s6 =	smax.u32 s10, $0x1;
	s8 =	sadd.s32 s8, s9  }
0xf: {  	s9 =	sadd.s32 s31, s9;
	s10 =	simm.s32 $0x3;
	s7 =	sadd.s32 s13, s7  }
0x10: {  	s11 =	simm.s32 $0x50;
	s13 =	simm.s32 $0x80;
	s7 =	sadd.s32 $0x500, s7  }
.LBB2_1:
0x11: {  	s18 =	sadd.s32 $0x0, s9  }
0x12: {  	[tilespmem:s3], [sflag:$0x3] =	stream.linear.gather [hbm4b:s18+s3], $0x50, $0x38;
	[tilespmem:$0x5100] =	vst v63  }
0x13: {  	_ =	swait.ge [sflag:s10], $0x50  }
0x14: {  	[sflag:s10] =	ssyncset.done $0x0  }
0x15: {  	[sflag:s10] =	ssyncadd.s32 $0xFFFFFFB0  }
0x16: {  	[tilespmem:s12], [sflag:$0x1] =	stream.indirect.gather [hbm4b:s1+s11], $0x80, s3, s11, $0xb8;
	[tilespmem:$0x5100] =	vst v63  }
0x17: {  	s30 =	sadd.s32 $0x0, s8  }
0x18: {  	[tilespmem:s13], [sflag:$0x3] =	stream.linear.gather [hbm4b:s30+s3], $0x50, $0x38;
	[tilespmem:$0x5100] =	vst v63  }
0x19: {  	_ =	swait.ge [sflag:s10], $0x50  }
0x1a: {  	[sflag:s10] =	ssyncset.done $0x0  }
0x1b: {  	[sflag:s10] =	ssyncadd.s32 $0xFFFFFFB0  }
0x1c: {  	[tilespmem:s14], [sflag:$0x2] =	stream.indirect.gather [hbm4b:s1+s11], $0x80, s13, s11, $0xb8;
	[tilespmem:$0x5100] =	vst v63  }
0x1d: {  	_ =	swait.ge [sflag:s15], $0x2800  }
0x1e: {  	[sflag:s15] =	ssyncset.done $0x0  }
0x1f: {  	s31 =	sadd.s32 $0xFFFFFB00, s7;
	[sflag:s15] =	ssyncadd.s32 $0xFFFFD800  }
0x20: {  	[hbm4b:s31+s3] =	stream.linear.scatter [tilespmem:s12], [sflag:$0x3], $0x2800, $0x38;
	[tilespmem:$0x5100] =	vst v63  }
0x21: {  	_ =	swait.ge [sflag:s10], $0x2800  }
0x22: {  	[sflag:s10] =	ssyncset.done $0x0  }
0x23: {  	[sflag:s10] =	ssyncadd.s32 $0xFFFFD800  }
0x24: {  	_ =	swait.ge [sflag:s16], $0x2800  }
0x25: {  	[sflag:s16] =	ssyncset.done $0x0  }
0x26: {  	[sflag:s16] =	ssyncadd.s32 $0xFFFFD800  }
0x27: {  	[hbm4b:s7+s3] =	stream.linear.scatter [tilespmem:s14], [sflag:$0x3], $0x2800, $0x38;
	[tilespmem:$0x5100] =	vst v63  }
0x28: {  	s19 =	simm.s32 $0x14;
	_ =	swait.ge [sflag:s10], $0x2800  }
0x29: {  	s20 =	simm.s32 $0x28;
	s18 =	sadd.s32 $0xA00, s7;
	[sflag:s10] =	ssyncset.done $0x0  }
.LBB2_2:
0x2a: {  	s21 =	sadd.s32 s19, s9  }
0x2b: {  	[sflag:s10] =	ssyncadd.s32 $0xFFFFD800;
	s22 =	smov.u32 s20;
	s23 =	sadd.s32 $0x14, s20  }
0x2c: {  	[tilespmem:s3], [sflag:$0x3] =	stream.linear.gather [hbm4b:s21+s3], $0x50, $0x38;
	[tilespmem:$0x5100] =	vst v63  }
0x2d: {  	p0 =	sne.s32 s20, $0x4C4;
	_ =	swait.ge [sflag:s10], $0x50  }
0x2e: {  	[sflag:s10] =	ssyncset.done $0x0  }
0x2f: {  	[sflag:s10] =	ssyncadd.s32 $0xFFFFFFB0  }
0x30: {  	[tilespmem:s12], [sflag:$0x1] =	stream.indirect.gather [hbm4b:s1+s11], $0x80, s3, s11, $0xb8;
	[tilespmem:$0x5100] =	vst v63  }
0x31: {  	s20 =	sadd.s32 s19, s8;
	s19 =	smov.u32 s22  }
0x32: {  	[tilespmem:s13], [sflag:$0x3] =	stream.linear.gather [hbm4b:s20+s3], $0x50, $0x38;
	[tilespmem:$0x5100] =	vst v63  }
0x33: {  	_ =	swait.ge [sflag:s10], $0x50  }
0x34: {  	[sflag:s10] =	ssyncset.done $0x0  }
0x35: {  	[sflag:s10] =	ssyncadd.s32 $0xFFFFFFB0  }
0x36: {  	[tilespmem:s14], [sflag:$0x2] =	stream.indirect.gather [hbm4b:s1+s11], $0x80, s13, s11, $0xb8;
	[tilespmem:$0x5100] =	vst v63  }
0x37: {  	_ =	swait.ge [sflag:s15], $0x2800  }
0x38: {  	[sflag:s15] =	ssyncset.done $0x0  }
0x39: {  	s20 =	sadd.s32 $0xFFFFFB00, s18;
	[sflag:s15] =	ssyncadd.s32 $0xFFFFD800  }
0x3a: {  	[hbm4b:s20+s3] =	stream.linear.scatter [tilespmem:s12], [sflag:$0x3], $0x2800, $0x38;
	[tilespmem:$0x5100] =	vst v63  }
0x3b: {  	_ =	swait.ge [sflag:s10], $0x2800  }
0x3c: {  	[sflag:s10] =	ssyncset.done $0x0  }
0x3d: {  	[sflag:s10] =	ssyncadd.s32 $0xFFFFD800  }
0x3e: {  	_ =	swait.ge [sflag:s16], $0x2800  }
.Ltmp0:
0x3f: {  	[sflag:s16] =	ssyncset.done $0x0;
	(pc) =	sbr.rel @p0 .LBB2_2-.Ltmp0, $4  }
0x40: {  	[sflag:s16] =	ssyncadd.s32 $0xFFFFD800  }
0x41: {  	[hbm4b:s18+s3] =	stream.linear.scatter [tilespmem:s14], [sflag:$0x3], $0x2800, $0x38;
	[tilespmem:$0x5100] =	vst v63  }
0x42: {  	_ =	swait.ge [sflag:s10], $0x2800  }
0x43: {  	s20 =	smov.u32 s23;
	s18 =	sadd.s32 $0xA00, s18;
	[sflag:s10] =	ssyncset.done $0x0  }
0x44: {  	s20 =	sadd.s32 s19, s9;
	[sflag:s10] =	ssyncadd.s32 $0xFFFFD800  }
0x45: {  	[tilespmem:s3], [sflag:$0x3] =	stream.linear.gather [hbm4b:s20+s3], $0x50, $0x38;
	[tilespmem:$0x5100] =	vst v63  }
0x46: {  	_ =	swait.ge [sflag:s10], $0x50  }
0x47: {  	[sflag:s10] =	ssyncset.done $0x0  }
0x48: {  	[sflag:s10] =	ssyncadd.s32 $0xFFFFFFB0  }
0x49: {  	[tilespmem:s12], [sflag:$0x1] =	stream.indirect.gather [hbm4b:s1+s11], $0x80, s3, s11, $0xb8;
	[tilespmem:$0x5100] =	vst v63  }
0x4a: {  	s30 =	sadd.s32 s19, s8  }
0x4b: {  	[tilespmem:s13], [sflag:$0x3] =	stream.linear.gather [hbm4b:s30+s3], $0x50, $0x38;
	[tilespmem:$0x5100] =	vst v63  }
0x4c: {  	_ =	swait.ge [sflag:s10], $0x50  }
0x4d: {  	[sflag:s10] =	ssyncset.done $0x0  }
0x4e: {  	[sflag:s10] =	ssyncadd.s32 $0xFFFFFFB0  }
0x4f: {  	[tilespmem:s14], [sflag:$0x2] =	stream.indirect.gather [hbm4b:s1+s11], $0x80, s13, s11, $0xb8;
	[tilespmem:$0x5100] =	vst v63  }
0x50: {  	_ =	swait.ge [sflag:s15], $0x2800  }
0x51: {  	[sflag:s15] =	ssyncset.done $0x0  }
0x52: {  	s31 =	sadd.s32 $0xFFFFFB00, s18;
	[sflag:s15] =	ssyncadd.s32 $0xFFFFD800  }
0x53: {  	[hbm4b:s31+s3] =	stream.linear.scatter [tilespmem:s12], [sflag:$0x3], $0x2800, $0x38;
	[tilespmem:$0x5100] =	vst v63  }
0x54: {  	_ =	swait.ge [sflag:s10], $0x2800  }
0x55: {  	[sflag:s10] =	ssyncset.done $0x0  }
0x56: {  	[sflag:s10] =	ssyncadd.s32 $0xFFFFD800  }
0x57: {  	_ =	swait.ge [sflag:s16], $0x2800  }
0x58: {  	[sflag:s16] =	ssyncset.done $0x0  }
0x59: {  	[sflag:s16] =	ssyncadd.s32 $0xFFFFD800  }
0x5a: {  	[hbm4b:s18+s3] =	stream.linear.scatter [tilespmem:s14], [sflag:$0x3], $0x2800, $0x38;
	[tilespmem:$0x5100] =	vst v63  }
0x5b: {  	_ =	swait.ge [sflag:s10], $0x2800  }
0x5c: {  	[sflag:s10] =	ssyncset.done $0x0  }
0x5d: {  	[sflag:s10] =	ssyncadd.s32 $0xFFFFD800  }
0x5e: {  	[tilespmem:s3], [sflag:$0x3] =	stream.linear.gather [hbm4b:s4+s3], $0x50, $0x38;
	[tilespmem:$0x5100] =	vst v63  }
0x5f: {  	_ =	swait.ge [sflag:s10], $0x50  }
0x60: {  	[sflag:s10] =	ssyncset.done $0x0  }
0x61: {  	[sflag:s10] =	ssyncadd.s32 $0xFFFFFFB0  }
0x62: {  	[tilespmem:s12], [sflag:$0x1] =	stream.indirect.gather [hbm4b:s1+s11], $0x80, s3, s11, $0xb8;
	[tilespmem:$0x5100] =	vst v63  }
0x63: {  	s17 =	sadd.s32 $0x1, s17;
	_ =	swait.ge [sflag:s15], $0x2800  }
0x64: {  	p0 =	sne.s32 s17, s6;
	[sflag:s15] =	ssyncset.done $0x0  }
.Ltmp1:
0x65: {  	[sflag:s15] =	ssyncadd.s32 $0xFFFFD800;
	(pc) =	sbr.rel @p0 .LBB2_1-.Ltmp1, $4  }
0x66: {  	[hbm4b:s5+s3] =	stream.linear.scatter [tilespmem:s12], [sflag:$0x3], $0x2800, $0x38;
	[tilespmem:$0x5100] =	vst v63  }
0x67: {  	_ =	swait.ge [sflag:s10], $0x2800  }
0x68: {  	[sflag:s10] =	ssyncset.done $0x0  }
0x69: {  	[sflag:s10] =	ssyncadd.s32 $0xFFFFD800  }
0x6a: {  	_ =	sfence.sel $0x180000  }
0x6b: {  	[bflag:$0x0] =	sbarrier.arrive $0xFFFF  }
0x6c: {  	p0 =	sne.s32 s0, $0x0;
	_ =	strace $0x9000004D  }
0x6d: {  	s0 =	sadd.s32 @!p0 $0x100000, s2;
	[bflag:$0x2] =	sbarrier.arrive $0xFFFF  }
0x6e: {  	[sflag:s0] =	ssyncadd.tile.s32 @!p0 $0x1;
	_ =	shalt  }
.Lfunc_end2:
_tile_overlayer_lowered:
.L_overlay_start_2:
0x6f: {  	(tag) =	ssettag $0x2  }
0x70: {  	s0 =	rddreg [dreg:$0x0];
	s2 =	stileid.u32  }
0x71: {  	s1 =	rddreg [dreg:$0x1];
	p0 =	sne.s32 s2, $0x0  }
0x72: {  	s3 =	rddreg [dreg:$0x2];
	[bflag:$0x3] =	sbarrier.arrive $0xFFFF;
	s2 =	simm.s32 @!p0 $0x1C03  }
0x73: {  	[timem:s3], [sflag:s2] =	dma.local @!p0 [hbm:s0], s1  }
0x74: {  	s0 =	simm.s32 @!p0 $0x3  }
0x75: {  	_ =	swait.ge @!p0 [sflag:s0], s1  }
0x76: {  	s1 =	ssub.s32 @!p0 $0x0, s1;
	[sflag:s0] =	ssyncset.done @!p0 $0x0  }
0x77: {  	[sflag:s0] =	ssyncadd.s32 @!p0 s1  }
0x78: {  	[bflag:$0x3] =	sbarrier.arrive $0xFFFF  }
0x79: {  	_ =	shalt  }

// kernel: kernel.22.cloned.1.call-start
scs
__scs_entry_jumppad:
0x0: {  	(pc) =	sbr.rel $0x88, $3  }
0x1: {  	(tag) =	ssettag $0x0;
	lr =	simm.s32 $0x1  }
0x2: {  	[smem:$0x3F8F] =	sst lr;
	_ =	strace $0xD0000000  }
0x3: {  	_ = 	snop  }
0x4: {  	_ = 	snop  }
0x5: {  	_ = 	snop  }
0x6: {  	_ = 	snop  }
0x7: {  	_ = 	snop  }
__scs_overlays_trampoline_lowered:
0x8: {  	[smem:$0x3F9E] =	sst s0  }
0x9: {  	[smem:$0x3F9F] =	sst s1  }
0xa: {  	[smem:$0x3FA0] =	sst s2  }
0xb: {  	[smem:$0x3FA1] =	sst s3  }
0xc: {  	[smem:$0x3FA2] =	sst s4  }
0xd: {  	[smem:$0x3FA3] =	sst s5  }
0xe: {  	[smem:$0x3FA4] =	sst s6  }
0xf: {  	[smem:$0x3FA5] =	sst s7  }
0x10: {  	[smem:$0x3FA6] =	sst s8  }
0x11: {  	[smem:$0x3FA7] =	sst s9;
	s0 =	simm.s32 @!p0 $0x0  }
0x12: {  	s1 =	sld [smem:$0x3F8D];
	s0 =	simm.s32 @p0 $0x1  }
0x13: {  	[smem:$0x3FA8] =	sst s0;
	s0 =	simm.s32 @!p1 $0x0  }
0x14: {  	s2 =	sld [smem:$0x3F8C];
	s0 =	simm.s32 @p1 $0x1  }
0x15: {  	[smem:$0x3FA9] =	sst s0;
	s0 =	simm.s32 @!p2 $0x0  }
0x16: {  	s3 =	sld [smem:$0x3FDB];
	s0 =	simm.s32 @p2 $0x1  }
0x17: {  	s4 =	simm.s32 $0x1BF5;
	[smem:$0x3FAB] =	sst s0  }
0x18: {  	s0 =	sld [smem:$0x3F8E];
	_ =	swait.ge [sflag:s4], $0x0  }
0x19: {  	s7 =	sld [smem:$0x3F8F]  }
0x1a: {  	s8 =	sadd.s32 $0xFFFFE003, lr  }
0x1b: {  	s9 =	sadd.s32 $0xFFFFFEF7, lr;
	s5 =	simm.s32 $0xFFFFFFFF;
	p2 =	slt.u32 s8, $0xFFFFF086  }
0x1c: {  	p1 =	slt.u32 s9, $0xF7A;
	s5 =	simm.s32 @!p2 $0x0  }
0x1d: {  	s5 =	simm.s32 @p1 $0x1;
	p0 =	seq.s32 s7, s2  }
0x1e: {  	s7 =	smul.u32 @!p0 $0xF7A, s2;
	p2 =	seq.s32 @!p0 s5, $0x0  }
0x1f: {  	s9 =	smul.u32 $0xF7A, s1;
	s8 =	simm.s32 @!p0 $0x1BF5;
	p2 =	por !p2, p0  }
0x20: {  	[sflag:s8] =	ssyncset.s32 @!p0 $0xFFFFF086;
	s6 =	sadd.s32 @!p0 s3, s7;
	s7 =	simm.s32 @!p0 $0x108  }
0x21: {  	s3 =	sadd.s32 s3, s9;
	s6 =	sadd.s32 @!p0 $0x88, s6;
	s7 =	simm.s32 @p2 $0x1082  }
0x22: {  	[simem:s7], [sflag:s8] =	dma.local @!p0 [hbm:s6], $0xF7A  }
0x23: {  	s9 =	sor.u32 $0xD0000000, s2;
	s6 =	simm.s32 $0x108;
	_ =	swait.ge @!p0 [sflag:s8], $0x0  }
0x24: {  	s3 =	sadd.s32 $0x88, s3;
	s6 =	simm.s32 @!p1 $0x1082;
	[sflag:s4] =	ssyncset.s32 $0xFFFFF086  }
0x25: {  	[simem:s6], [sflag:s4] =	dma.local [hbm:s3], $0xF7A  }
0x26: {  	[smem:$0x3F8F] =	sst s1;
	(tag) =	ssettag s2;
	_ =	strace s9  }
0x27: {  	s1 =	sld [smem:$0x3F9F]  }
0x28: {  	s2 =	sld [smem:$0x3FA0]  }
0x29: {  	s4 =	sld [smem:$0x3FA2]  }
0x2a: {  	p0 =	seq.s32 s5, $0x0;
	s5 =	sld [smem:$0x3FA3]  }
0x2b: {  	s6 =	sld [smem:$0x3FA4]  }
0x2c: {  	s7 =	sld [smem:$0x3FA5]  }
0x2d: {  	s3 =	simm.s32 $0x108;
	s8 =	sld [smem:$0x3FA6]  }
0x2e: {  	s3 =	simm.s32 @!p0 $0x1082;
	s9 =	sld [smem:$0x3FA7]  }
0x2f: {  	lr =	sadd.s32 s0, s3;
	s0 =	sld [smem:$0x3F9E]  }
0x30: {  	s3 =	sld [smem:$0x3FA1]  }
0x31: {  	[smem:$0x3FAA] =	sst s10  }
0x32: {  	s10 =	sld [smem:$0x3FA8];
	_ =	sdelay $0x3  }
0x33: {  	p0 =	seq.s32 s10, $0x1;
	s10 =	sld [smem:$0x3FAA];
	_ =	sdelay $0x3  }
0x34: {  	[smem:$0x3FAA] =	sst s10  }
0x35: {  	s10 =	sld [smem:$0x3FA9];
	_ =	sdelay $0x3  }
0x36: {  	p1 =	seq.s32 s10, $0x1;
	s10 =	sld [smem:$0x3FAA];
	_ =	sdelay $0x3  }
0x37: {  	[smem:$0x3FAA] =	sst s10  }
0x38: {  	s10 =	sld [smem:$0x3FAB]  }
0x39: {  	_ = 	snop;
	(pc) =	sbr.ind lr, $3  }
0x3a: {  	_ = 	snop  }
0x3b: {  	_ = 	snop  }
0x3c: {  	p2 =	seq.s32 s10, $0x1;
	s10 =	sld [smem:$0x3FAA]  }
0x3d: {  	_ =	shalt  }
0x3e: {  	_ =	shalt  }
0x3f: {  	_ =	shalt  }
0x40: {  	_ =	shalt  }
0x41: {  	_ =	shalt  }
0x42: {  	_ =	shalt  }
0x43: {  	_ =	shalt  }
0x44: {  	_ =	shalt  }
0x45: {  	_ =	shalt  }
0x46: {  	_ =	shalt  }
0x47: {  	_ =	shalt  }
0x48: {  	_ =	shalt  }
0x49: {  	_ =	shalt  }
0x4a: {  	_ =	shalt  }
0x4b: {  	_ =	shalt  }
0x4c: {  	_ =	shalt  }
0x4d: {  	_ =	shalt  }
0x4e: {  	_ =	shalt  }
0x4f: {  	_ =	shalt  }
0x50: {  	_ =	shalt  }
0x51: {  	_ =	shalt  }
0x52: {  	_ =	shalt  }
0x53: {  	_ =	shalt  }
0x54: {  	_ =	shalt  }
0x55: {  	_ =	shalt  }
0x56: {  	_ =	shalt  }
0x57: {  	_ =	shalt  }
0x58: {  	_ =	shalt  }
0x59: {  	_ =	shalt  }
0x5a: {  	_ =	shalt  }
0x5b: {  	_ =	shalt  }
0x5c: {  	_ =	shalt  }
0x5d: {  	_ =	shalt  }
0x5e: {  	_ =	shalt  }
0x5f: {  	_ =	shalt  }
0x60: {  	_ =	shalt  }
0x61: {  	_ =	shalt  }
0x62: {  	_ =	shalt  }
0x63: {  	_ =	shalt  }
0x64: {  	_ =	shalt  }
0x65: {  	_ =	shalt  }
0x66: {  	_ =	shalt  }
0x67: {  	_ =	shalt  }
0x68: {  	_ =	shalt  }
0x69: {  	_ =	shalt  }
0x6a: {  	_ =	shalt  }
0x6b: {  	_ =	shalt  }
0x6c: {  	_ =	shalt  }
0x6d: {  	_ =	shalt  }
0x6e: {  	_ =	shalt  }
0x6f: {  	_ =	shalt  }
0x70: {  	_ =	shalt  }
0x71: {  	_ =	shalt  }
0x72: {  	_ =	shalt  }
0x73: {  	_ =	shalt  }
0x74: {  	_ =	shalt  }
0x75: {  	_ =	shalt  }
0x76: {  	_ =	shalt  }
0x77: {  	_ =	shalt  }
0x78: {  	_ =	shalt  }
0x79: {  	_ =	shalt  }
0x7a: {  	_ =	shalt  }
0x7b: {  	_ =	shalt  }
0x7c: {  	_ =	shalt  }
0x7d: {  	_ =	shalt  }
0x7e: {  	_ =	shalt  }
0x7f: {  	_ =	shalt  }
0x80: {  	_ =	shalt  }
0x81: {  	_ =	shalt  }
0x82: {  	_ =	shalt  }
0x83: {  	_ =	shalt  }
0x84: {  	_ =	shalt  }
0x85: {  	_ =	shalt  }
0x86: {  	_ =	shalt  }
0x87: {  	_ =	shalt  }
.Lfunc_end0:
.L_simem_size_0:
called_computation.3_lowered:
.L_overlay_start_0:
0x88: {  	s2 =	sld [smem:$0x3FD9]  }
0x89: {  	s3 =	sld [smem:$0x3FFE];
	_ =	sdelay $0x1  }
0x8a: {  	s1 =	srdreg.scid  }
0x8b: {  	s0 =	sand.u32 $0x1, s1  }
0x8c: {  	s14 =	sshll.u32 s0, $0xA;
	s2 =	sadd.s32 s3, s2  }
0x8d: {  	s2 =	sadd.s32 s2, s14  }
0x8e: {  	[smem:$0x3FB6] =	sst s2  }
0x8f: {  	_ = 	snop  }
0x90: {  	s2 =	sld [smem:$0x3FD0];
	_ =	sdelay $0x2  }
0x91: {  	s15 =	simm.s32 $0xB;
	s4 =	simm.s32 $0x10  }
0x92: {  	[smem:s4], [sflag:s15] =	dma.local [hbm:s2], $0x1  }
0x93: {  	_ =	swait.eq [sflag:s15], $0x1  }
0x94: {  	[sflag:s15] =	ssyncset.done $0x0  }
0x95: {  	s16 =	sld [smem:$0x10];
	[sflag:s15] =	ssyncadd.s32 $0xFFFFFFFF  }
0x96: {  	s17 =	sld [smem:$0x11];
	(tm) =	ssettm $0x1  }
0x97: {  	s18 =	sld [smem:$0x3FFB];
	_ =	sdelay $0x3  }
0x98: {  	_ =	strace s18  }
0x99: {  	s4 =	sld [smem:$0x3FFC];
	_ =	sdelay $0x3  }
0x9a: {  	_ =	strace s4  }
0x9b: {  	s4 =	sld [smem:$0x3FFD];
	_ =	sdelay $0x3  }
0x9c: {  	_ =	strace s4  }
0x9d: {  	_ =	strace $0x8FFFFFFF  }
0x9e: {  	s19 =	sld [smem:$0x3FDB];
	_ =	sdelay $0x1  }
0x9f: {  	s5 =	simm.s32 $_scs_section_size  }
0xa0: {  	s6 =	simm.s32 $_size__tile_overlayer_lowered;
	s7 =	simm.s32 $_tile_overlayer_lowered  }
0xa1: {  	s22 =	simm.s32 $0x1BFF;
	s21 =	sshll.u32 s7, $0x1;
	s4 =	sadd.s32 s5, s19  }
0xa2: {  	s8 =	simm.s32 $0x0;
	s20 =	sshll.u32 s6, $0x1;
	s6 =	sadd.s32 s21, s4  }
0xa3: {  	[timem:s8], [sflag:s22] =	dma.local [hbm:s6], s20  }
0xa4: {  	_ =	swait.ge [sflag:s22], s20  }
0xa5: {  	s5 =	ssub.s32 $0x0, s20;
	[sflag:s22] =	ssyncset.done $0x0  }
0xa6: {  	[sflag:s22] =	ssyncadd.s32 s5;
	_ =	sdelay $0x1  }
0xa7: {  	s23 =	simm.s32 $0x1B8B  }
0xa8: {  	_ =	swait.ge [sflag:s23], $0x1  }
0xa9: {  	[sflag:s23] =	ssyncset.done $0x0  }
0xaa: {  	s25 =	simm.s32 $0x1B8E;
	s24 =	sld [smem:$0x3FFE];
	[sflag:s23] =	ssyncadd.s32 $0xFFFFFFFF  }
0xab: {  	s26 =	simm.s32 $execute0_lowered;
	[smem:$0x3FD2] =	sst s25  }
0xac: {  	s6 =	sshll.u32 s26, $0x1;
	_ =	strace $0x8000004F;
	[dreg:$0x1] =	wrdreg $0xFFFFFFFF  }
0xad: {  	s28 =	simm.s32 $_size_execute0_lowered;
	s4 =	sadd.s32 s4, s6;
	[dreg:$0x0] =	wrdreg $0x0  }
0xae: {  	s6 =	sshll.u32 s28, $0x1;
	[dreg:$0x2] =	wrdreg s4  }
0xaf: {  	[dreg:$0x3] =	wrdreg s6  }
0xb0: {  	[dreg:$0x4] =	wrdreg $0xC0  }
0xb1: {  	_ =	task [dreg:s8], $0x5FFFF  }
0xb2: {  	[dreg:$0x1] =	wrdreg $0xFFFFFFFF  }
0xb3: {  	[dreg:$0x0] =	wrdreg $0x60  }
0xb4: {  	[dreg:$0x2] =	wrdreg s16  }
0xb5: {  	[dreg:$0x3] =	wrdreg s17  }
0xb6: {  	[dreg:$0x4] =	wrdreg s24  }
0xb7: {  	[dreg:$0x5] =	wrdreg $0x51000  }
0xb8: {  	[dreg:$0x6] =	wrdreg $0x9  }
0xb9: {  	_ =	task.clear_ibuf [dreg:s8], $0x7FFFF;
	_ =	strace $0x9000004F  }
0xba: {  	s29 =	simm.s32 $0x9;
	_ =	strace $0x80000051  }
0xbb: {  	_ =	swait.ge [sflag:s29], $0x1  }
0xbc: {  	[sflag:s29] =	ssyncadd.s32 $0xFFFFFFFF  }
0xbd: {  	_ =	strace $0x90000051  }
0xbe: {  	_ =	sfence  }
0xbf: {  	s30 =	sld [smem:$0x0];
	_ =	sdelay $0x2  }
0xc0: {  	s31 =	sshll.u32 s1, $0xD;
	s1 =	sshrl.u32 s1, $0x2  }
0xc1: {  	s3 =	sand.u32 $0x4000, s31;
	s1 =	sadd.s32 s1, s30  }
0xc2: {  	s0 =	sor.u32 s3, s0;
	s1 =	sshll.u32 s1, $0x11  }
0xc3: {  	s0 =	sor.u32 s1, s0  }
0xc4: {  	s0 =	sadd.s32 $0x8F2B, s0  }
0xc5: {  	[sflag:s0] =	ssyncadd.remote.s32 $0x1  }
0xc6: {  	_ =	sfence.sel $0xFFFF  }
0xc7: {  	[dreg:$0x0] =	wrdreg $0xFFFFFFFF;
	(pc) =	sbr.abs _section_cstart, $3  }
0xc8: {  	[dreg:$0x1] =	wrdreg $0xFFFFFFFF  }
0xc9: {  	_ =	task.clear_ibuf [dreg:s8], $0x2FFFF;
	_ =	strace $0x9FFFFFFF  }
0xca: {  	(tm) =	ssettm $0x7FFFFFFF  }
0xcb: {  	_ =	shalt  }
tec
execute0_lowered:
.L_overlay_start_1:
0x0: {  	(tag) =	ssettag $0x1  }
0x1: {  	s10 =	rddreg [dreg:$0x0]  }
0x2: {  	s12 =	rddreg [dreg:$0x1]  }
0x3: {  	s5 =	rddreg [dreg:$0x2]  }
0x4: {  	s2 =	rddreg [dreg:$0x3]  }
0x5: {  	s0 =	rddreg [dreg:$0x4];
	s1 =	stileid.u32  }
0x6: {  	s4 =	srdreg.scid;
	s6 =	smul.u32 $0x2800, s1  }
0x7: {  	s3 =	simm.s32 $0x0;
	s18 =	simm.s32 $0x1;
	s8 =	smul.u32 $0x50000, s1  }
0x8: {  	s19 =	simm.s32 $0x50;
	s9 =	sand.u32 $0x1, s4;
	s15 =	smul.u32 $0x4E20, s1  }
0x9: {  	[smem:$0x7FF] =	sst s3;
	s4 =	sadd.s32 $0x4E8200, s5;
	s17 =	smul.u32 $0x4E200, s1  }
0xa: {  	s20 =	sshll.u32 s1, $0x1;
	s24 =	sshll.u32 s1, $0x6;
	s7 =	smul.u32 $0x28000, s9  }
0xb: {  	_ =	strace $0x80000050;
	s21 =	ssub.s32 $0x2, s9;
	s16 =	smul.u32 $0x2710, s9  }
0xc: {  	s22 =	sor.u32 s9, s20;
	s28 =	smul.u32 $0x27100, s9;
	s20 =	simm.s32 $0x2  }
0xd: {  	s23 =	sshrl.u32 s21, $0x1;
	s8 =	sshrl.u32 s8, $0x2;
	s6 =	sadd.s32 s6, s7  }
0xe: {  	s13 =	ssub.s32 s21, s23;
	s14 =	sadd.s32 s8, s2;
	s15 =	sadd.s32 s16, s15  }
0xf: {  	s16 =	simm.s32 $0x2900;
	s21 =	simm.s32 $0x0;
	s11 =	sadd.s32 s6, s5  }
0x10: {  	s6 =	smul.u32 $0x2710, s22;
	s5 =	sor.u32 $0x1C03, s24;
	s9 =	smax.u32 s13, $0x1  }
0x11: {  	s29 =	sadd.s32 $0x50, s15;
	s31 =	sshrl.u32 s15, $0x3;
	s13 =	sshrl.u32 s14, $0x3  }
0x12: {  	s14 =	simm.s32 $0x3;
	s15 =	simm.s32 $0x100;
	s6 =	sadd.s32 $0x26C0, s6  }
0x13: {  	s8 =	sadd.s32 $0x5800, s11;
	s30 =	sshrl.u32 s29, $0x3;
	s26 =	sshll.u32 s6, $0x4  }
0x14: {  	s25 =	sshrl.u32 s6, $0x3;
	s7 =	sadd.s32 s10, s26;
	s10 =	sadd.s32 s17, s10  }
0x15: {  	s11 =	sadd.s32 s30, s12;
	s6 =	sadd.s32 s12, s25;
	s10 =	sadd.s32 s28, s10  }
0x16: {  	s12 =	sadd.s32 s31, s12;
	s17 =	simm.s32 $0x80;
	s10 =	sadd.s32 $0x500, s10  }
.LBB2_1:
0x17: {  	[spmem:s13], [sflag:s5] =	dma.local [hbm:s4], $0x2800  }
0x18: {  	_ =	swait.ge [sflag:s14], $0x2800  }
0x19: {  	[sflag:s14] =	ssyncset.done $0x0  }
0x1a: {  	[sflag:s14] =	ssyncadd.s32 $0xFFFFD800  }
0x1b: {  	s22 =	sadd.s32 $0xFFFFFB00, s10;
	[bflag:$0x0] =	sbarrier.arrive $0xFFFF  }
0x1c: {  	[tilespmem:s15], [sflag:$0x1] =	stream.linear.gather [hbm4b:s22+s3], $0x2800, $0x38;
	[tilespmem:$0x19100] =	vst v63  }
0x1d: {  	s30 =	sadd.s32 $0x0, s12  }
0x1e: {  	[tilespmem:s3], [sflag:$0x3] =	stream.linear.gather [hbm4b:s30+s3], $0x50, $0x38;
	[tilespmem:$0x19100] =	vst v63  }
0x1f: {  	_ =	swait.ge [sflag:s14], $0x50  }
0x20: {  	[sflag:s14] =	ssyncset.done $0x0  }
0x21: {  	[sflag:s14] =	ssyncadd.s32 $0xFFFFFFB0  }
0x22: {  	[tilespmem:s16], [sflag:$0x2] =	stream.linear.gather [hbm4b:s10+s3], $0x2800, $0x38;
	[tilespmem:$0x19100] =	vst v63  }
0x23: {  	s31 =	sadd.s32 $0x0, s11  }
0x24: {  	[tilespmem:s17], [sflag:$0x3] =	stream.linear.gather [hbm4b:s31+s3], $0x50, $0x38;
	[tilespmem:$0x19100] =	vst v63  }
0x25: {  	_ =	swait.ge [sflag:s14], $0x50  }
0x26: {  	[sflag:s14] =	ssyncset.done $0x0  }
0x27: {  	[sflag:s14] =	ssyncadd.s32 $0xFFFFFFB0  }
0x28: {  	_ =	swait.ge [sflag:s18], $0x2800  }
0x29: {  	[sflag:s18] =	ssyncset.done $0x0  }
0x2a: {  	[sflag:s18] =	ssyncadd.s32 $0xFFFFD800  }
0x2b: {  	[spmem:s2] =	stream.indirect.scatter.add.f32 [tilespmem:s15], [sflag:$0x3], $0x80, s3, s19, $0xb8;
	[tilespmem:$0x19100] =	vst v63  }
0x2c: {  	_ =	swait.ge [sflag:s14], $0x2800  }
0x2d: {  	[sflag:s14] =	ssyncset.done $0x0  }
0x2e: {  	[sflag:s14] =	ssyncadd.s32 $0xFFFFD800  }
0x2f: {  	_ =	swait.ge [sflag:s20], $0x2800  }
0x30: {  	[sflag:s20] =	ssyncset.done $0x0  }
0x31: {  	[sflag:s20] =	ssyncadd.s32 $0xFFFFD800  }
0x32: {  	[spmem:s2] =	stream.indirect.scatter.add.f32 [tilespmem:s16], [sflag:$0x3], $0x80, s17, s19, $0xb8;
	[tilespmem:$0x19100] =	vst v63  }
0x33: {  	s24 =	simm.s32 $0x28;
	_ =	swait.ge [sflag:s14], $0x2800  }
0x34: {  	s23 =	sadd.s32 $0xA00, s10;
	s22 =	simm.s32 $0x14;
	[sflag:s14] =	ssyncset.done $0x0  }
.LBB2_2:
0x35: {  	p0 =	sne.s32 s24, $0x4C4;
	s25 =	sadd.s32 $0xFFFFFB00, s23;
	[sflag:s14] =	ssyncadd.s32 $0xFFFFD800  }
0x36: {  	[tilespmem:s15], [sflag:$0x1] =	stream.linear.gather [hbm4b:s25+s3], $0x2800, $0x38;
	[tilespmem:$0x19100] =	vst v63  }
0x37: {  	s26 =	smov.u32 s24;
	s24 =	sadd.s32 $0x14, s24;
	s25 =	sadd.s32 s22, s12  }
0x38: {  	[tilespmem:s3], [sflag:$0x3] =	stream.linear.gather [hbm4b:s25+s3], $0x50, $0x38;
	[tilespmem:$0x19100] =	vst v63  }
0x39: {  	_ =	swait.ge [sflag:s14], $0x50  }
0x3a: {  	[sflag:s14] =	ssyncset.done $0x0  }
0x3b: {  	[sflag:s14] =	ssyncadd.s32 $0xFFFFFFB0  }
0x3c: {  	[tilespmem:s16], [sflag:$0x2] =	stream.linear.gather [hbm4b:s23+s3], $0x2800, $0x38;
	[tilespmem:$0x19100] =	vst v63  }
0x3d: {  	s25 =	sadd.s32 s22, s11;
	s22 =	smov.u32 s26  }
0x3e: {  	[tilespmem:s17], [sflag:$0x3] =	stream.linear.gather [hbm4b:s25+s3], $0x50, $0x38;
	[tilespmem:$0x19100] =	vst v63  }
0x3f: {  	_ =	swait.ge [sflag:s14], $0x50  }
0x40: {  	[sflag:s14] =	ssyncset.done $0x0  }
0x41: {  	[sflag:s14] =	ssyncadd.s32 $0xFFFFFFB0  }
0x42: {  	_ =	swait.ge [sflag:s18], $0x2800  }
0x43: {  	[sflag:s18] =	ssyncset.done $0x0  }
0x44: {  	[sflag:s18] =	ssyncadd.s32 $0xFFFFD800  }
0x45: {  	[spmem:s2] =	stream.indirect.scatter.add.f32 [tilespmem:s15], [sflag:$0x3], $0x80, s3, s19, $0xb8;
	[tilespmem:$0x19100] =	vst v63  }
0x46: {  	_ =	swait.ge [sflag:s14], $0x2800  }
0x47: {  	[sflag:s14] =	ssyncset.done $0x0  }
0x48: {  	[sflag:s14] =	ssyncadd.s32 $0xFFFFD800  }
0x49: {  	_ =	swait.ge [sflag:s20], $0x2800  }
.Ltmp0:
0x4a: {  	[sflag:s20] =	ssyncset.done $0x0;
	(pc) =	sbr.rel @p0 .LBB2_2-.Ltmp0, $4  }
0x4b: {  	[sflag:s20] =	ssyncadd.s32 $0xFFFFD800  }
0x4c: {  	[spmem:s2] =	stream.indirect.scatter.add.f32 [tilespmem:s16], [sflag:$0x3], $0x80, s17, s19, $0xb8;
	[tilespmem:$0x19100] =	vst v63  }
0x4d: {  	_ =	swait.ge [sflag:s14], $0x2800  }
0x4e: {  	s23 =	sadd.s32 $0xA00, s23;
	[sflag:s14] =	ssyncset.done $0x0  }
0x4f: {  	s24 =	sadd.s32 $0xFFFFFB00, s23;
	[sflag:s14] =	ssyncadd.s32 $0xFFFFD800  }
0x50: {  	[tilespmem:s15], [sflag:$0x1] =	stream.linear.gather [hbm4b:s24+s3], $0x2800, $0x38;
	[tilespmem:$0x19100] =	vst v63  }
0x51: {  	s30 =	sadd.s32 s22, s12  }
0x52: {  	[tilespmem:s3], [sflag:$0x3] =	stream.linear.gather [hbm4b:s30+s3], $0x50, $0x38;
	[tilespmem:$0x19100] =	vst v63  }
0x53: {  	_ =	swait.ge [sflag:s14], $0x50  }
0x54: {  	[sflag:s14] =	ssyncset.done $0x0  }
0x55: {  	[sflag:s14] =	ssyncadd.s32 $0xFFFFFFB0  }
0x56: {  	[tilespmem:s16], [sflag:$0x2] =	stream.linear.gather [hbm4b:s23+s3], $0x2800, $0x38;
	[tilespmem:$0x19100] =	vst v63  }
0x57: {  	s31 =	sadd.s32 s22, s11  }
0x58: {  	[tilespmem:s17], [sflag:$0x3] =	stream.linear.gather [hbm4b:s31+s3], $0x50, $0x38;
	[tilespmem:$0x19100] =	vst v63  }
0x59: {  	_ =	swait.ge [sflag:s14], $0x50  }
0x5a: {  	[sflag:s14] =	ssyncset.done $0x0  }
0x5b: {  	[sflag:s14] =	ssyncadd.s32 $0xFFFFFFB0  }
0x5c: {  	_ =	swait.ge [sflag:s18], $0x2800  }
0x5d: {  	[sflag:s18] =	ssyncset.done $0x0  }
0x5e: {  	[sflag:s18] =	ssyncadd.s32 $0xFFFFD800  }
0x5f: {  	[spmem:s2] =	stream.indirect.scatter.add.f32 [tilespmem:s15], [sflag:$0x3], $0x80, s3, s19, $0xb8;
	[tilespmem:$0x19100] =	vst v63  }
0x60: {  	_ =	swait.ge [sflag:s14], $0x2800  }
0x61: {  	[sflag:s14] =	ssyncset.done $0x0  }
0x62: {  	[sflag:s14] =	ssyncadd.s32 $0xFFFFD800  }
0x63: {  	_ =	swait.ge [sflag:s20], $0x2800  }
0x64: {  	[sflag:s20] =	ssyncset.done $0x0  }
0x65: {  	[sflag:s20] =	ssyncadd.s32 $0xFFFFD800  }
0x66: {  	[spmem:s2] =	stream.indirect.scatter.add.f32 [tilespmem:s16], [sflag:$0x3], $0x80, s17, s19, $0xb8;
	[tilespmem:$0x19100] =	vst v63  }
0x67: {  	_ =	swait.ge [sflag:s14], $0x2800  }
0x68: {  	[sflag:s14] =	ssyncset.done $0x0  }
0x69: {  	[sflag:s14] =	ssyncadd.s32 $0xFFFFD800  }
0x6a: {  	[tilespmem:s3], [sflag:$0x3] =	stream.linear.gather [hbm4b:s6+s3], $0x50, $0x38;
	[tilespmem:$0x19100] =	vst v63  }
0x6b: {  	_ =	swait.ge [sflag:s14], $0x50  }
0x6c: {  	[sflag:s14] =	ssyncset.done $0x0  }
0x6d: {  	[sflag:s14] =	ssyncadd.s32 $0xFFFFFFB0  }
0x6e: {  	[tilespmem:s15], [sflag:$0x3] =	stream.linear.gather [hbm4b:s7+s3], $0x2800, $0x38;
	[tilespmem:$0x19100] =	vst v63  }
0x6f: {  	_ =	swait.ge [sflag:s14], $0x2800  }
0x70: {  	[sflag:s14] =	ssyncset.done $0x0  }
0x71: {  	[sflag:s14] =	ssyncadd.s32 $0xFFFFD800  }
0x72: {  	[spmem:s2] =	stream.indirect.scatter.add.f32 [tilespmem:s15], [sflag:$0x3], $0x80, s3, s19, $0xb8;
	[tilespmem:$0x19100] =	vst v63  }
0x73: {  	_ =	swait.ge [sflag:s14], $0x2800  }
0x74: {  	s21 =	sadd.s32 $0x1, s21;
	[sflag:s14] =	ssyncset.done $0x0  }
0x75: {  	p0 =	sne.s32 s21, s9;
	[sflag:s14] =	ssyncadd.s32 $0xFFFFD800  }
.Ltmp1:
0x76: {  	[bflag:$0x0] =	sbarrier.arrive $0xFFFF;
	(pc) =	sbr.rel @p0 .LBB2_1-.Ltmp1, $4  }
0x77: {  	[hbm:s8], [sflag:s5] =	dma.local [spmem:s13], $0x2800  }
0x78: {  	_ =	swait.ge [sflag:s14], $0x2800  }
0x79: {  	[sflag:s14] =	ssyncset.done $0x0  }
0x7a: {  	[sflag:s14] =	ssyncadd.s32 $0xFFFFD800  }
0x7b: {  	_ =	sfence.sel $0x180000  }
0x7c: {  	[bflag:$0x0] =	sbarrier.arrive $0xFFFF  }
0x7d: {  	p0 =	sne.s32 s1, $0x0;
	_ =	strace $0x90000050  }
0x7e: {  	s0 =	sadd.s32 @!p0 $0x100000, s0;
	[bflag:$0x2] =	sbarrier.arrive $0xFFFF  }
0x7f: {  	[sflag:s0] =	ssyncadd.tile.s32 @!p0 $0x1;
	_ =	shalt  }
.Lfunc_end2:
_tile_overlayer_lowered:
.L_overlay_start_2:
0x80: {  	(tag) =	ssettag $0x2  }
0x81: {  	s0 =	rddreg [dreg:$0x0];
	s2 =	stileid.u32  }
0x82: {  	s1 =	rddreg [dreg:$0x1];
	p0 =	sne.s32 s2, $0x0  }
0x83: {  	s3 =	rddreg [dreg:$0x2];
	[bflag:$0x3] =	sbarrier.arrive $0xFFFF;
	s2 =	simm.s32 @!p0 $0x1C03  }
0x84: {  	[timem:s3], [sflag:s2] =	dma.local @!p0 [hbm:s0], s1  }
0x85: {  	s0 =	simm.s32 @!p0 $0x3  }
0x86: {  	_ =	swait.ge @!p0 [sflag:s0], s1  }
0x87: {  	s1 =	ssub.s32 @!p0 $0x0, s1;
	[sflag:s0] =	ssyncset.done @!p0 $0x0  }
0x88: {  	[sflag:s0] =	ssyncadd.s32 @!p0 s1  }
0x89: {  	[bflag:$0x3] =	sbarrier.arrive $0xFFFF  }
0x8a: {  	_ =	shalt  }

</sc_bundles>
